<compile_context>
chip_gen: v7x
topology: tpu7x:2x2x1
jax: 0.10.2.dev20260603
libtpu: 0.0.44.dev20260713+nightly
codegen_flags: <defaults>
</compile_context>

<pallas_src>
import functools

import jax
import jax.numpy as jnp
from jax import lax
from jax.experimental import pallas as pl
from jax.experimental.pallas import tpu as pltpu
from jax.experimental.pallas import tpu_sc as plsc

_N = 10000
_G = 8
_NC = 2
_NS = 16
_NW = _NC * _NS
_CH = 320
_NPAD = _N + 16
_CSC = _CH + 16 * (_G + 1) + 16
_MARGIN = 0.1
_NEG = -1e30


def _vgather(vec, idx):
    return lax.gather(
        vec, idx[:, None],
        lax.GatherDimensionNumbers(
            offset_dims=(), collapsed_slice_dims=(0,), start_index_map=(0,)),
        (1,), mode=lax.GatherScatterMode.PROMISE_IN_BOUNDS)


def _prefix_and_inverse(s, iot):
    p = s
    for k in (1, 2, 4, 8):
        sh = _vgather(p, jnp.maximum(iot - k, 0))
        p = p + jnp.where(iot >= k, sh, 0)
    lo2 = jnp.zeros((16,), jnp.int32)
    for step in (8, 4, 2, 1):
        mid = lo2 + step
        pm = _vgather(p, mid - 1)
        lo2 = jnp.where(pm <= iot, mid, lo2)
    return p, lo2


def _tree_sum(vs):
    while len(vs) > 1:
        vs = [vs[i] + vs[i + 1] for i in range(0, len(vs) - 1, 2)] + (
            [vs[-1]] if len(vs) % 2 else [])
    return vs[0]


def _sc_body(r_hbm, lab_hbm, bat_hbm, part_hbm,
             r_v, lab_v, bat_v, bnd_v, csc_v, rst_v, jsc_v, jst_v, out_v):
    wid = lax.axis_index("s") * _NC + lax.axis_index("c")
    iot = lax.iota(jnp.int32, 16)
    zero16 = jnp.zeros((16,), jnp.float32)

    pltpu.sync_copy(r_hbm, r_v.at[pl.ds(0, _N)])
    pltpu.sync_copy(lab_hbm, lab_v.at[pl.ds(0, _N)])
    pltpu.sync_copy(bat_hbm, bat_v.at[pl.ds(0, _N)])

    starts = [jnp.int32(0)]
    for g in range(1, _G):
        def bstep(_, lohi, g=g):
            lo, hi = lohi
            mid = (lo + hi) // 2
            pred = bat_v[pl.ds(mid, 16)][0] < g
            return (jnp.where(pred, mid + 1, lo), jnp.where(pred, hi, mid))
        lo, _hi = lax.fori_loop(0, 14, bstep, (jnp.int32(0), jnp.int32(_N)))
        starts.append(lo)
    starts.append(jnp.int32(_N))

    base_i = wid * _CH

    bnd = jnp.where(iot == _G, _N, 0).astype(jnp.int32)
    for g in range(1, _G):
        bnd = bnd + jnp.where(iot == g, starts[g], 0)
    bnd_v[pl.ds(0, 16)] = bnd
    bnd_v[pl.ds(16, 16)] = jnp.zeros((16,), jnp.int32)

    def gc_step(g, carry):
        off, rstart_vec, cnt_vec = carry
        st = bnd_v[pl.ds(g, 16)][0]
        en = bnd_v[pl.ds(g + 1, 16)][0]
        rlo = jnp.maximum(base_i, st)
        rhi = jnp.minimum(base_i + _CH, en)
        nfb = jnp.maximum(0, (rhi - rlo + 15) // 16)

        def comp_step(fb, off2):
            rbase = rlo + fb * 16
            rowjv = rbase + iot
            lv = lab_v[pl.ds(rbase, 16)]
            lv = jnp.where(rowjv < rhi, lv, 0)
            s = jnp.where(lv > 0, 1, 0)
            p, lo2 = _prefix_and_inverse(s, iot)
            c0 = _MARGIN - r_v[pl.ds(rbase, 16)]
            csc_v[pl.ds(off2, 16)] = _vgather(c0, lo2)
            return off2 + p[15]

        off_end = lax.fori_loop(0, nfb, comp_step, off)
        rstart_vec = jnp.where(iot == g, off, rstart_vec)
        cnt_vec = jnp.where(iot == g, off_end - off, cnt_vec)
        csc_v[pl.ds(off_end, 16)] = jnp.full((16,), _NEG, jnp.float32)
        return (off_end + 16, rstart_vec, cnt_vec)

    zero16i = jnp.zeros((16,), jnp.int32)
    _off, rstart_vec, cnt_vec = lax.fori_loop(
        0, _G, gc_step, (jnp.int32(0), zero16i, zero16i))
    rst_v[pl.ds(0, 16)] = rstart_vec
    rst_v[pl.ds(16, 16)] = cnt_vec
    rst_v[pl.ds(32, 16)] = zero16i
    out_v[pl.ds(128, 16)] = cnt_vec.astype(jnp.float32)

    def jc_step(g, carry):
        joff, jst_vec, jcnt_vec = carry
        st = bnd_v[pl.ds(g, 16)][0]
        en = bnd_v[pl.ds(g + 1, 16)][0]
        rcnt = rst_v[pl.ds(16 + g, 16)][0]
        a0 = st // 16
        nb = jnp.where(rcnt > 0, (en + 15) // 16 - a0, 0)

        def jcomp_step(bi, off2):
            base = (a0 + bi) * 16
            jv = base + iot
            lv = lab_v[pl.ds(base, 16)]
            lv = jnp.where(jv >= st, lv, 1)
            lv = jnp.where(jv < en, lv, 1)
            s = jnp.where(lv == 0, 1, 0)
            p, lo2 = _prefix_and_inverse(s, iot)
            vals = r_v[pl.ds(base, 16)]
            jsc_v[pl.ds(off2, 16)] = _vgather(vals, lo2)
            return off2 + p[15]

        joff_end = lax.fori_loop(0, nb, jcomp_step, joff)
        jst_vec = jnp.where(iot == g, joff, jst_vec)
        jcnt_vec = jnp.where(iot == g, joff_end - joff, jcnt_vec)
        jsc_v[pl.ds(joff_end, 16)] = jnp.full((16,), _NEG, jnp.float32)
        return (joff_end + 16, jst_vec, jcnt_vec)

    _joff, jst_vec, jcnt_vec = lax.fori_loop(
        0, _G, jc_step, (jnp.int32(0), zero16i, zero16i))
    jst_v[pl.ds(0, 16)] = jst_vec
    jst_v[pl.ds(16, 16)] = jcnt_vec
    jst_v[pl.ds(32, 16)] = zero16i

    def g_step(g, _):
        rstart = rst_v[pl.ds(g, 16)][0]
        rcnt = rst_v[pl.ds(16 + g, 16)][0]
        jstart = jst_v[pl.ds(g, 16)][0]
        jcnt = jst_v[pl.ds(16 + g, 16)][0]
        nrb = (rcnt + 15) // 16
        njb = (jcnt + 15) // 16

        def rb_step(rb, nacc):
            c0 = csc_v[pl.ds(rstart + rb * 16, 16)]
            c0b = [c0[k] + zero16 for k in range(16)]

            def jstep2(k, accs):
                b1 = jsc_v[pl.ds(jstart + k * 32, 16)]
                b2 = jsc_v[pl.ds(jstart + k * 32 + 16, 16)]
                accs = tuple(accs[k2] + jnp.maximum(b1 + c0b[k2], 0.0)
                             for k2 in range(16))
                return tuple(accs[k2] + jnp.maximum(b2 + c0b[k2], 0.0)
                             for k2 in range(16))

            def jtail(t, accs):
                b = jsc_v[pl.ds(jstart + (njb - 1) * 16, 16)]
                return tuple(accs[k2] + jnp.maximum(b + c0b[k2], 0.0)
                             for k2 in range(16))

            accs = lax.fori_loop(0, njb // 2, jstep2, (zero16,) * 16)
            accs = lax.fori_loop(0, njb % 2, jtail, accs)
            return nacc + _tree_sum(list(accs))

        nv = lax.fori_loop(0, nrb, rb_step, zero16)
        out_v[pl.ds(g * 16, 16)] = nv
        return 0

    lax.fori_loop(0, _G, g_step, 0)

    pltpu.sync_copy(out_v, part_hbm.at[wid])


_sc_kernel = functools.partial(
    pl.kernel,
    out_type=jax.ShapeDtypeStruct((_NW, 144), jnp.float32),
    mesh=plsc.VectorSubcoreMesh(
        core_axis_name="c", subcore_axis_name="s",
        num_cores=_NC, num_subcores=_NS),
    scratch_types=[
        pltpu.VMEM((_NPAD,), jnp.float32),
        pltpu.VMEM((_NPAD,), jnp.int32),
        pltpu.VMEM((_NPAD,), jnp.int32),
        pltpu.VMEM((32,), jnp.int32),
        pltpu.VMEM((_CSC,), jnp.float32),
        pltpu.VMEM((48,), jnp.int32),
        pltpu.VMEM((_N + 16 * (_G + 1) + 16,), jnp.float32),
        pltpu.VMEM((48,), jnp.int32),
        pltpu.VMEM((144,), jnp.float32),
    ],
)(_sc_body)


def _combine_body(part_ref, bat_ref, r_ref, o_ref, out_ref):
    p = part_ref[...]
    b = bat_ref[...]
    d = r_ref[...] - o_ref[...]
    asum = jnp.sum(d * d)
    rsum = jnp.sum(jnp.abs(d))
    rank_num = jnp.float32(0.0)
    rank_den = jnp.float32(0.0)
    for g in range(_G):
        num_g = jnp.sum(p[:, g * 16:(g + 1) * 16])
        gold_g = jnp.sum(p[:, 128 + g:129 + g])
        size_g = jnp.sum((b == g).astype(jnp.float32))
        cnt = gold_g * (size_g - gold_g)
        lg = jnp.where(cnt > 0, num_g / jnp.maximum(cnt, 1.0), 0.0)
        rank_num = rank_num + lg
        rank_den = rank_den + jnp.where(cnt > 0, 1.0, 0.0)
    rank = jnp.where(rank_den > 0, rank_num / jnp.maximum(rank_den, 1.0), 0.0)
    align = asum / _N
    reg = rsum / _N
    total = rank + 0.5 * align + 0.1 * reg
    ri = lax.broadcasted_iota(jnp.int32, (8, 128), 0)
    li = lax.broadcasted_iota(jnp.int32, (8, 128), 1)
    vals = (jnp.where(li == 0, total, 0.0) + jnp.where(li == 1, rank, 0.0)
            + jnp.where(li == 2, align, 0.0) + jnp.where(li == 3, reg, 0.0))
    out_ref[...] = jnp.where(ri == 0, vals, 0.0)


def _combine(part, bat_pad, r_pad, o_pad):
    return pl.pallas_call(
        _combine_body,
        out_shape=jax.ShapeDtypeStruct((8, 128), jnp.float32),
    )(part, bat_pad, r_pad, o_pad)


def kernel(refined_scores, original_scores, node_labels, batch):
    r = refined_scores.astype(jnp.float32)
    o = original_scores.astype(jnp.float32)
    lab = node_labels.astype(jnp.int32)
    bat = batch.astype(jnp.int32)
    part = _sc_kernel(r, lab, bat)
    pad = _NW * _CH - _N
    bat_pad = jnp.pad(bat, (0, pad), constant_values=_G).reshape(80, 128)
    r_pad = jnp.pad(r, (0, pad)).reshape(80, 128)
    o_pad = jnp.pad(o, (0, pad)).reshape(80, 128)
    res = _combine(part, bat_pad, r_pad, o_pad)
    return (res[0, 0], res[0, 1], res[0, 2], res[0, 3])

# --- scband reference (transcript-rebuilt; emitter-appended) ---
"""Pipeline reference for scband-graph-reranker-loss-21251498180625 (READ-ONLY COPY).

The authoritative reference and input builder live on the scoring server;
editing this copy changes nothing except your own understanding.
"""

import jax, jax.numpy as jnp
import numpy as np

N = 10000
G = 8


def setup_inputs(seed: int = 0) -> dict:
    key = jax.random.key(seed)
    k1, k2, k3, k4 = jax.random.split(key, 4)
    refined_scores = jax.random.normal(k1, (N,), dtype=jnp.float32)
    original_scores = jax.random.normal(k2, (N,), dtype=jnp.float32)
    node_labels = jax.random.randint(k3, (N,), 0, 2)
    batch = jnp.sort(jax.random.randint(k4, (N,), 0, G))
    return {
        "refined_scores": refined_scores,
        "original_scores": original_scores,
        "node_labels": node_labels,
        "batch": batch,
    }


def reference(refined_scores, original_scores, node_labels, batch):
    # Faithful vectorized translation of GraphRerankerLoss.forward.
    # Original loops over graphs g, takes gold/non-gold score subsets, and
    # averages relu(margin - (gold_i - nongold_j)) over all pairs; graphs with
    # no gold or no non-gold nodes are skipped. Here we compute the identical
    # quantity with masks + segment sums (pair count per graph = n_gold*n_nongold,
    # which is 0 exactly when the original would skip the graph).
    alpha_rank = 1.0
    alpha_align = 0.5
    alpha_reg = 0.1
    margin = 0.1
    n_graphs = G  # batch values are drawn from [0, G)

    gold = node_labels > 0.5
    nongold = jnp.logical_not(gold)

    diffs = refined_scores[:, None] - refined_scores[None, :]  # s_i - s_j
    P = jnp.maximum(margin - diffs, 0.0)  # hinge over all ordered pairs
    same = batch[:, None] == batch[None, :]
    W = (same & gold[:, None] & nongold[None, :]).astype(jnp.float32)

    row_num = jnp.sum(P * W, axis=1)  # per gold-node sum of hinge over its graph's non-gold
    row_cnt = jnp.sum(W, axis=1)      # per gold-node count of non-gold partners
    num_g = jax.ops.segment_sum(row_num, batch, num_segments=n_graphs)
    cnt_g = jax.ops.segment_sum(row_cnt, batch, num_segments=n_graphs)

    valid = (cnt_g > 0).astype(jnp.float32)
    loss_g = jnp.where(cnt_g > 0, num_g / jnp.maximum(cnt_g, 1.0), 0.0)
    n_valid = valid.sum()
    rank_loss = jnp.where(n_valid > 0, loss_g.sum() / jnp.maximum(n_valid, 1.0), 0.0)

    adjustment = refined_scores - original_scores
    align_loss = jnp.mean(adjustment ** 2)
    reg_loss = jnp.mean(jnp.abs(adjustment))

    total = alpha_rank * rank_loss + alpha_align * align_loss + alpha_reg * reg_loss
    return (total, rank_loss, align_loss, reg_loss)

if __name__ == "__main__":
    import jax
    _d = setup_inputs()
    print(jax.jit(kernel)(*tuple(_d.values())))

</pallas_src>

<mosaic_0001>
#map = affine_map<(d0, d1) -> (0)>
#map1 = affine_map<(d0, d1) -> (0, 0)>
module attributes {stable_mosaic.version = 14 : i64} {
  func.func @_sc_body(%arg0: i32, %arg1: i32, %arg2: memref<10000xf32, #tpu.memory_space<hbm>>, %arg3: memref<10000xi32, #tpu.memory_space<hbm>>, %arg4: memref<10000xi32, #tpu.memory_space<hbm>>, %arg5: memref<32x144xf32, #tpu.memory_space<hbm>>, %arg6: memref<10016xf32, #tpu.memory_space<vmem>>, %arg7: memref<10016xi32, #tpu.memory_space<vmem>>, %arg8: memref<10016xi32, #tpu.memory_space<vmem>>, %arg9: memref<32xi32, #tpu.memory_space<vmem>>, %arg10: memref<480xf32, #tpu.memory_space<vmem>>, %arg11: memref<48xi32, #tpu.memory_space<vmem>>, %arg12: memref<10160xf32, #tpu.memory_space<vmem>>, %arg13: memref<48xi32, #tpu.memory_space<vmem>>, %arg14: memref<144xf32, #tpu.memory_space<vmem>>) attributes {dimension_semantics = [#tpu.dimension_semantics<core_parallel>, #tpu.dimension_semantics<subcore_parallel>], iteration_bounds = array<i64: 2, 16>, scalar_prefetch = 0 : i64, scratch_operands = 9 : i64, tpu.core_type = #tpu.core_type<sc_vector_subcore>, window_params = [{transform_indices = #map}, {transform_indices = #map}, {transform_indices = #map}, {transform_indices = #map1}]} {
    %mul3A = arith.constant 2 : i32
    %mul3A_0 = arith.muli %arg1, %mul3A : i32
    %add3A = arith.addi %mul3A_0, %arg0 : i32
    %iota3A = tpu.iota {dimensions = array<i32: 0>} : vector<16xi32>
    %broadcast_in_dim3A = arith.constant 0.000000e+00 : f32
    %broadcast_in_dim3A_1 = vector.broadcast %broadcast_in_dim3A : f32 to vector<16xf32>
    "tpu.region"() ({
      %run_scoped3A = tpu.sem_alloc : memref<!tpu.dma_semaphore, #tpu.memory_space<semaphore_mem>>
      %dma_start3A = arith.constant 0 : i32
      %dma_start3A_180 = tpu.memref_slice %arg6[%dma_start3A] : memref<10016xf32, #tpu.memory_space<vmem>> -> memref<10000xf32, #tpu.memory_space<vmem>>
      %dma_start3A_181 = arith.constant 0 : i32
      %dma_start3A_182 = tpu.memref_slice %arg6[%dma_start3A_181] : memref<10016xf32, #tpu.memory_space<vmem>> -> memref<10000xf32, #tpu.memory_space<vmem>>
      tpu.enqueue_dma source(%arg2 : memref<10000xf32, #tpu.memory_space<hbm>>) target(%dma_start3A_182 : memref<10000xf32, #tpu.memory_space<vmem>>) target_semaphore(%run_scoped3A : memref<!tpu.dma_semaphore, #tpu.memory_space<semaphore_mem>>)
      %dma_wait3A = arith.constant 0 : i32
      %dma_wait3A_183 = tpu.memref_slice %arg6[%dma_wait3A] : memref<10016xf32, #tpu.memory_space<vmem>> -> memref<10000xf32, #tpu.memory_space<vmem>>
      %dma_wait3A_184 = arith.constant 0 : i32
      %dma_wait3A_185 = tpu.memref_slice %arg6[%dma_wait3A_184] : memref<10016xf32, #tpu.memory_space<vmem>> -> memref<10000xf32, #tpu.memory_space<vmem>>
      tpu.wait_dma2 semaphore(%run_scoped3A : memref<!tpu.dma_semaphore, #tpu.memory_space<semaphore_mem>>) src(%arg2 : memref<10000xf32, #tpu.memory_space<hbm>>) dst(%dma_wait3A_185 : memref<10000xf32, #tpu.memory_space<vmem>>)
      tpu.yield
    }) : () -> ()
    "tpu.region"() ({
      %run_scoped3A = tpu.sem_alloc : memref<!tpu.dma_semaphore, #tpu.memory_space<semaphore_mem>>
      %dma_start3A = arith.constant 0 : i32
      %dma_start3A_180 = tpu.memref_slice %arg7[%dma_start3A] : memref<10016xi32, #tpu.memory_space<vmem>> -> memref<10000xi32, #tpu.memory_space<vmem>>
      %dma_start3A_181 = arith.constant 0 : i32
      %dma_start3A_182 = tpu.memref_slice %arg7[%dma_start3A_181] : memref<10016xi32, #tpu.memory_space<vmem>> -> memref<10000xi32, #tpu.memory_space<vmem>>
      tpu.enqueue_dma source(%arg3 : memref<10000xi32, #tpu.memory_space<hbm>>) target(%dma_start3A_182 : memref<10000xi32, #tpu.memory_space<vmem>>) target_semaphore(%run_scoped3A : memref<!tpu.dma_semaphore, #tpu.memory_space<semaphore_mem>>)
      %dma_wait3A = arith.constant 0 : i32
      %dma_wait3A_183 = tpu.memref_slice %arg7[%dma_wait3A] : memref<10016xi32, #tpu.memory_space<vmem>> -> memref<10000xi32, #tpu.memory_space<vmem>>
      %dma_wait3A_184 = arith.constant 0 : i32
      %dma_wait3A_185 = tpu.memref_slice %arg7[%dma_wait3A_184] : memref<10016xi32, #tpu.memory_space<vmem>> -> memref<10000xi32, #tpu.memory_space<vmem>>
      tpu.wait_dma2 semaphore(%run_scoped3A : memref<!tpu.dma_semaphore, #tpu.memory_space<semaphore_mem>>) src(%arg3 : memref<10000xi32, #tpu.memory_space<hbm>>) dst(%dma_wait3A_185 : memref<10000xi32, #tpu.memory_space<vmem>>)
      tpu.yield
    }) : () -> ()
    "tpu.region"() ({
      %run_scoped3A = tpu.sem_alloc : memref<!tpu.dma_semaphore, #tpu.memory_space<semaphore_mem>>
      %dma_start3A = arith.constant 0 : i32
      %dma_start3A_180 = tpu.memref_slice %arg8[%dma_start3A] : memref<10016xi32, #tpu.memory_space<vmem>> -> memref<10000xi32, #tpu.memory_space<vmem>>
      %dma_start3A_181 = arith.constant 0 : i32
      %dma_start3A_182 = tpu.memref_slice %arg8[%dma_start3A_181] : memref<10016xi32, #tpu.memory_space<vmem>> -> memref<10000xi32, #tpu.memory_space<vmem>>
      tpu.enqueue_dma source(%arg4 : memref<10000xi32, #tpu.memory_space<hbm>>) target(%dma_start3A_182 : memref<10000xi32, #tpu.memory_space<vmem>>) target_semaphore(%run_scoped3A : memref<!tpu.dma_semaphore, #tpu.memory_space<semaphore_mem>>)
      %dma_wait3A = arith.constant 0 : i32
      %dma_wait3A_183 = tpu.memref_slice %arg8[%dma_wait3A] : memref<10016xi32, #tpu.memory_space<vmem>> -> memref<10000xi32, #tpu.memory_space<vmem>>
      %dma_wait3A_184 = arith.constant 0 : i32
      %dma_wait3A_185 = tpu.memref_slice %arg8[%dma_wait3A_184] : memref<10016xi32, #tpu.memory_space<vmem>> -> memref<10000xi32, #tpu.memory_space<vmem>>
      tpu.wait_dma2 semaphore(%run_scoped3A : memref<!tpu.dma_semaphore, #tpu.memory_space<semaphore_mem>>) src(%arg4 : memref<10000xi32, #tpu.memory_space<hbm>>) dst(%dma_wait3A_185 : memref<10000xi32, #tpu.memory_space<vmem>>)
      tpu.yield
    }) : () -> ()
    %scan3A = arith.constant 0 : i32
    %scan3A_2 = arith.constant 10000 : i32
    %scan3A_3 = arith.constant 0 : i32
    %scan3A_4 = arith.constant 14 : i32
    %scan3A_5 = arith.addi %scan3A_3, %scan3A_4 : i32
    %scan3A_6 = arith.constant 1 : i32
    %scan3A_7:2 = scf.for %scan3A_180 = %scan3A_3 to %scan3A_5 step %scan3A_6 iter_args(%scan3A_181 = %scan3A, %scan3A_182 = %scan3A_2) -> (i32, i32)  : i32 {
      %add3A_183 = arith.addi %scan3A_181, %scan3A_182 : i32
      %jit3A_184 = arith.constant 2 : i32
      %div3A = arith.divsi %add3A_183, %jit3A_184 : i32
      %sign3A = arith.constant 0 : i32
      %sign3A_185 = arith.cmpi sgt, %add3A_183, %sign3A : i32
      %sign3A_186 = arith.extui %sign3A_185 : i1 to i32
      %sign3A_187 = arith.constant 0 : i32
      %sign3A_188 = arith.cmpi slt, %add3A_183, %sign3A_187 : i32
      %sign3A_189 = arith.extui %sign3A_188 : i1 to i32
      %sign3A_190 = arith.subi %sign3A_186, %sign3A_189 : i32
      %sign3A_191 = arith.constant 0 : i32
      %sign3A_192 = arith.cmpi sgt, %jit3A_184, %sign3A_191 : i32
      %sign3A_193 = arith.extui %sign3A_192 : i1 to i32
      %sign3A_194 = arith.constant 0 : i32
      %sign3A_195 = arith.cmpi slt, %jit3A_184, %sign3A_194 : i32
      %sign3A_196 = arith.extui %sign3A_195 : i1 to i32
      %sign3A_197 = arith.subi %sign3A_193, %sign3A_196 : i32
      %ne3A = arith.cmpi ne, %sign3A_190, %sign3A_197 : i32
      %rem3A = arith.remsi %add3A_183, %jit3A_184 : i32
      %ne3A_198 = arith.constant 0 : i32
      %ne3A_199 = arith.cmpi ne, %rem3A, %ne3A_198 : i32
      %and3A = arith.andi %ne3A, %ne3A_199 : i1
      %sub3A = arith.constant 1 : i32
      %sub3A_200 = arith.subi %div3A, %sub3A : i32
      %select_n3A_201 = arith.select %and3A, %sub3A_200, %div3A : i32
      %get3A = arith.index_cast %select_n3A_201 : i32 to index
      %get3A_202 = tpu.vector_load %arg8[%get3A] {strides = array<i32>} : memref<10016xi32, #tpu.memory_space<vmem>>, vector<16xi32>,
      %get3A_203 = vector.shape_cast %get3A_202 : vector<16xi32> to vector<16xi32>
      %slice3A = vector.extract_strided_slice %get3A_203 {offsets = [0], sizes = [1], strides = [1]} : vector<16xi32> to vector<1xi32>
      %squeeze3A = vector.extract %slice3A[0] : i32 from vector<1xi32>
      %lt3A = arith.constant 1 : i32
      %lt3A_204 = arith.cmpi slt, %squeeze3A, %lt3A : i32
      %add3A_205 = arith.constant 1 : i32
      %add3A_206 = arith.addi %select_n3A_201, %add3A_205 : i32
      %select_n3A_207 = arith.select %lt3A_204, %add3A_206, %scan3A_181 : i32
      %select_n3A_208 = arith.select %lt3A_204, %scan3A_182, %select_n3A_201 : i32
      scf.yield %select_n3A_207, %select_n3A_208 : i32, i32
    }
    %scan3A_8 = arith.constant 14 : i32
    %scan3A_9 = arith.constant 0 : i32
    %scan3A_10 = arith.constant 10000 : i32
    %scan3A_11 = arith.constant 0 : i32
    %scan3A_12 = arith.constant 14 : i32
    %scan3A_13 = arith.addi %scan3A_11, %scan3A_12 : i32
    %scan3A_14 = arith.constant 1 : i32
    %scan3A_15:2 = scf.for %scan3A_180 = %scan3A_11 to %scan3A_13 step %scan3A_14 iter_args(%scan3A_181 = %scan3A_9, %scan3A_182 = %scan3A_10) -> (i32, i32)  : i32 {
      %add3A_183 = arith.addi %scan3A_181, %scan3A_182 : i32
      %jit3A_184 = arith.constant 2 : i32
      %div3A = arith.divsi %add3A_183, %jit3A_184 : i32
      %sign3A = arith.constant 0 : i32
      %sign3A_185 = arith.cmpi sgt, %add3A_183, %sign3A : i32
      %sign3A_186 = arith.extui %sign3A_185 : i1 to i32
      %sign3A_187 = arith.constant 0 : i32
      %sign3A_188 = arith.cmpi slt, %add3A_183, %sign3A_187 : i32
      %sign3A_189 = arith.extui %sign3A_188 : i1 to i32
      %sign3A_190 = arith.subi %sign3A_186, %sign3A_189 : i32
      %sign3A_191 = arith.constant 0 : i32
      %sign3A_192 = arith.cmpi sgt, %jit3A_184, %sign3A_191 : i32
      %sign3A_193 = arith.extui %sign3A_192 : i1 to i32
      %sign3A_194 = arith.constant 0 : i32
      %sign3A_195 = arith.cmpi slt, %jit3A_184, %sign3A_194 : i32
      %sign3A_196 = arith.extui %sign3A_195 : i1 to i32
      %sign3A_197 = arith.subi %sign3A_193, %sign3A_196 : i32
      %ne3A = arith.cmpi ne, %sign3A_190, %sign3A_197 : i32
      %rem3A = arith.remsi %add3A_183, %jit3A_184 : i32
      %ne3A_198 = arith.constant 0 : i32
      %ne3A_199 = arith.cmpi ne, %rem3A, %ne3A_198 : i32
      %and3A = arith.andi %ne3A, %ne3A_199 : i1
      %sub3A = arith.constant 1 : i32
      %sub3A_200 = arith.subi %div3A, %sub3A : i32
      %select_n3A_201 = arith.select %and3A, %sub3A_200, %div3A : i32
      %get3A = arith.index_cast %select_n3A_201 : i32 to index
      %get3A_202 = tpu.vector_load %arg8[%get3A] {strides = array<i32>} : memref<10016xi32, #tpu.memory_space<vmem>>, vector<16xi32>,
      %get3A_203 = vector.shape_cast %get3A_202 : vector<16xi32> to vector<16xi32>
      %slice3A = vector.extract_strided_slice %get3A_203 {offsets = [0], sizes = [1], strides = [1]} : vector<16xi32> to vector<1xi32>
      %squeeze3A = vector.extract %slice3A[0] : i32 from vector<1xi32>
      %lt3A = arith.constant 2 : i32
      %lt3A_204 = arith.cmpi slt, %squeeze3A, %lt3A : i32
      %add3A_205 = arith.constant 1 : i32
      %add3A_206 = arith.addi %select_n3A_201, %add3A_205 : i32
      %select_n3A_207 = arith.select %lt3A_204, %add3A_206, %scan3A_181 : i32
      %select_n3A_208 = arith.select %lt3A_204, %scan3A_182, %select_n3A_201 : i32
      scf.yield %select_n3A_207, %select_n3A_208 : i32, i32
    }
    %scan3A_16 = arith.constant 14 : i32
    %scan3A_17 = arith.constant 0 : i32
    %scan3A_18 = arith.constant 10000 : i32
    %scan3A_19 = arith.constant 0 : i32
    %scan3A_20 = arith.constant 14 : i32
    %scan3A_21 = arith.addi %scan3A_19, %scan3A_20 : i32
    %scan3A_22 = arith.constant 1 : i32
    %scan3A_23:2 = scf.for %scan3A_180 = %scan3A_19 to %scan3A_21 step %scan3A_22 iter_args(%scan3A_181 = %scan3A_17, %scan3A_182 = %scan3A_18) -> (i32, i32)  : i32 {
      %add3A_183 = arith.addi %scan3A_181, %scan3A_182 : i32
      %jit3A_184 = arith.constant 2 : i32
      %div3A = arith.divsi %add3A_183, %jit3A_184 : i32
      %sign3A = arith.constant 0 : i32
      %sign3A_185 = arith.cmpi sgt, %add3A_183, %sign3A : i32
      %sign3A_186 = arith.extui %sign3A_185 : i1 to i32
      %sign3A_187 = arith.constant 0 : i32
      %sign3A_188 = arith.cmpi slt, %add3A_183, %sign3A_187 : i32
      %sign3A_189 = arith.extui %sign3A_188 : i1 to i32
      %sign3A_190 = arith.subi %sign3A_186, %sign3A_189 : i32
      %sign3A_191 = arith.constant 0 : i32
      %sign3A_192 = arith.cmpi sgt, %jit3A_184, %sign3A_191 : i32
      %sign3A_193 = arith.extui %sign3A_192 : i1 to i32
      %sign3A_194 = arith.constant 0 : i32
      %sign3A_195 = arith.cmpi slt, %jit3A_184, %sign3A_194 : i32
      %sign3A_196 = arith.extui %sign3A_195 : i1 to i32
      %sign3A_197 = arith.subi %sign3A_193, %sign3A_196 : i32
      %ne3A = arith.cmpi ne, %sign3A_190, %sign3A_197 : i32
      %rem3A = arith.remsi %add3A_183, %jit3A_184 : i32
      %ne3A_198 = arith.constant 0 : i32
      %ne3A_199 = arith.cmpi ne, %rem3A, %ne3A_198 : i32
      %and3A = arith.andi %ne3A, %ne3A_199 : i1
      %sub3A = arith.constant 1 : i32
      %sub3A_200 = arith.subi %div3A, %sub3A : i32
      %select_n3A_201 = arith.select %and3A, %sub3A_200, %div3A : i32
      %get3A = arith.index_cast %select_n3A_201 : i32 to index
      %get3A_202 = tpu.vector_load %arg8[%get3A] {strides = array<i32>} : memref<10016xi32, #tpu.memory_space<vmem>>, vector<16xi32>,
      %get3A_203 = vector.shape_cast %get3A_202 : vector<16xi32> to vector<16xi32>
      %slice3A = vector.extract_strided_slice %get3A_203 {offsets = [0], sizes = [1], strides = [1]} : vector<16xi32> to vector<1xi32>
      %squeeze3A = vector.extract %slice3A[0] : i32 from vector<1xi32>
      %lt3A = arith.constant 3 : i32
      %lt3A_204 = arith.cmpi slt, %squeeze3A, %lt3A : i32
      %add3A_205 = arith.constant 1 : i32
      %add3A_206 = arith.addi %select_n3A_201, %add3A_205 : i32
      %select_n3A_207 = arith.select %lt3A_204, %add3A_206, %scan3A_181 : i32
      %select_n3A_208 = arith.select %lt3A_204, %scan3A_182, %select_n3A_201 : i32
      scf.yield %select_n3A_207, %select_n3A_208 : i32, i32
    }
    %scan3A_24 = arith.constant 14 : i32
    %scan3A_25 = arith.constant 0 : i32
    %scan3A_26 = arith.constant 10000 : i32
    %scan3A_27 = arith.constant 0 : i32
    %scan3A_28 = arith.constant 14 : i32
    %scan3A_29 = arith.addi %scan3A_27, %scan3A_28 : i32
    %scan3A_30 = arith.constant 1 : i32
    %scan3A_31:2 = scf.for %scan3A_180 = %scan3A_27 to %scan3A_29 step %scan3A_30 iter_args(%scan3A_181 = %scan3A_25, %scan3A_182 = %scan3A_26) -> (i32, i32)  : i32 {
      %add3A_183 = arith.addi %scan3A_181, %scan3A_182 : i32
      %jit3A_184 = arith.constant 2 : i32
      %div3A = arith.divsi %add3A_183, %jit3A_184 : i32
      %sign3A = arith.constant 0 : i32
      %sign3A_185 = arith.cmpi sgt, %add3A_183, %sign3A : i32
      %sign3A_186 = arith.extui %sign3A_185 : i1 to i32
      %sign3A_187 = arith.constant 0 : i32
      %sign3A_188 = arith.cmpi slt, %add3A_183, %sign3A_187 : i32
      %sign3A_189 = arith.extui %sign3A_188 : i1 to i32
      %sign3A_190 = arith.subi %sign3A_186, %sign3A_189 : i32
      %sign3A_191 = arith.constant 0 : i32
      %sign3A_192 = arith.cmpi sgt, %jit3A_184, %sign3A_191 : i32
      %sign3A_193 = arith.extui %sign3A_192 : i1 to i32
      %sign3A_194 = arith.constant 0 : i32
      %sign3A_195 = arith.cmpi slt, %jit3A_184, %sign3A_194 : i32
      %sign3A_196 = arith.extui %sign3A_195 : i1 to i32
      %sign3A_197 = arith.subi %sign3A_193, %sign3A_196 : i32
      %ne3A = arith.cmpi ne, %sign3A_190, %sign3A_197 : i32
      %rem3A = arith.remsi %add3A_183, %jit3A_184 : i32
      %ne3A_198 = arith.constant 0 : i32
      %ne3A_199 = arith.cmpi ne, %rem3A, %ne3A_198 : i32
      %and3A = arith.andi %ne3A, %ne3A_199 : i1
      %sub3A = arith.constant 1 : i32
      %sub3A_200 = arith.subi %div3A, %sub3A : i32
      %select_n3A_201 = arith.select %and3A, %sub3A_200, %div3A : i32
      %get3A = arith.index_cast %select_n3A_201 : i32 to index
      %get3A_202 = tpu.vector_load %arg8[%get3A] {strides = array<i32>} : memref<10016xi32, #tpu.memory_space<vmem>>, vector<16xi32>,
      %get3A_203 = vector.shape_cast %get3A_202 : vector<16xi32> to vector<16xi32>
      %slice3A = vector.extract_strided_slice %get3A_203 {offsets = [0], sizes = [1], strides = [1]} : vector<16xi32> to vector<1xi32>
      %squeeze3A = vector.extract %slice3A[0] : i32 from vector<1xi32>
      %lt3A = arith.constant 4 : i32
      %lt3A_204 = arith.cmpi slt, %squeeze3A, %lt3A : i32
      %add3A_205 = arith.constant 1 : i32
      %add3A_206 = arith.addi %select_n3A_201, %add3A_205 : i32
      %select_n3A_207 = arith.select %lt3A_204, %add3A_206, %scan3A_181 : i32
      %select_n3A_208 = arith.select %lt3A_204, %scan3A_182, %select_n3A_201 : i32
      scf.yield %select_n3A_207, %select_n3A_208 : i32, i32
    }
    %scan3A_32 = arith.constant 14 : i32
    %scan3A_33 = arith.constant 0 : i32
    %scan3A_34 = arith.constant 10000 : i32
    %scan3A_35 = arith.constant 0 : i32
    %scan3A_36 = arith.constant 14 : i32
    %scan3A_37 = arith.addi %scan3A_35, %scan3A_36 : i32
    %scan3A_38 = arith.constant 1 : i32
    %scan3A_39:2 = scf.for %scan3A_180 = %scan3A_35 to %scan3A_37 step %scan3A_38 iter_args(%scan3A_181 = %scan3A_33, %scan3A_182 = %scan3A_34) -> (i32, i32)  : i32 {
      %add3A_183 = arith.addi %scan3A_181, %scan3A_182 : i32
      %jit3A_184 = arith.constant 2 : i32
      %div3A = arith.divsi %add3A_183, %jit3A_184 : i32
      %sign3A = arith.constant 0 : i32
      %sign3A_185 = arith.cmpi sgt, %add3A_183, %sign3A : i32
      %sign3A_186 = arith.extui %sign3A_185 : i1 to i32
      %sign3A_187 = arith.constant 0 : i32
      %sign3A_188 = arith.cmpi slt, %add3A_183, %sign3A_187 : i32
      %sign3A_189 = arith.extui %sign3A_188 : i1 to i32
      %sign3A_190 = arith.subi %sign3A_186, %sign3A_189 : i32
      %sign3A_191 = arith.constant 0 : i32
      %sign3A_192 = arith.cmpi sgt, %jit3A_184, %sign3A_191 : i32
      %sign3A_193 = arith.extui %sign3A_192 : i1 to i32
      %sign3A_194 = arith.constant 0 : i32
      %sign3A_195 = arith.cmpi slt, %jit3A_184, %sign3A_194 : i32
      %sign3A_196 = arith.extui %sign3A_195 : i1 to i32
      %sign3A_197 = arith.subi %sign3A_193, %sign3A_196 : i32
      %ne3A = arith.cmpi ne, %sign3A_190, %sign3A_197 : i32
      %rem3A = arith.remsi %add3A_183, %jit3A_184 : i32
      %ne3A_198 = arith.constant 0 : i32
      %ne3A_199 = arith.cmpi ne, %rem3A, %ne3A_198 : i32
      %and3A = arith.andi %ne3A, %ne3A_199 : i1
      %sub3A = arith.constant 1 : i32
      %sub3A_200 = arith.subi %div3A, %sub3A : i32
      %select_n3A_201 = arith.select %and3A, %sub3A_200, %div3A : i32
      %get3A = arith.index_cast %select_n3A_201 : i32 to index
      %get3A_202 = tpu.vector_load %arg8[%get3A] {strides = array<i32>} : memref<10016xi32, #tpu.memory_space<vmem>>, vector<16xi32>,
      %get3A_203 = vector.shape_cast %get3A_202 : vector<16xi32> to vector<16xi32>
      %slice3A = vector.extract_strided_slice %get3A_203 {offsets = [0], sizes = [1], strides = [1]} : vector<16xi32> to vector<1xi32>
      %squeeze3A = vector.extract %slice3A[0] : i32 from vector<1xi32>
      %lt3A = arith.constant 5 : i32
      %lt3A_204 = arith.cmpi slt, %squeeze3A, %lt3A : i32
      %add3A_205 = arith.constant 1 : i32
      %add3A_206 = arith.addi %select_n3A_201, %add3A_205 : i32
      %select_n3A_207 = arith.select %lt3A_204, %add3A_206, %scan3A_181 : i32
      %select_n3A_208 = arith.select %lt3A_204, %scan3A_182, %select_n3A_201 : i32
      scf.yield %select_n3A_207, %select_n3A_208 : i32, i32
    }
    %scan3A_40 = arith.constant 14 : i32
    %scan3A_41 = arith.constant 0 : i32
    %scan3A_42 = arith.constant 10000 : i32
    %scan3A_43 = arith.constant 0 : i32
    %scan3A_44 = arith.constant 14 : i32
    %scan3A_45 = arith.addi %scan3A_43, %scan3A_44 : i32
    %scan3A_46 = arith.constant 1 : i32
    %scan3A_47:2 = scf.for %scan3A_180 = %scan3A_43 to %scan3A_45 step %scan3A_46 iter_args(%scan3A_181 = %scan3A_41, %scan3A_182 = %scan3A_42) -> (i32, i32)  : i32 {
      %add3A_183 = arith.addi %scan3A_181, %scan3A_182 : i32
      %jit3A_184 = arith.constant 2 : i32
      %div3A = arith.divsi %add3A_183, %jit3A_184 : i32
      %sign3A = arith.constant 0 : i32
      %sign3A_185 = arith.cmpi sgt, %add3A_183, %sign3A : i32
      %sign3A_186 = arith.extui %sign3A_185 : i1 to i32
      %sign3A_187 = arith.constant 0 : i32
      %sign3A_188 = arith.cmpi slt, %add3A_183, %sign3A_187 : i32
      %sign3A_189 = arith.extui %sign3A_188 : i1 to i32
      %sign3A_190 = arith.subi %sign3A_186, %sign3A_189 : i32
      %sign3A_191 = arith.constant 0 : i32
      %sign3A_192 = arith.cmpi sgt, %jit3A_184, %sign3A_191 : i32
      %sign3A_193 = arith.extui %sign3A_192 : i1 to i32
      %sign3A_194 = arith.constant 0 : i32
      %sign3A_195 = arith.cmpi slt, %jit3A_184, %sign3A_194 : i32
      %sign3A_196 = arith.extui %sign3A_195 : i1 to i32
      %sign3A_197 = arith.subi %sign3A_193, %sign3A_196 : i32
      %ne3A = arith.cmpi ne, %sign3A_190, %sign3A_197 : i32
      %rem3A = arith.remsi %add3A_183, %jit3A_184 : i32
      %ne3A_198 = arith.constant 0 : i32
      %ne3A_199 = arith.cmpi ne, %rem3A, %ne3A_198 : i32
      %and3A = arith.andi %ne3A, %ne3A_199 : i1
      %sub3A = arith.constant 1 : i32
      %sub3A_200 = arith.subi %div3A, %sub3A : i32
      %select_n3A_201 = arith.select %and3A, %sub3A_200, %div3A : i32
      %get3A = arith.index_cast %select_n3A_201 : i32 to index
      %get3A_202 = tpu.vector_load %arg8[%get3A] {strides = array<i32>} : memref<10016xi32, #tpu.memory_space<vmem>>, vector<16xi32>,
      %get3A_203 = vector.shape_cast %get3A_202 : vector<16xi32> to vector<16xi32>
      %slice3A = vector.extract_strided_slice %get3A_203 {offsets = [0], sizes = [1], strides = [1]} : vector<16xi32> to vector<1xi32>
      %squeeze3A = vector.extract %slice3A[0] : i32 from vector<1xi32>
      %lt3A = arith.constant 6 : i32
      %lt3A_204 = arith.cmpi slt, %squeeze3A, %lt3A : i32
      %add3A_205 = arith.constant 1 : i32
      %add3A_206 = arith.addi %select_n3A_201, %add3A_205 : i32
      %select_n3A_207 = arith.select %lt3A_204, %add3A_206, %scan3A_181 : i32
      %select_n3A_208 = arith.select %lt3A_204, %scan3A_182, %select_n3A_201 : i32
      scf.yield %select_n3A_207, %select_n3A_208 : i32, i32
    }
    %scan3A_48 = arith.constant 14 : i32
    %scan3A_49 = arith.constant 0 : i32
    %scan3A_50 = arith.constant 10000 : i32
    %scan3A_51 = arith.constant 0 : i32
    %scan3A_52 = arith.constant 14 : i32
    %scan3A_53 = arith.addi %scan3A_51, %scan3A_52 : i32
    %scan3A_54 = arith.constant 1 : i32
    %scan3A_55:2 = scf.for %scan3A_180 = %scan3A_51 to %scan3A_53 step %scan3A_54 iter_args(%scan3A_181 = %scan3A_49, %scan3A_182 = %scan3A_50) -> (i32, i32)  : i32 {
      %add3A_183 = arith.addi %scan3A_181, %scan3A_182 : i32
      %jit3A_184 = arith.constant 2 : i32
      %div3A = arith.divsi %add3A_183, %jit3A_184 : i32
      %sign3A = arith.constant 0 : i32
      %sign3A_185 = arith.cmpi sgt, %add3A_183, %sign3A : i32
      %sign3A_186 = arith.extui %sign3A_185 : i1 to i32
      %sign3A_187 = arith.constant 0 : i32
      %sign3A_188 = arith.cmpi slt, %add3A_183, %sign3A_187 : i32
      %sign3A_189 = arith.extui %sign3A_188 : i1 to i32
      %sign3A_190 = arith.subi %sign3A_186, %sign3A_189 : i32
      %sign3A_191 = arith.constant 0 : i32
      %sign3A_192 = arith.cmpi sgt, %jit3A_184, %sign3A_191 : i32
      %sign3A_193 = arith.extui %sign3A_192 : i1 to i32
      %sign3A_194 = arith.constant 0 : i32
      %sign3A_195 = arith.cmpi slt, %jit3A_184, %sign3A_194 : i32
      %sign3A_196 = arith.extui %sign3A_195 : i1 to i32
      %sign3A_197 = arith.subi %sign3A_193, %sign3A_196 : i32
      %ne3A = arith.cmpi ne, %sign3A_190, %sign3A_197 : i32
      %rem3A = arith.remsi %add3A_183, %jit3A_184 : i32
      %ne3A_198 = arith.constant 0 : i32
      %ne3A_199 = arith.cmpi ne, %rem3A, %ne3A_198 : i32
      %and3A = arith.andi %ne3A, %ne3A_199 : i1
      %sub3A = arith.constant 1 : i32
      %sub3A_200 = arith.subi %div3A, %sub3A : i32
      %select_n3A_201 = arith.select %and3A, %sub3A_200, %div3A : i32
      %get3A = arith.index_cast %select_n3A_201 : i32 to index
      %get3A_202 = tpu.vector_load %arg8[%get3A] {strides = array<i32>} : memref<10016xi32, #tpu.memory_space<vmem>>, vector<16xi32>,
      %get3A_203 = vector.shape_cast %get3A_202 : vector<16xi32> to vector<16xi32>
      %slice3A = vector.extract_strided_slice %get3A_203 {offsets = [0], sizes = [1], strides = [1]} : vector<16xi32> to vector<1xi32>
      %squeeze3A = vector.extract %slice3A[0] : i32 from vector<1xi32>
      %lt3A = arith.constant 7 : i32
      %lt3A_204 = arith.cmpi slt, %squeeze3A, %lt3A : i32
      %add3A_205 = arith.constant 1 : i32
      %add3A_206 = arith.addi %select_n3A_201, %add3A_205 : i32
      %select_n3A_207 = arith.select %lt3A_204, %add3A_206, %scan3A_181 : i32
      %select_n3A_208 = arith.select %lt3A_204, %scan3A_182, %select_n3A_201 : i32
      scf.yield %select_n3A_207, %select_n3A_208 : i32, i32
    }
    %scan3A_56 = arith.constant 14 : i32
    %mul3A_57 = arith.constant 320 : i32
    %mul3A_58 = arith.muli %add3A, %mul3A_57 : i32
    %eq3A = arith.constant 8 : i32
    %eq3A_59 = vector.broadcast %eq3A : i32 to vector<16xi32>
    %eq3A_60 = arith.cmpi eq, %iota3A, %eq3A_59 : vector<16xi32>
    %jit3A = arith.constant 10000 : i32
    %jit3A_61 = arith.constant 0 : i32
    %broadcast_in_dim3A_62 = vector.broadcast %jit3A : i32 to vector<16xi32>
    %broadcast_in_dim3A_63 = vector.broadcast %jit3A_61 : i32 to vector<16xi32>
    %select_n3A = arith.select %eq3A_60, %broadcast_in_dim3A_62, %broadcast_in_dim3A_63 : vector<16xi1>, vector<16xi32>
    %eq3A_64 = arith.constant 1 : i32
    %eq3A_65 = vector.broadcast %eq3A_64 : i32 to vector<16xi32>
    %eq3A_66 = arith.cmpi eq, %iota3A, %eq3A_65 : vector<16xi32>
    %jit3A_67 = arith.constant 0 : i32
    %broadcast_in_dim3A_68 = vector.broadcast %scan3A_7#0 : i32 to vector<16xi32>
    %broadcast_in_dim3A_69 = vector.broadcast %jit3A_67 : i32 to vector<16xi32>
    %select_n3A_70 = arith.select %eq3A_66, %broadcast_in_dim3A_68, %broadcast_in_dim3A_69 : vector<16xi1>, vector<16xi32>
    %add3A_71 = arith.addi %select_n3A, %select_n3A_70 : vector<16xi32>
    %eq3A_72 = arith.constant 2 : i32
    %eq3A_73 = vector.broadcast %eq3A_72 : i32 to vector<16xi32>
    %eq3A_74 = arith.cmpi eq, %iota3A, %eq3A_73 : vector<16xi32>
    %jit3A_75 = arith.constant 0 : i32
    %broadcast_in_dim3A_76 = vector.broadcast %scan3A_15#0 : i32 to vector<16xi32>
    %broadcast_in_dim3A_77 = vector.broadcast %jit3A_75 : i32 to vector<16xi32>
    %select_n3A_78 = arith.select %eq3A_74, %broadcast_in_dim3A_76, %broadcast_in_dim3A_77 : vector<16xi1>, vector<16xi32>
    %add3A_79 = arith.addi %add3A_71, %select_n3A_78 : vector<16xi32>
    %eq3A_80 = arith.constant 3 : i32
    %eq3A_81 = vector.broadcast %eq3A_80 : i32 to vector<16xi32>
    %eq3A_82 = arith.cmpi eq, %iota3A, %eq3A_81 : vector<16xi32>
    %jit3A_83 = arith.constant 0 : i32
    %broadcast_in_dim3A_84 = vector.broadcast %scan3A_23#0 : i32 to vector<16xi32>
    %broadcast_in_dim3A_85 = vector.broadcast %jit3A_83 : i32 to vector<16xi32>
    %select_n3A_86 = arith.select %eq3A_82, %broadcast_in_dim3A_84, %broadcast_in_dim3A_85 : vector<16xi1>, vector<16xi32>
    %add3A_87 = arith.addi %add3A_79, %select_n3A_86 : vector<16xi32>
    %eq3A_88 = arith.constant 4 : i32
    %eq3A_89 = vector.broadcast %eq3A_88 : i32 to vector<16xi32>
    %eq3A_90 = arith.cmpi eq, %iota3A, %eq3A_89 : vector<16xi32>
    %jit3A_91 = arith.constant 0 : i32
    %broadcast_in_dim3A_92 = vector.broadcast %scan3A_31#0 : i32 to vector<16xi32>
    %broadcast_in_dim3A_93 = vector.broadcast %jit3A_91 : i32 to vector<16xi32>
    %select_n3A_94 = arith.select %eq3A_90, %broadcast_in_dim3A_92, %broadcast_in_dim3A_93 : vector<16xi1>, vector<16xi32>
    %add3A_95 = arith.addi %add3A_87, %select_n3A_94 : vector<16xi32>
    %eq3A_96 = arith.constant 5 : i32
    %eq3A_97 = vector.broadcast %eq3A_96 : i32 to vector<16xi32>
    %eq3A_98 = arith.cmpi eq, %iota3A, %eq3A_97 : vector<16xi32>
    %jit3A_99 = arith.constant 0 : i32
    %broadcast_in_dim3A_100 = vector.broadcast %scan3A_39#0 : i32 to vector<16xi32>
    %broadcast_in_dim3A_101 = vector.broadcast %jit3A_99 : i32 to vector<16xi32>
    %select_n3A_102 = arith.select %eq3A_98, %broadcast_in_dim3A_100, %broadcast_in_dim3A_101 : vector<16xi1>, vector<16xi32>
    %add3A_103 = arith.addi %add3A_95, %select_n3A_102 : vector<16xi32>
    %eq3A_104 = arith.constant 6 : i32
    %eq3A_105 = vector.broadcast %eq3A_104 : i32 to vector<16xi32>
    %eq3A_106 = arith.cmpi eq, %iota3A, %eq3A_105 : vector<16xi32>
    %jit3A_107 = arith.constant 0 : i32
    %broadcast_in_dim3A_108 = vector.broadcast %scan3A_47#0 : i32 to vector<16xi32>
    %broadcast_in_dim3A_109 = vector.broadcast %jit3A_107 : i32 to vector<16xi32>
    %select_n3A_110 = arith.select %eq3A_106, %broadcast_in_dim3A_108, %broadcast_in_dim3A_109 : vector<16xi1>, vector<16xi32>
    %add3A_111 = arith.addi %add3A_103, %select_n3A_110 : vector<16xi32>
    %eq3A_112 = arith.constant 7 : i32
    %eq3A_113 = vector.broadcast %eq3A_112 : i32 to vector<16xi32>
    %eq3A_114 = arith.cmpi eq, %iota3A, %eq3A_113 : vector<16xi32>
    %jit3A_115 = arith.constant 0 : i32
    %broadcast_in_dim3A_116 = vector.broadcast %scan3A_55#0 : i32 to vector<16xi32>
    %broadcast_in_dim3A_117 = vector.broadcast %jit3A_115 : i32 to vector<16xi32>
    %select_n3A_118 = arith.select %eq3A_114, %broadcast_in_dim3A_116, %broadcast_in_dim3A_117 : vector<16xi1>, vector<16xi32>
    %add3A_119 = arith.addi %add3A_111, %select_n3A_118 : vector<16xi32>
    %swap3A = arith.constant 0 : index
    %swap3A_120 = tpu.vector_load %arg9[%swap3A] {strides = array<i32>} : memref<32xi32, #tpu.memory_space<vmem>>, vector<16xi32>,
    %swap3A_121 = vector.shape_cast %swap3A_120 : vector<16xi32> to vector<16xi32>
    %swap3A_122 = vector.shape_cast %add3A_119 : vector<16xi32> to vector<16xi32>
    tpu.vector_store %arg9[%swap3A], %swap3A_122 {strides = array<i32>} : memref<32xi32, #tpu.memory_space<vmem>>, vector<16xi32>,
    %broadcast_in_dim3A_123 = arith.constant 0 : i32
    %broadcast_in_dim3A_124 = vector.broadcast %broadcast_in_dim3A_123 : i32 to vector<16xi32>
    %swap3A_125 = arith.constant 16 : index
    %swap3A_126 = tpu.vector_load %arg9[%swap3A_125] {strides = array<i32>} : memref<32xi32, #tpu.memory_space<vmem>>, vector<16xi32>,
    %swap3A_127 = vector.shape_cast %swap3A_126 : vector<16xi32> to vector<16xi32>
    %swap3A_128 = vector.shape_cast %broadcast_in_dim3A_124 : vector<16xi32> to vector<16xi32>
    tpu.vector_store %arg9[%swap3A_125], %swap3A_128 {strides = array<i32>} : memref<32xi32, #tpu.memory_space<vmem>>, vector<16xi32>,
    %broadcast_in_dim3A_129 = arith.constant 0 : i32
    %broadcast_in_dim3A_130 = vector.broadcast %broadcast_in_dim3A_129 : i32 to vector<16xi32>
    %scan3A_131 = arith.constant 0 : i32
    %scan3A_132 = arith.constant 0 : i32
    %scan3A_133 = arith.constant 8 : i32
    %scan3A_134 = arith.addi %scan3A_132, %scan3A_133 : i32
    %scan3A_135 = arith.constant 1 : i32
    %scan3A_136:3 = scf.for %scan3A_180 = %scan3A_132 to %scan3A_134 step %scan3A_135 iter_args(%scan3A_181 = %scan3A_131, %scan3A_182 = %broadcast_in_dim3A_130, %scan3A_183 = %broadcast_in_dim3A_130) -> (i32, vector<16xi32>, vector<16xi32>)  : i32 {
      %get3A = arith.index_cast %scan3A_180 : i32 to index
      %get3A_184 = tpu.vector_load %arg9[%get3A] {strides = array<i32>} : memref<32xi32, #tpu.memory_space<vmem>>, vector<16xi32>,
      %get3A_185 = vector.shape_cast %get3A_184 : vector<16xi32> to vector<16xi32>
      %slice3A = vector.extract_strided_slice %get3A_185 {offsets = [0], sizes = [1], strides = [1]} : vector<16xi32> to vector<1xi32>
      %squeeze3A = vector.extract %slice3A[0] : i32 from vector<1xi32>
      %add3A_186 = arith.constant 1 : i32
      %add3A_187 = arith.addi %scan3A_180, %add3A_186 : i32
      %get3A_188 = arith.index_cast %add3A_187 : i32 to index
      %get3A_189 = tpu.vector_load %arg9[%get3A_188] {strides = array<i32>} : memref<32xi32, #tpu.memory_space<vmem>>, vector<16xi32>,
      %get3A_190 = vector.shape_cast %get3A_189 : vector<16xi32> to vector<16xi32>
      %slice3A_191 = vector.extract_strided_slice %get3A_190 {offsets = [0], sizes = [1], strides = [1]} : vector<16xi32> to vector<1xi32>
      %squeeze3A_192 = vector.extract %slice3A_191[0] : i32 from vector<1xi32>
      %max3A = arith.maxsi %mul3A_58, %squeeze3A : i32
      %add3A_193 = arith.constant 320 : i32
      %add3A_194 = arith.addi %mul3A_58, %add3A_193 : i32
      %min3A = arith.minsi %add3A_194, %squeeze3A_192 : i32
      %sub3A = arith.subi %min3A, %max3A : i32
      %add3A_195 = arith.constant 15 : i32
      %add3A_196 = arith.addi %sub3A, %add3A_195 : i32
      %jit3A_197 = arith.constant 16 : i32
      %div3A = arith.divsi %add3A_196, %jit3A_197 : i32
      %sign3A = arith.constant 0 : i32
      %sign3A_198 = arith.cmpi sgt, %add3A_196, %sign3A : i32
      %sign3A_199 = arith.extui %sign3A_198 : i1 to i32
      %sign3A_200 = arith.constant 0 : i32
      %sign3A_201 = arith.cmpi slt, %add3A_196, %sign3A_200 : i32
      %sign3A_202 = arith.extui %sign3A_201 : i1 to i32
      %sign3A_203 = arith.subi %sign3A_199, %sign3A_202 : i32
      %sign3A_204 = arith.constant 0 : i32
      %sign3A_205 = arith.cmpi sgt, %jit3A_197, %sign3A_204 : i32
      %sign3A_206 = arith.extui %sign3A_205 : i1 to i32
      %sign3A_207 = arith.constant 0 : i32
      %sign3A_208 = arith.cmpi slt, %jit3A_197, %sign3A_207 : i32
      %sign3A_209 = arith.extui %sign3A_208 : i1 to i32
      %sign3A_210 = arith.subi %sign3A_206, %sign3A_209 : i32
      %ne3A = arith.cmpi ne, %sign3A_203, %sign3A_210 : i32
      %rem3A = arith.remsi %add3A_196, %jit3A_197 : i32
      %ne3A_211 = arith.constant 0 : i32
      %ne3A_212 = arith.cmpi ne, %rem3A, %ne3A_211 : i32
      %and3A = arith.andi %ne3A, %ne3A_212 : i1
      %sub3A_213 = arith.constant 1 : i32
      %sub3A_214 = arith.subi %div3A, %sub3A_213 : i32
      %select_n3A_215 = arith.select %and3A, %sub3A_214, %div3A : i32
      %max3A_216 = arith.constant 0 : i32
      %max3A_217 = arith.maxsi %max3A_216, %select_n3A_215 : i32
      %while3A = arith.constant 0 : i32
      %while3A_218 = arith.subi %max3A_217, %while3A : i32
      %while3A_219 = arith.addi %while3A, %while3A_218 : i32
      %while3A_220 = arith.constant 1 : i32
      %while3A_221 = arith.divsi %while3A_218, %while3A_220 : i32
      %while3A_222 = arith.muli %while3A_221, %while3A_220 : i32
      %while3A_223 = arith.addi %while3A, %while3A_222 : i32
      %while3A_224 = arith.constant 1 : i32
      %while3A_225 = scf.for %while3A_245 = %while3A to %while3A_223 step %while3A_224 iter_args(%while3A_246 = %scan3A_181) -> (i32)  : i32 {
        %mul3A_247 = arith.constant 16 : i32
        %mul3A_248 = arith.muli %while3A_245, %mul3A_247 : i32
        %add3A_249 = arith.addi %max3A, %mul3A_248 : i32
        %add3A_250 = vector.broadcast %add3A_249 : i32 to vector<16xi32>
        %add3A_251 = arith.addi %add3A_250, %iota3A : vector<16xi32>
        %get3A_252 = arith.index_cast %add3A_249 : i32 to index
        %get3A_253 = tpu.vector_load %arg7[%get3A_252] {strides = array<i32>} : memref<10016xi32, #tpu.memory_space<vmem>>, vector<16xi32>,
        %get3A_254 = vector.shape_cast %get3A_253 : vector<16xi32> to vector<16xi32>
        %lt3A = vector.broadcast %min3A : i32 to vector<16xi32>
        %lt3A_255 = arith.cmpi slt, %add3A_251, %lt3A : vector<16xi32>
        %jit3A_256 = arith.constant 0 : i32
        %broadcast_in_dim3A_257 = vector.broadcast %jit3A_256 : i32 to vector<16xi32>
        %select_n3A_258 = arith.select %lt3A_255, %get3A_254, %broadcast_in_dim3A_257 : vector<16xi1>, vector<16xi32>
        %gt3A = arith.constant 0 : i32
        %gt3A_259 = vector.broadcast %gt3A : i32 to vector<16xi32>
        %gt3A_260 = arith.cmpi sgt, %select_n3A_258, %gt3A_259 : vector<16xi32>
        %jit3A_261 = arith.constant 1 : i32
        %jit3A_262 = arith.constant 0 : i32
        %broadcast_in_dim3A_263 = vector.broadcast %jit3A_261 : i32 to vector<16xi32>
        %broadcast_in_dim3A_264 = vector.broadcast %jit3A_262 : i32 to vector<16xi32>
        %select_n3A_265 = arith.select %gt3A_260, %broadcast_in_dim3A_263, %broadcast_in_dim3A_264 : vector<16xi1>, vector<16xi32>
        %sub3A_266 = arith.constant 1 : i32
        %sub3A_267 = vector.broadcast %sub3A_266 : i32 to vector<16xi32>
        %sub3A_268 = arith.subi %iota3A, %sub3A_267 : vector<16xi32>
        %max3A_269 = arith.constant 0 : i32
        %max3A_270 = vector.broadcast %max3A_269 : i32 to vector<16xi32>
        %max3A_271 = arith.maxsi %sub3A_268, %max3A_270 : vector<16xi32>
        %broadcast_in_dim3A_272 = vector.shape_cast %max3A_271 : vector<16xi32> to vector<16x1xi32>
        %gather3A = vector.shape_cast %broadcast_in_dim3A_272 : vector<16x1xi32> to vector<16xi32>
        %gather3A_273 = tpu.dynamic_gather %select_n3A_265[%gather3A] in [0] : vector<16xi32>, vector<16xi32> -> vector<16xi32>
        %ge3A = arith.constant 1 : i32
        %ge3A_274 = vector.broadcast %ge3A : i32 to vector<16xi32>
        %ge3A_275 = arith.cmpi sge, %iota3A, %ge3A_274 : vector<16xi32>
        %jit3A_276 = arith.constant 0 : i32
        %broadcast_in_dim3A_277 = vector.broadcast %jit3A_276 : i32 to vector<16xi32>
        %select_n3A_278 = arith.select %ge3A_275, %gather3A_273, %broadcast_in_dim3A_277 : vector<16xi1>, vector<16xi32>
        %add3A_279 = arith.addi %select_n3A_265, %select_n3A_278 : vector<16xi32>
        %sub3A_280 = arith.constant 2 : i32
        %sub3A_281 = vector.broadcast %sub3A_280 : i32 to vector<16xi32>
        %sub3A_282 = arith.subi %iota3A, %sub3A_281 : vector<16xi32>
        %max3A_283 = arith.constant 0 : i32
        %max3A_284 = vector.broadcast %max3A_283 : i32 to vector<16xi32>
        %max3A_285 = arith.maxsi %sub3A_282, %max3A_284 : vector<16xi32>
        %broadcast_in_dim3A_286 = vector.shape_cast %max3A_285 : vector<16xi32> to vector<16x1xi32>
        %gather3A_287 = vector.shape_cast %broadcast_in_dim3A_286 : vector<16x1xi32> to vector<16xi32>
        %gather3A_288 = tpu.dynamic_gather %add3A_279[%gather3A_287] in [0] : vector<16xi32>, vector<16xi32> -> vector<16xi32>
        %ge3A_289 = arith.constant 2 : i32
        %ge3A_290 = vector.broadcast %ge3A_289 : i32 to vector<16xi32>
        %ge3A_291 = arith.cmpi sge, %iota3A, %ge3A_290 : vector<16xi32>
        %jit3A_292 = arith.constant 0 : i32
        %broadcast_in_dim3A_293 = vector.broadcast %jit3A_292 : i32 to vector<16xi32>
        %select_n3A_294 = arith.select %ge3A_291, %gather3A_288, %broadcast_in_dim3A_293 : vector<16xi1>, vector<16xi32>
        %add3A_295 = arith.addi %add3A_279, %select_n3A_294 : vector<16xi32>
        %sub3A_296 = arith.constant 4 : i32
        %sub3A_297 = vector.broadcast %sub3A_296 : i32 to vector<16xi32>
        %sub3A_298 = arith.subi %iota3A, %sub3A_297 : vector<16xi32>
        %max3A_299 = arith.constant 0 : i32
        %max3A_300 = vector.broadcast %max3A_299 : i32 to vector<16xi32>
        %max3A_301 = arith.maxsi %sub3A_298, %max3A_300 : vector<16xi32>
        %broadcast_in_dim3A_302 = vector.shape_cast %max3A_301 : vector<16xi32> to vector<16x1xi32>
        %gather3A_303 = vector.shape_cast %broadcast_in_dim3A_302 : vector<16x1xi32> to vector<16xi32>
        %gather3A_304 = tpu.dynamic_gather %add3A_295[%gather3A_303] in [0] : vector<16xi32>, vector<16xi32> -> vector<16xi32>
        %ge3A_305 = arith.constant 4 : i32
        %ge3A_306 = vector.broadcast %ge3A_305 : i32 to vector<16xi32>
        %ge3A_307 = arith.cmpi sge, %iota3A, %ge3A_306 : vector<16xi32>
        %jit3A_308 = arith.constant 0 : i32
        %broadcast_in_dim3A_309 = vector.broadcast %jit3A_308 : i32 to vector<16xi32>
        %select_n3A_310 = arith.select %ge3A_307, %gather3A_304, %broadcast_in_dim3A_309 : vector<16xi1>, vector<16xi32>
        %add3A_311 = arith.addi %add3A_295, %select_n3A_310 : vector<16xi32>
        %sub3A_312 = arith.constant 8 : i32
        %sub3A_313 = vector.broadcast %sub3A_312 : i32 to vector<16xi32>
        %sub3A_314 = arith.subi %iota3A, %sub3A_313 : vector<16xi32>
        %max3A_315 = arith.constant 0 : i32
        %max3A_316 = vector.broadcast %max3A_315 : i32 to vector<16xi32>
        %max3A_317 = arith.maxsi %sub3A_314, %max3A_316 : vector<16xi32>
        %broadcast_in_dim3A_318 = vector.shape_cast %max3A_317 : vector<16xi32> to vector<16x1xi32>
        %gather3A_319 = vector.shape_cast %broadcast_in_dim3A_318 : vector<16x1xi32> to vector<16xi32>
        %gather3A_320 = tpu.dynamic_gather %add3A_311[%gather3A_319] in [0] : vector<16xi32>, vector<16xi32> -> vector<16xi32>
        %ge3A_321 = arith.constant 8 : i32
        %ge3A_322 = vector.broadcast %ge3A_321 : i32 to vector<16xi32>
        %ge3A_323 = arith.cmpi sge, %iota3A, %ge3A_322 : vector<16xi32>
        %jit3A_324 = arith.constant 0 : i32
        %broadcast_in_dim3A_325 = vector.broadcast %jit3A_324 : i32 to vector<16xi32>
        %select_n3A_326 = arith.select %ge3A_323, %gather3A_320, %broadcast_in_dim3A_325 : vector<16xi1>, vector<16xi32>
        %add3A_327 = arith.addi %add3A_311, %select_n3A_326 : vector<16xi32>
        %broadcast_in_dim3A_328 = arith.constant 0 : i32
        %broadcast_in_dim3A_329 = vector.broadcast %broadcast_in_dim3A_328 : i32 to vector<16xi32>
        %add3A_330 = arith.constant 8 : i32
        %add3A_331 = vector.broadcast %add3A_330 : i32 to vector<16xi32>
        %add3A_332 = arith.addi %broadcast_in_dim3A_329, %add3A_331 : vector<16xi32>
        %sub3A_333 = arith.constant 1 : i32
        %sub3A_334 = vector.broadcast %sub3A_333 : i32 to vector<16xi32>
        %sub3A_335 = arith.subi %add3A_332, %sub3A_334 : vector<16xi32>
        %broadcast_in_dim3A_336 = vector.shape_cast %sub3A_335 : vector<16xi32> to vector<16x1xi32>
        %gather3A_337 = vector.shape_cast %broadcast_in_dim3A_336 : vector<16x1xi32> to vector<16xi32>
        %gather3A_338 = tpu.dynamic_gather %add3A_327[%gather3A_337] in [0] : vector<16xi32>, vector<16xi32> -> vector<16xi32>
        %le3A = arith.cmpi sle, %gather3A_338, %iota3A : vector<16xi32>
        %select_n3A_339 = arith.select %le3A, %add3A_332, %broadcast_in_dim3A_329 : vector<16xi1>, vector<16xi32>
        %add3A_340 = arith.constant 4 : i32
        %add3A_341 = vector.broadcast %add3A_340 : i32 to vector<16xi32>
        %add3A_342 = arith.addi %select_n3A_339, %add3A_341 : vector<16xi32>
        %sub3A_343 = arith.constant 1 : i32
        %sub3A_344 = vector.broadcast %sub3A_343 : i32 to vector<16xi32>
        %sub3A_345 = arith.subi %add3A_342, %sub3A_344 : vector<16xi32>
        %broadcast_in_dim3A_346 = vector.shape_cast %sub3A_345 : vector<16xi32> to vector<16x1xi32>
        %gather3A_347 = vector.shape_cast %broadcast_in_dim3A_346 : vector<16x1xi32> to vector<16xi32>
        %gather3A_348 = tpu.dynamic_gather %add3A_327[%gather3A_347] in [0] : vector<16xi32>, vector<16xi32> -> vector<16xi32>
        %le3A_349 = arith.cmpi sle, %gather3A_348, %iota3A : vector<16xi32>
        %select_n3A_350 = arith.select %le3A_349, %add3A_342, %select_n3A_339 : vector<16xi1>, vector<16xi32>
        %add3A_351 = arith.constant 2 : i32
        %add3A_352 = vector.broadcast %add3A_351 : i32 to vector<16xi32>
        %add3A_353 = arith.addi %select_n3A_350, %add3A_352 : vector<16xi32>
        %sub3A_354 = arith.constant 1 : i32
        %sub3A_355 = vector.broadcast %sub3A_354 : i32 to vector<16xi32>
        %sub3A_356 = arith.subi %add3A_353, %sub3A_355 : vector<16xi32>
        %broadcast_in_dim3A_357 = vector.shape_cast %sub3A_356 : vector<16xi32> to vector<16x1xi32>
        %gather3A_358 = vector.shape_cast %broadcast_in_dim3A_357 : vector<16x1xi32> to vector<16xi32>
        %gather3A_359 = tpu.dynamic_gather %add3A_327[%gather3A_358] in [0] : vector<16xi32>, vector<16xi32> -> vector<16xi32>
        %le3A_360 = arith.cmpi sle, %gather3A_359, %iota3A : vector<16xi32>
        %select_n3A_361 = arith.select %le3A_360, %add3A_353, %select_n3A_350 : vector<16xi1>, vector<16xi32>
        %add3A_362 = arith.constant 1 : i32
        %add3A_363 = vector.broadcast %add3A_362 : i32 to vector<16xi32>
        %add3A_364 = arith.addi %select_n3A_361, %add3A_363 : vector<16xi32>
        %sub3A_365 = arith.constant 1 : i32
        %sub3A_366 = vector.broadcast %sub3A_365 : i32 to vector<16xi32>
        %sub3A_367 = arith.subi %add3A_364, %sub3A_366 : vector<16xi32>
        %broadcast_in_dim3A_368 = vector.shape_cast %sub3A_367 : vector<16xi32> to vector<16x1xi32>
        %gather3A_369 = vector.shape_cast %broadcast_in_dim3A_368 : vector<16x1xi32> to vector<16xi32>
        %gather3A_370 = tpu.dynamic_gather %add3A_327[%gather3A_369] in [0] : vector<16xi32>, vector<16xi32> -> vector<16xi32>
        %le3A_371 = arith.cmpi sle, %gather3A_370, %iota3A : vector<16xi32>
        %select_n3A_372 = arith.select %le3A_371, %add3A_364, %select_n3A_361 : vector<16xi1>, vector<16xi32>
        %get3A_373 = arith.index_cast %add3A_249 : i32 to index
        %get3A_374 = tpu.vector_load %arg6[%get3A_373] {strides = array<i32>} : memref<10016xf32, #tpu.memory_space<vmem>>, vector<16xf32>,
        %get3A_375 = vector.shape_cast %get3A_374 : vector<16xf32> to vector<16xf32>
        %sub3A_376 = arith.constant 1.000000e-01 : f32
        %sub3A_377 = vector.broadcast %sub3A_376 : f32 to vector<16xf32>
        %sub3A_378 = arith.subf %sub3A_377, %get3A_375 : vector<16xf32>
        %broadcast_in_dim3A_379 = vector.shape_cast %select_n3A_372 : vector<16xi32> to vector<16x1xi32>
        %gather3A_380 = vector.shape_cast %broadcast_in_dim3A_379 : vector<16x1xi32> to vector<16xi32>
        %gather3A_381 = tpu.dynamic_gather %sub3A_378[%gather3A_380] in [0] : vector<16xf32>, vector<16xi32> -> vector<16xf32>
        %swap3A_382 = arith.index_cast %while3A_246 : i32 to index
        %swap3A_383 = tpu.vector_load %arg10[%swap3A_382] {strides = array<i32>} : memref<480xf32, #tpu.memory_space<vmem>>, vector<16xf32>,
        %swap3A_384 = vector.shape_cast %swap3A_383 : vector<16xf32> to vector<16xf32>
        %swap3A_385 = vector.shape_cast %gather3A_381 : vector<16xf32> to vector<16xf32>
        tpu.vector_store %arg10[%swap3A_382], %swap3A_385 {strides = array<i32>} : memref<480xf32, #tpu.memory_space<vmem>>, vector<16xf32>,
        %slice3A_386 = vector.extract_strided_slice %add3A_327 {offsets = [15], sizes = [1], strides = [1]} : vector<16xi32> to vector<1xi32>
        %squeeze3A_387 = vector.extract %slice3A_386[0] : i32 from vector<1xi32>
        %add3A_388 = arith.addi %while3A_246, %squeeze3A_387 : i32
        scf.yield %add3A_388 : i32
      }
      %while3A_226 = arith.constant 1 : i32
      %while3A_227 = scf.for %while3A_245 = %while3A_223 to %while3A_219 step %while3A_226 iter_args(%while3A_246 = %while3A_225) -> (i32)  : i32 {
        %mul3A_247 = arith.constant 16 : i32
        %mul3A_248 = arith.muli %while3A_245, %mul3A_247 : i32
        %add3A_249 = arith.addi %max3A, %mul3A_248 : i32
        %add3A_250 = vector.broadcast %add3A_249 : i32 to vector<16xi32>
        %add3A_251 = arith.addi %add3A_250, %iota3A : vector<16xi32>
        %get3A_252 = arith.index_cast %add3A_249 : i32 to index
        %get3A_253 = tpu.vector_load %arg7[%get3A_252] {strides = array<i32>} : memref<10016xi32, #tpu.memory_space<vmem>>, vector<16xi32>,
        %get3A_254 = vector.shape_cast %get3A_253 : vector<16xi32> to vector<16xi32>
        %lt3A = vector.broadcast %min3A : i32 to vector<16xi32>
        %lt3A_255 = arith.cmpi slt, %add3A_251, %lt3A : vector<16xi32>
        %jit3A_256 = arith.constant 0 : i32
        %broadcast_in_dim3A_257 = vector.broadcast %jit3A_256 : i32 to vector<16xi32>
        %select_n3A_258 = arith.select %lt3A_255, %get3A_254, %broadcast_in_dim3A_257 : vector<16xi1>, vector<16xi32>
        %gt3A = arith.constant 0 : i32
        %gt3A_259 = vector.broadcast %gt3A : i32 to vector<16xi32>
        %gt3A_260 = arith.cmpi sgt, %select_n3A_258, %gt3A_259 : vector<16xi32>
        %jit3A_261 = arith.constant 1 : i32
        %jit3A_262 = arith.constant 0 : i32
        %broadcast_in_dim3A_263 = vector.broadcast %jit3A_261 : i32 to vector<16xi32>
        %broadcast_in_dim3A_264 = vector.broadcast %jit3A_262 : i32 to vector<16xi32>
        %select_n3A_265 = arith.select %gt3A_260, %broadcast_in_dim3A_263, %broadcast_in_dim3A_264 : vector<16xi1>, vector<16xi32>
        %sub3A_266 = arith.constant 1 : i32
        %sub3A_267 = vector.broadcast %sub3A_266 : i32 to vector<16xi32>
        %sub3A_268 = arith.subi %iota3A, %sub3A_267 : vector<16xi32>
        %max3A_269 = arith.constant 0 : i32
        %max3A_270 = vector.broadcast %max3A_269 : i32 to vector<16xi32>
        %max3A_271 = arith.maxsi %sub3A_268, %max3A_270 : vector<16xi32>
        %broadcast_in_dim3A_272 = vector.shape_cast %max3A_271 : vector<16xi32> to vector<16x1xi32>
        %gather3A = vector.shape_cast %broadcast_in_dim3A_272 : vector<16x1xi32> to vector<16xi32>
        %gather3A_273 = tpu.dynamic_gather %select_n3A_265[%gather3A] in [0] : vector<16xi32>, vector<16xi32> -> vector<16xi32>
        %ge3A = arith.constant 1 : i32
        %ge3A_274 = vector.broadcast %ge3A : i32 to vector<16xi32>
        %ge3A_275 = arith.cmpi sge, %iota3A, %ge3A_274 : vector<16xi32>
        %jit3A_276 = arith.constant 0 : i32
        %broadcast_in_dim3A_277 = vector.broadcast %jit3A_276 : i32 to vector<16xi32>
        %select_n3A_278 = arith.select %ge3A_275, %gather3A_273, %broadcast_in_dim3A_277 : vector<16xi1>, vector<16xi32>
        %add3A_279 = arith.addi %select_n3A_265, %select_n3A_278 : vector<16xi32>
        %sub3A_280 = arith.constant 2 : i32
        %sub3A_281 = vector.broadcast %sub3A_280 : i32 to vector<16xi32>
        %sub3A_282 = arith.subi %iota3A, %sub3A_281 : vector<16xi32>
        %max3A_283 = arith.constant 0 : i32
        %max3A_284 = vector.broadcast %max3A_283 : i32 to vector<16xi32>
        %max3A_285 = arith.maxsi %sub3A_282, %max3A_284 : vector<16xi32>
        %broadcast_in_dim3A_286 = vector.shape_cast %max3A_285 : vector<16xi32> to vector<16x1xi32>
        %gather3A_287 = vector.shape_cast %broadcast_in_dim3A_286 : vector<16x1xi32> to vector<16xi32>
        %gather3A_288 = tpu.dynamic_gather %add3A_279[%gather3A_287] in [0] : vector<16xi32>, vector<16xi32> -> vector<16xi32>
        %ge3A_289 = arith.constant 2 : i32
        %ge3A_290 = vector.broadcast %ge3A_289 : i32 to vector<16xi32>
        %ge3A_291 = arith.cmpi sge, %iota3A, %ge3A_290 : vector<16xi32>
        %jit3A_292 = arith.constant 0 : i32
        %broadcast_in_dim3A_293 = vector.broadcast %jit3A_292 : i32 to vector<16xi32>
        %select_n3A_294 = arith.select %ge3A_291, %gather3A_288, %broadcast_in_dim3A_293 : vector<16xi1>, vector<16xi32>
        %add3A_295 = arith.addi %add3A_279, %select_n3A_294 : vector<16xi32>
        %sub3A_296 = arith.constant 4 : i32
        %sub3A_297 = vector.broadcast %sub3A_296 : i32 to vector<16xi32>
        %sub3A_298 = arith.subi %iota3A, %sub3A_297 : vector<16xi32>
        %max3A_299 = arith.constant 0 : i32
        %max3A_300 = vector.broadcast %max3A_299 : i32 to vector<16xi32>
        %max3A_301 = arith.maxsi %sub3A_298, %max3A_300 : vector<16xi32>
        %broadcast_in_dim3A_302 = vector.shape_cast %max3A_301 : vector<16xi32> to vector<16x1xi32>
        %gather3A_303 = vector.shape_cast %broadcast_in_dim3A_302 : vector<16x1xi32> to vector<16xi32>
        %gather3A_304 = tpu.dynamic_gather %add3A_295[%gather3A_303] in [0] : vector<16xi32>, vector<16xi32> -> vector<16xi32>
        %ge3A_305 = arith.constant 4 : i32
        %ge3A_306 = vector.broadcast %ge3A_305 : i32 to vector<16xi32>
        %ge3A_307 = arith.cmpi sge, %iota3A, %ge3A_306 : vector<16xi32>
        %jit3A_308 = arith.constant 0 : i32
        %broadcast_in_dim3A_309 = vector.broadcast %jit3A_308 : i32 to vector<16xi32>
        %select_n3A_310 = arith.select %ge3A_307, %gather3A_304, %broadcast_in_dim3A_309 : vector<16xi1>, vector<16xi32>
        %add3A_311 = arith.addi %add3A_295, %select_n3A_310 : vector<16xi32>
        %sub3A_312 = arith.constant 8 : i32
        %sub3A_313 = vector.broadcast %sub3A_312 : i32 to vector<16xi32>
        %sub3A_314 = arith.subi %iota3A, %sub3A_313 : vector<16xi32>
        %max3A_315 = arith.constant 0 : i32
        %max3A_316 = vector.broadcast %max3A_315 : i32 to vector<16xi32>
        %max3A_317 = arith.maxsi %sub3A_314, %max3A_316 : vector<16xi32>
        %broadcast_in_dim3A_318 = vector.shape_cast %max3A_317 : vector<16xi32> to vector<16x1xi32>
        %gather3A_319 = vector.shape_cast %broadcast_in_dim3A_318 : vector<16x1xi32> to vector<16xi32>
        %gather3A_320 = tpu.dynamic_gather %add3A_311[%gather3A_319] in [0] : vector<16xi32>, vector<16xi32> -> vector<16xi32>
        %ge3A_321 = arith.constant 8 : i32
        %ge3A_322 = vector.broadcast %ge3A_321 : i32 to vector<16xi32>
        %ge3A_323 = arith.cmpi sge, %iota3A, %ge3A_322 : vector<16xi32>
        %jit3A_324 = arith.constant 0 : i32
        %broadcast_in_dim3A_325 = vector.broadcast %jit3A_324 : i32 to vector<16xi32>
        %select_n3A_326 = arith.select %ge3A_323, %gather3A_320, %broadcast_in_dim3A_325 : vector<16xi1>, vector<16xi32>
        %add3A_327 = arith.addi %add3A_311, %select_n3A_326 : vector<16xi32>
        %broadcast_in_dim3A_328 = arith.constant 0 : i32
        %broadcast_in_dim3A_329 = vector.broadcast %broadcast_in_dim3A_328 : i32 to vector<16xi32>
        %add3A_330 = arith.constant 8 : i32
        %add3A_331 = vector.broadcast %add3A_330 : i32 to vector<16xi32>
        %add3A_332 = arith.addi %broadcast_in_dim3A_329, %add3A_331 : vector<16xi32>
        %sub3A_333 = arith.constant 1 : i32
        %sub3A_334 = vector.broadcast %sub3A_333 : i32 to vector<16xi32>
        %sub3A_335 = arith.subi %add3A_332, %sub3A_334 : vector<16xi32>
        %broadcast_in_dim3A_336 = vector.shape_cast %sub3A_335 : vector<16xi32> to vector<16x1xi32>
        %gather3A_337 = vector.shape_cast %broadcast_in_dim3A_336 : vector<16x1xi32> to vector<16xi32>
        %gather3A_338 = tpu.dynamic_gather %add3A_327[%gather3A_337] in [0] : vector<16xi32>, vector<16xi32> -> vector<16xi32>
        %le3A = arith.cmpi sle, %gather3A_338, %iota3A : vector<16xi32>
        %select_n3A_339 = arith.select %le3A, %add3A_332, %broadcast_in_dim3A_329 : vector<16xi1>, vector<16xi32>
        %add3A_340 = arith.constant 4 : i32
        %add3A_341 = vector.broadcast %add3A_340 : i32 to vector<16xi32>
        %add3A_342 = arith.addi %select_n3A_339, %add3A_341 : vector<16xi32>
        %sub3A_343 = arith.constant 1 : i32
        %sub3A_344 = vector.broadcast %sub3A_343 : i32 to vector<16xi32>
        %sub3A_345 = arith.subi %add3A_342, %sub3A_344 : vector<16xi32>
        %broadcast_in_dim3A_346 = vector.shape_cast %sub3A_345 : vector<16xi32> to vector<16x1xi32>
        %gather3A_347 = vector.shape_cast %broadcast_in_dim3A_346 : vector<16x1xi32> to vector<16xi32>
        %gather3A_348 = tpu.dynamic_gather %add3A_327[%gather3A_347] in [0] : vector<16xi32>, vector<16xi32> -> vector<16xi32>
        %le3A_349 = arith.cmpi sle, %gather3A_348, %iota3A : vector<16xi32>
        %select_n3A_350 = arith.select %le3A_349, %add3A_342, %select_n3A_339 : vector<16xi1>, vector<16xi32>
        %add3A_351 = arith.constant 2 : i32
        %add3A_352 = vector.broadcast %add3A_351 : i32 to vector<16xi32>
        %add3A_353 = arith.addi %select_n3A_350, %add3A_352 : vector<16xi32>
        %sub3A_354 = arith.constant 1 : i32
        %sub3A_355 = vector.broadcast %sub3A_354 : i32 to vector<16xi32>
        %sub3A_356 = arith.subi %add3A_353, %sub3A_355 : vector<16xi32>
        %broadcast_in_dim3A_357 = vector.shape_cast %sub3A_356 : vector<16xi32> to vector<16x1xi32>
        %gather3A_358 = vector.shape_cast %broadcast_in_dim3A_357 : vector<16x1xi32> to vector<16xi32>
        %gather3A_359 = tpu.dynamic_gather %add3A_327[%gather3A_358] in [0] : vector<16xi32>, vector<16xi32> -> vector<16xi32>
        %le3A_360 = arith.cmpi sle, %gather3A_359, %iota3A : vector<16xi32>
        %select_n3A_361 = arith.select %le3A_360, %add3A_353, %select_n3A_350 : vector<16xi1>, vector<16xi32>
        %add3A_362 = arith.constant 1 : i32
        %add3A_363 = vector.broadcast %add3A_362 : i32 to vector<16xi32>
        %add3A_364 = arith.addi %select_n3A_361, %add3A_363 : vector<16xi32>
        %sub3A_365 = arith.constant 1 : i32
        %sub3A_366 = vector.broadcast %sub3A_365 : i32 to vector<16xi32>
        %sub3A_367 = arith.subi %add3A_364, %sub3A_366 : vector<16xi32>
        %broadcast_in_dim3A_368 = vector.shape_cast %sub3A_367 : vector<16xi32> to vector<16x1xi32>
        %gather3A_369 = vector.shape_cast %broadcast_in_dim3A_368 : vector<16x1xi32> to vector<16xi32>
        %gather3A_370 = tpu.dynamic_gather %add3A_327[%gather3A_369] in [0] : vector<16xi32>, vector<16xi32> -> vector<16xi32>
        %le3A_371 = arith.cmpi sle, %gather3A_370, %iota3A : vector<16xi32>
        %select_n3A_372 = arith.select %le3A_371, %add3A_364, %select_n3A_361 : vector<16xi1>, vector<16xi32>
        %get3A_373 = arith.index_cast %add3A_249 : i32 to index
        %get3A_374 = tpu.vector_load %arg6[%get3A_373] {strides = array<i32>} : memref<10016xf32, #tpu.memory_space<vmem>>, vector<16xf32>,
        %get3A_375 = vector.shape_cast %get3A_374 : vector<16xf32> to vector<16xf32>
        %sub3A_376 = arith.constant 1.000000e-01 : f32
        %sub3A_377 = vector.broadcast %sub3A_376 : f32 to vector<16xf32>
        %sub3A_378 = arith.subf %sub3A_377, %get3A_375 : vector<16xf32>
        %broadcast_in_dim3A_379 = vector.shape_cast %select_n3A_372 : vector<16xi32> to vector<16x1xi32>
        %gather3A_380 = vector.shape_cast %broadcast_in_dim3A_379 : vector<16x1xi32> to vector<16xi32>
        %gather3A_381 = tpu.dynamic_gather %sub3A_378[%gather3A_380] in [0] : vector<16xf32>, vector<16xi32> -> vector<16xf32>
        %swap3A_382 = arith.index_cast %while3A_246 : i32 to index
        %swap3A_383 = tpu.vector_load %arg10[%swap3A_382] {strides = array<i32>} : memref<480xf32, #tpu.memory_space<vmem>>, vector<16xf32>,
        %swap3A_384 = vector.shape_cast %swap3A_383 : vector<16xf32> to vector<16xf32>
        %swap3A_385 = vector.shape_cast %gather3A_381 : vector<16xf32> to vector<16xf32>
        tpu.vector_store %arg10[%swap3A_382], %swap3A_385 {strides = array<i32>} : memref<480xf32, #tpu.memory_space<vmem>>, vector<16xf32>,
        %slice3A_386 = vector.extract_strided_slice %add3A_327 {offsets = [15], sizes = [1], strides = [1]} : vector<16xi32> to vector<1xi32>
        %squeeze3A_387 = vector.extract %slice3A_386[0] : i32 from vector<1xi32>
        %add3A_388 = arith.addi %while3A_246, %squeeze3A_387 : i32
        scf.yield %add3A_388 : i32
      }
      %eq3A_228 = vector.broadcast %scan3A_180 : i32 to vector<16xi32>
      %eq3A_229 = arith.cmpi eq, %iota3A, %eq3A_228 : vector<16xi32>
      %broadcast_in_dim3A_230 = vector.broadcast %scan3A_181 : i32 to vector<16xi32>
      %select_n3A_231 = arith.select %eq3A_229, %broadcast_in_dim3A_230, %scan3A_182 : vector<16xi1>, vector<16xi32>
      %eq3A_232 = vector.broadcast %scan3A_180 : i32 to vector<16xi32>
      %eq3A_233 = arith.cmpi eq, %iota3A, %eq3A_232 : vector<16xi32>
      %sub3A_234 = arith.subi %while3A_227, %scan3A_181 : i32
      %broadcast_in_dim3A_235 = vector.broadcast %sub3A_234 : i32 to vector<16xi32>
      %select_n3A_236 = arith.select %eq3A_233, %broadcast_in_dim3A_235, %scan3A_183 : vector<16xi1>, vector<16xi32>
      %broadcast_in_dim3A_237 = arith.constant -1.000000e+30 : f32
      %broadcast_in_dim3A_238 = vector.broadcast %broadcast_in_dim3A_237 : f32 to vector<16xf32>
      %swap3A_239 = arith.index_cast %while3A_227 : i32 to index
      %swap3A_240 = tpu.vector_load %arg10[%swap3A_239] {strides = array<i32>} : memref<480xf32, #tpu.memory_space<vmem>>, vector<16xf32>,
      %swap3A_241 = vector.shape_cast %swap3A_240 : vector<16xf32> to vector<16xf32>
      %swap3A_242 = vector.shape_cast %broadcast_in_dim3A_238 : vector<16xf32> to vector<16xf32>
      tpu.vector_store %arg10[%swap3A_239], %swap3A_242 {strides = array<i32>} : memref<480xf32, #tpu.memory_space<vmem>>, vector<16xf32>,
      %add3A_243 = arith.constant 16 : i32
      %add3A_244 = arith.addi %while3A_227, %add3A_243 : i32
      scf.yield %add3A_244, %select_n3A_231, %select_n3A_236 : i32, vector<16xi32>, vector<16xi32>
    }
    %scan3A_137 = arith.constant 8 : i32
    %swap3A_138 = arith.constant 0 : index
    %swap3A_139 = tpu.vector_load %arg11[%swap3A_138] {strides = array<i32>} : memref<48xi32, #tpu.memory_space<vmem>>, vector<16xi32>,
    %swap3A_140 = vector.shape_cast %swap3A_139 : vector<16xi32> to vector<16xi32>
    %swap3A_141 = vector.shape_cast %scan3A_136#1 : vector<16xi32> to vector<16xi32>
    tpu.vector_store %arg11[%swap3A_138], %swap3A_141 {strides = array<i32>} : memref<48xi32, #tpu.memory_space<vmem>>, vector<16xi32>,
    %swap3A_142 = arith.constant 16 : index
    %swap3A_143 = tpu.vector_load %arg11[%swap3A_142] {strides = array<i32>} : memref<48xi32, #tpu.memory_space<vmem>>, vector<16xi32>,
    %swap3A_144 = vector.shape_cast %swap3A_143 : vector<16xi32> to vector<16xi32>
    %swap3A_145 = vector.shape_cast %scan3A_136#2 : vector<16xi32> to vector<16xi32>
    tpu.vector_store %arg11[%swap3A_142], %swap3A_145 {strides = array<i32>} : memref<48xi32, #tpu.memory_space<vmem>>, vector<16xi32>,
    %swap3A_146 = arith.constant 32 : index
    %swap3A_147 = tpu.vector_load %arg11[%swap3A_146] {strides = array<i32>} : memref<48xi32, #tpu.memory_space<vmem>>, vector<16xi32>,
    %swap3A_148 = vector.shape_cast %swap3A_147 : vector<16xi32> to vector<16xi32>
    %swap3A_149 = vector.shape_cast %broadcast_in_dim3A_130 : vector<16xi32> to vector<16xi32>
    tpu.vector_store %arg11[%swap3A_146], %swap3A_149 {strides = array<i32>} : memref<48xi32, #tpu.memory_space<vmem>>, vector<16xi32>,
    %convert_element_type3A = arith.sitofp %scan3A_136#2 : vector<16xi32> to vector<16xf32>
    %swap3A_150 = arith.constant 128 : index
    %swap3A_151 = tpu.vector_load %arg14[%swap3A_150] {strides = array<i32>} : memref<144xf32, #tpu.memory_space<vmem>>, vector<16xf32>,
    %swap3A_152 = vector.shape_cast %swap3A_151 : vector<16xf32> to vector<16xf32>
    %swap3A_153 = vector.shape_cast %convert_element_type3A : vector<16xf32> to vector<16xf32>
    tpu.vector_store %arg14[%swap3A_150], %swap3A_153 {strides = array<i32>} : memref<144xf32, #tpu.memory_space<vmem>>, vector<16xf32>,
    %scan3A_154 = arith.constant 0 : i32
    %scan3A_155 = arith.constant 0 : i32
    %scan3A_156 = arith.constant 8 : i32
    %scan3A_157 = arith.addi %scan3A_155, %scan3A_156 : i32
    %scan3A_158 = arith.constant 1 : i32
    %scan3A_159:3 = scf.for %scan3A_180 = %scan3A_155 to %scan3A_157 step %scan3A_158 iter_args(%scan3A_181 = %scan3A_154, %scan3A_182 = %broadcast_in_dim3A_130, %scan3A_183 = %broadcast_in_dim3A_130) -> (i32, vector<16xi32>, vector<16xi32>)  : i32 {
      %get3A = arith.index_cast %scan3A_180 : i32 to index
      %get3A_184 = tpu.vector_load %arg9[%get3A] {strides = array<i32>} : memref<32xi32, #tpu.memory_space<vmem>>, vector<16xi32>,
      %get3A_185 = vector.shape_cast %get3A_184 : vector<16xi32> to vector<16xi32>
      %slice3A = vector.extract_strided_slice %get3A_185 {offsets = [0], sizes = [1], strides = [1]} : vector<16xi32> to vector<1xi32>
      %squeeze3A = vector.extract %slice3A[0] : i32 from vector<1xi32>
      %add3A_186 = arith.constant 1 : i32
      %add3A_187 = arith.addi %scan3A_180, %add3A_186 : i32
      %get3A_188 = arith.index_cast %add3A_187 : i32 to index
      %get3A_189 = tpu.vector_load %arg9[%get3A_188] {strides = array<i32>} : memref<32xi32, #tpu.memory_space<vmem>>, vector<16xi32>,
      %get3A_190 = vector.shape_cast %get3A_189 : vector<16xi32> to vector<16xi32>
      %slice3A_191 = vector.extract_strided_slice %get3A_190 {offsets = [0], sizes = [1], strides = [1]} : vector<16xi32> to vector<1xi32>
      %squeeze3A_192 = vector.extract %slice3A_191[0] : i32 from vector<1xi32>
      %add3A_193 = arith.constant 16 : i32
      %add3A_194 = arith.addi %add3A_193, %scan3A_180 : i32
      %get3A_195 = arith.index_cast %add3A_194 : i32 to index
      %get3A_196 = tpu.vector_load %arg11[%get3A_195] {strides = array<i32>} : memref<48xi32, #tpu.memory_space<vmem>>, vector<16xi32>,
      %get3A_197 = vector.shape_cast %get3A_196 : vector<16xi32> to vector<16xi32>
      %slice3A_198 = vector.extract_strided_slice %get3A_197 {offsets = [0], sizes = [1], strides = [1]} : vector<16xi32> to vector<1xi32>
      %squeeze3A_199 = vector.extract %slice3A_198[0] : i32 from vector<1xi32>
      %jit3A_200 = arith.constant 16 : i32
      %div3A = arith.divsi %squeeze3A, %jit3A_200 : i32
      %sign3A = arith.constant 0 : i32
      %sign3A_201 = arith.cmpi sgt, %squeeze3A, %sign3A : i32
      %sign3A_202 = arith.extui %sign3A_201 : i1 to i32
      %sign3A_203 = arith.constant 0 : i32
      %sign3A_204 = arith.cmpi slt, %squeeze3A, %sign3A_203 : i32
      %sign3A_205 = arith.extui %sign3A_204 : i1 to i32
      %sign3A_206 = arith.subi %sign3A_202, %sign3A_205 : i32
      %sign3A_207 = arith.constant 0 : i32
      %sign3A_208 = arith.cmpi sgt, %jit3A_200, %sign3A_207 : i32
      %sign3A_209 = arith.extui %sign3A_208 : i1 to i32
      %sign3A_210 = arith.constant 0 : i32
      %sign3A_211 = arith.cmpi slt, %jit3A_200, %sign3A_210 : i32
      %sign3A_212 = arith.extui %sign3A_211 : i1 to i32
      %sign3A_213 = arith.subi %sign3A_209, %sign3A_212 : i32
      %ne3A = arith.cmpi ne, %sign3A_206, %sign3A_213 : i32
      %rem3A = arith.remsi %squeeze3A, %jit3A_200 : i32
      %ne3A_214 = arith.constant 0 : i32
      %ne3A_215 = arith.cmpi ne, %rem3A, %ne3A_214 : i32
      %and3A = arith.andi %ne3A, %ne3A_215 : i1
      %sub3A = arith.constant 1 : i32
      %sub3A_216 = arith.subi %div3A, %sub3A : i32
      %select_n3A_217 = arith.select %and3A, %sub3A_216, %div3A : i32
      %gt3A = arith.constant 0 : i32
      %gt3A_218 = arith.cmpi sgt, %squeeze3A_199, %gt3A : i32
      %add3A_219 = arith.constant 15 : i32
      %add3A_220 = arith.addi %squeeze3A_192, %add3A_219 : i32
      %jit3A_221 = arith.constant 16 : i32
      %div3A_222 = arith.divsi %add3A_220, %jit3A_221 : i32
      %sign3A_223 = arith.constant 0 : i32
      %sign3A_224 = arith.cmpi sgt, %add3A_220, %sign3A_223 : i32
      %sign3A_225 = arith.extui %sign3A_224 : i1 to i32
      %sign3A_226 = arith.constant 0 : i32
      %sign3A_227 = arith.cmpi slt, %add3A_220, %sign3A_226 : i32
      %sign3A_228 = arith.extui %sign3A_227 : i1 to i32
      %sign3A_229 = arith.subi %sign3A_225, %sign3A_228 : i32
      %sign3A_230 = arith.constant 0 : i32
      %sign3A_231 = arith.cmpi sgt, %jit3A_221, %sign3A_230 : i32
      %sign3A_232 = arith.extui %sign3A_231 : i1 to i32
      %sign3A_233 = arith.constant 0 : i32
      %sign3A_234 = arith.cmpi slt, %jit3A_221, %sign3A_233 : i32
      %sign3A_235 = arith.extui %sign3A_234 : i1 to i32
      %sign3A_236 = arith.subi %sign3A_232, %sign3A_235 : i32
      %ne3A_237 = arith.cmpi ne, %sign3A_229, %sign3A_236 : i32
      %rem3A_238 = arith.remsi %add3A_220, %jit3A_221 : i32
      %ne3A_239 = arith.constant 0 : i32
      %ne3A_240 = arith.cmpi ne, %rem3A_238, %ne3A_239 : i32
      %and3A_241 = arith.andi %ne3A_237, %ne3A_240 : i1
      %sub3A_242 = arith.constant 1 : i32
      %sub3A_243 = arith.subi %div3A_222, %sub3A_242 : i32
      %select_n3A_244 = arith.select %and3A_241, %sub3A_243, %div3A_222 : i32
      %sub3A_245 = arith.subi %select_n3A_244, %select_n3A_217 : i32
      %jit3A_246 = arith.constant 0 : i32
      %select_n3A_247 = arith.select %gt3A_218, %sub3A_245, %jit3A_246 : i32
      %while3A = arith.constant 0 : i32
      %while3A_248 = arith.subi %select_n3A_247, %while3A : i32
      %while3A_249 = arith.addi %while3A, %while3A_248 : i32
      %while3A_250 = arith.constant 1 : i32
      %while3A_251 = arith.divsi %while3A_248, %while3A_250 : i32
      %while3A_252 = arith.muli %while3A_251, %while3A_250 : i32
      %while3A_253 = arith.addi %while3A, %while3A_252 : i32
      %while3A_254 = arith.constant 1 : i32
      %while3A_255 = scf.for %while3A_275 = %while3A to %while3A_253 step %while3A_254 iter_args(%while3A_276 = %scan3A_181) -> (i32)  : i32 {
        %add3A_277 = arith.addi %select_n3A_217, %while3A_275 : i32
        %mul3A_278 = arith.constant 16 : i32
        %mul3A_279 = arith.muli %add3A_277, %mul3A_278 : i32
        %add3A_280 = vector.broadcast %mul3A_279 : i32 to vector<16xi32>
        %add3A_281 = arith.addi %add3A_280, %iota3A : vector<16xi32>
        %get3A_282 = arith.index_cast %mul3A_279 : i32 to index
        %get3A_283 = tpu.vector_load %arg7[%get3A_282] {strides = array<i32>} : memref<10016xi32, #tpu.memory_space<vmem>>, vector<16xi32>,
        %get3A_284 = vector.shape_cast %get3A_283 : vector<16xi32> to vector<16xi32>
        %ge3A = vector.broadcast %squeeze3A : i32 to vector<16xi32>
        %ge3A_285 = arith.cmpi sge, %add3A_281, %ge3A : vector<16xi32>
        %jit3A_286 = arith.constant 1 : i32
        %broadcast_in_dim3A_287 = vector.broadcast %jit3A_286 : i32 to vector<16xi32>
        %select_n3A_288 = arith.select %ge3A_285, %get3A_284, %broadcast_in_dim3A_287 : vector<16xi1>, vector<16xi32>
        %lt3A = vector.broadcast %squeeze3A_192 : i32 to vector<16xi32>
        %lt3A_289 = arith.cmpi slt, %add3A_281, %lt3A : vector<16xi32>
        %jit3A_290 = arith.constant 1 : i32
        %broadcast_in_dim3A_291 = vector.broadcast %jit3A_290 : i32 to vector<16xi32>
        %select_n3A_292 = arith.select %lt3A_289, %select_n3A_288, %broadcast_in_dim3A_291 : vector<16xi1>, vector<16xi32>
        %eq3A_293 = arith.constant 0 : i32
        %eq3A_294 = vector.broadcast %eq3A_293 : i32 to vector<16xi32>
        %eq3A_295 = arith.cmpi eq, %select_n3A_292, %eq3A_294 : vector<16xi32>
        %jit3A_296 = arith.constant 1 : i32
        %jit3A_297 = arith.constant 0 : i32
        %broadcast_in_dim3A_298 = vector.broadcast %jit3A_296 : i32 to vector<16xi32>
        %broadcast_in_dim3A_299 = vector.broadcast %jit3A_297 : i32 to vector<16xi32>
        %select_n3A_300 = arith.select %eq3A_295, %broadcast_in_dim3A_298, %broadcast_in_dim3A_299 : vector<16xi1>, vector<16xi32>
        %sub3A_301 = arith.constant 1 : i32
        %sub3A_302 = vector.broadcast %sub3A_301 : i32 to vector<16xi32>
        %sub3A_303 = arith.subi %iota3A, %sub3A_302 : vector<16xi32>
        %max3A = arith.constant 0 : i32
        %max3A_304 = vector.broadcast %max3A : i32 to vector<16xi32>
        %max3A_305 = arith.maxsi %sub3A_303, %max3A_304 : vector<16xi32>
        %broadcast_in_dim3A_306 = vector.shape_cast %max3A_305 : vector<16xi32> to vector<16x1xi32>
        %gather3A = vector.shape_cast %broadcast_in_dim3A_306 : vector<16x1xi32> to vector<16xi32>
        %gather3A_307 = tpu.dynamic_gather %select_n3A_300[%gather3A] in [0] : vector<16xi32>, vector<16xi32> -> vector<16xi32>
        %ge3A_308 = arith.constant 1 : i32
        %ge3A_309 = vector.broadcast %ge3A_308 : i32 to vector<16xi32>
        %ge3A_310 = arith.cmpi sge, %iota3A, %ge3A_309 : vector<16xi32>
        %jit3A_311 = arith.constant 0 : i32
        %broadcast_in_dim3A_312 = vector.broadcast %jit3A_311 : i32 to vector<16xi32>
        %select_n3A_313 = arith.select %ge3A_310, %gather3A_307, %broadcast_in_dim3A_312 : vector<16xi1>, vector<16xi32>
        %add3A_314 = arith.addi %select_n3A_300, %select_n3A_313 : vector<16xi32>
        %sub3A_315 = arith.constant 2 : i32
        %sub3A_316 = vector.broadcast %sub3A_315 : i32 to vector<16xi32>
        %sub3A_317 = arith.subi %iota3A, %sub3A_316 : vector<16xi32>
        %max3A_318 = arith.constant 0 : i32
        %max3A_319 = vector.broadcast %max3A_318 : i32 to vector<16xi32>
        %max3A_320 = arith.maxsi %sub3A_317, %max3A_319 : vector<16xi32>
        %broadcast_in_dim3A_321 = vector.shape_cast %max3A_320 : vector<16xi32> to vector<16x1xi32>
        %gather3A_322 = vector.shape_cast %broadcast_in_dim3A_321 : vector<16x1xi32> to vector<16xi32>
        %gather3A_323 = tpu.dynamic_gather %add3A_314[%gather3A_322] in [0] : vector<16xi32>, vector<16xi32> -> vector<16xi32>
        %ge3A_324 = arith.constant 2 : i32
        %ge3A_325 = vector.broadcast %ge3A_324 : i32 to vector<16xi32>
        %ge3A_326 = arith.cmpi sge, %iota3A, %ge3A_325 : vector<16xi32>
        %jit3A_327 = arith.constant 0 : i32
        %broadcast_in_dim3A_328 = vector.broadcast %jit3A_327 : i32 to vector<16xi32>
        %select_n3A_329 = arith.select %ge3A_326, %gather3A_323, %broadcast_in_dim3A_328 : vector<16xi1>, vector<16xi32>
        %add3A_330 = arith.addi %add3A_314, %select_n3A_329 : vector<16xi32>
        %sub3A_331 = arith.constant 4 : i32
        %sub3A_332 = vector.broadcast %sub3A_331 : i32 to vector<16xi32>
        %sub3A_333 = arith.subi %iota3A, %sub3A_332 : vector<16xi32>
        %max3A_334 = arith.constant 0 : i32
        %max3A_335 = vector.broadcast %max3A_334 : i32 to vector<16xi32>
        %max3A_336 = arith.maxsi %sub3A_333, %max3A_335 : vector<16xi32>
        %broadcast_in_dim3A_337 = vector.shape_cast %max3A_336 : vector<16xi32> to vector<16x1xi32>
        %gather3A_338 = vector.shape_cast %broadcast_in_dim3A_337 : vector<16x1xi32> to vector<16xi32>
        %gather3A_339 = tpu.dynamic_gather %add3A_330[%gather3A_338] in [0] : vector<16xi32>, vector<16xi32> -> vector<16xi32>
        %ge3A_340 = arith.constant 4 : i32
        %ge3A_341 = vector.broadcast %ge3A_340 : i32 to vector<16xi32>
        %ge3A_342 = arith.cmpi sge, %iota3A, %ge3A_341 : vector<16xi32>
        %jit3A_343 = arith.constant 0 : i32
        %broadcast_in_dim3A_344 = vector.broadcast %jit3A_343 : i32 to vector<16xi32>
        %select_n3A_345 = arith.select %ge3A_342, %gather3A_339, %broadcast_in_dim3A_344 : vector<16xi1>, vector<16xi32>
        %add3A_346 = arith.addi %add3A_330, %select_n3A_345 : vector<16xi32>
        %sub3A_347 = arith.constant 8 : i32
        %sub3A_348 = vector.broadcast %sub3A_347 : i32 to vector<16xi32>
        %sub3A_349 = arith.subi %iota3A, %sub3A_348 : vector<16xi32>
        %max3A_350 = arith.constant 0 : i32
        %max3A_351 = vector.broadcast %max3A_350 : i32 to vector<16xi32>
        %max3A_352 = arith.maxsi %sub3A_349, %max3A_351 : vector<16xi32>
        %broadcast_in_dim3A_353 = vector.shape_cast %max3A_352 : vector<16xi32> to vector<16x1xi32>
        %gather3A_354 = vector.shape_cast %broadcast_in_dim3A_353 : vector<16x1xi32> to vector<16xi32>
        %gather3A_355 = tpu.dynamic_gather %add3A_346[%gather3A_354] in [0] : vector<16xi32>, vector<16xi32> -> vector<16xi32>
        %ge3A_356 = arith.constant 8 : i32
        %ge3A_357 = vector.broadcast %ge3A_356 : i32 to vector<16xi32>
        %ge3A_358 = arith.cmpi sge, %iota3A, %ge3A_357 : vector<16xi32>
        %jit3A_359 = arith.constant 0 : i32
        %broadcast_in_dim3A_360 = vector.broadcast %jit3A_359 : i32 to vector<16xi32>
        %select_n3A_361 = arith.select %ge3A_358, %gather3A_355, %broadcast_in_dim3A_360 : vector<16xi1>, vector<16xi32>
        %add3A_362 = arith.addi %add3A_346, %select_n3A_361 : vector<16xi32>
        %broadcast_in_dim3A_363 = arith.constant 0 : i32
        %broadcast_in_dim3A_364 = vector.broadcast %broadcast_in_dim3A_363 : i32 to vector<16xi32>
        %add3A_365 = arith.constant 8 : i32
        %add3A_366 = vector.broadcast %add3A_365 : i32 to vector<16xi32>
        %add3A_367 = arith.addi %broadcast_in_dim3A_364, %add3A_366 : vector<16xi32>
        %sub3A_368 = arith.constant 1 : i32
        %sub3A_369 = vector.broadcast %sub3A_368 : i32 to vector<16xi32>
        %sub3A_370 = arith.subi %add3A_367, %sub3A_369 : vector<16xi32>
        %broadcast_in_dim3A_371 = vector.shape_cast %sub3A_370 : vector<16xi32> to vector<16x1xi32>
        %gather3A_372 = vector.shape_cast %broadcast_in_dim3A_371 : vector<16x1xi32> to vector<16xi32>
        %gather3A_373 = tpu.dynamic_gather %add3A_362[%gather3A_372] in [0] : vector<16xi32>, vector<16xi32> -> vector<16xi32>
        %le3A = arith.cmpi sle, %gather3A_373, %iota3A : vector<16xi32>
        %select_n3A_374 = arith.select %le3A, %add3A_367, %broadcast_in_dim3A_364 : vector<16xi1>, vector<16xi32>
        %add3A_375 = arith.constant 4 : i32
        %add3A_376 = vector.broadcast %add3A_375 : i32 to vector<16xi32>
        %add3A_377 = arith.addi %select_n3A_374, %add3A_376 : vector<16xi32>
        %sub3A_378 = arith.constant 1 : i32
        %sub3A_379 = vector.broadcast %sub3A_378 : i32 to vector<16xi32>
        %sub3A_380 = arith.subi %add3A_377, %sub3A_379 : vector<16xi32>
        %broadcast_in_dim3A_381 = vector.shape_cast %sub3A_380 : vector<16xi32> to vector<16x1xi32>
        %gather3A_382 = vector.shape_cast %broadcast_in_dim3A_381 : vector<16x1xi32> to vector<16xi32>
        %gather3A_383 = tpu.dynamic_gather %add3A_362[%gather3A_382] in [0] : vector<16xi32>, vector<16xi32> -> vector<16xi32>
        %le3A_384 = arith.cmpi sle, %gather3A_383, %iota3A : vector<16xi32>
        %select_n3A_385 = arith.select %le3A_384, %add3A_377, %select_n3A_374 : vector<16xi1>, vector<16xi32>
        %add3A_386 = arith.constant 2 : i32
        %add3A_387 = vector.broadcast %add3A_386 : i32 to vector<16xi32>
        %add3A_388 = arith.addi %select_n3A_385, %add3A_387 : vector<16xi32>
        %sub3A_389 = arith.constant 1 : i32
        %sub3A_390 = vector.broadcast %sub3A_389 : i32 to vector<16xi32>
        %sub3A_391 = arith.subi %add3A_388, %sub3A_390 : vector<16xi32>
        %broadcast_in_dim3A_392 = vector.shape_cast %sub3A_391 : vector<16xi32> to vector<16x1xi32>
        %gather3A_393 = vector.shape_cast %broadcast_in_dim3A_392 : vector<16x1xi32> to vector<16xi32>
        %gather3A_394 = tpu.dynamic_gather %add3A_362[%gather3A_393] in [0] : vector<16xi32>, vector<16xi32> -> vector<16xi32>
        %le3A_395 = arith.cmpi sle, %gather3A_394, %iota3A : vector<16xi32>
        %select_n3A_396 = arith.select %le3A_395, %add3A_388, %select_n3A_385 : vector<16xi1>, vector<16xi32>
        %add3A_397 = arith.constant 1 : i32
        %add3A_398 = vector.broadcast %add3A_397 : i32 to vector<16xi32>
        %add3A_399 = arith.addi %select_n3A_396, %add3A_398 : vector<16xi32>
        %sub3A_400 = arith.constant 1 : i32
        %sub3A_401 = vector.broadcast %sub3A_400 : i32 to vector<16xi32>
        %sub3A_402 = arith.subi %add3A_399, %sub3A_401 : vector<16xi32>
        %broadcast_in_dim3A_403 = vector.shape_cast %sub3A_402 : vector<16xi32> to vector<16x1xi32>
        %gather3A_404 = vector.shape_cast %broadcast_in_dim3A_403 : vector<16x1xi32> to vector<16xi32>
        %gather3A_405 = tpu.dynamic_gather %add3A_362[%gather3A_404] in [0] : vector<16xi32>, vector<16xi32> -> vector<16xi32>
        %le3A_406 = arith.cmpi sle, %gather3A_405, %iota3A : vector<16xi32>
        %select_n3A_407 = arith.select %le3A_406, %add3A_399, %select_n3A_396 : vector<16xi1>, vector<16xi32>
        %get3A_408 = arith.index_cast %mul3A_279 : i32 to index
        %get3A_409 = tpu.vector_load %arg6[%get3A_408] {strides = array<i32>} : memref<10016xf32, #tpu.memory_space<vmem>>, vector<16xf32>,
        %get3A_410 = vector.shape_cast %get3A_409 : vector<16xf32> to vector<16xf32>
        %broadcast_in_dim3A_411 = vector.shape_cast %select_n3A_407 : vector<16xi32> to vector<16x1xi32>
        %gather3A_412 = vector.shape_cast %broadcast_in_dim3A_411 : vector<16x1xi32> to vector<16xi32>
        %gather3A_413 = tpu.dynamic_gather %get3A_410[%gather3A_412] in [0] : vector<16xf32>, vector<16xi32> -> vector<16xf32>
        %swap3A_414 = arith.index_cast %while3A_276 : i32 to index
        %swap3A_415 = tpu.vector_load %arg12[%swap3A_414] {strides = array<i32>} : memref<10160xf32, #tpu.memory_space<vmem>>, vector<16xf32>,
        %swap3A_416 = vector.shape_cast %swap3A_415 : vector<16xf32> to vector<16xf32>
        %swap3A_417 = vector.shape_cast %gather3A_413 : vector<16xf32> to vector<16xf32>
        tpu.vector_store %arg12[%swap3A_414], %swap3A_417 {strides = array<i32>} : memref<10160xf32, #tpu.memory_space<vmem>>, vector<16xf32>,
        %slice3A_418 = vector.extract_strided_slice %add3A_362 {offsets = [15], sizes = [1], strides = [1]} : vector<16xi32> to vector<1xi32>
        %squeeze3A_419 = vector.extract %slice3A_418[0] : i32 from vector<1xi32>
        %add3A_420 = arith.addi %while3A_276, %squeeze3A_419 : i32
        scf.yield %add3A_420 : i32
      }
      %while3A_256 = arith.constant 1 : i32
      %while3A_257 = scf.for %while3A_275 = %while3A_253 to %while3A_249 step %while3A_256 iter_args(%while3A_276 = %while3A_255) -> (i32)  : i32 {
        %add3A_277 = arith.addi %select_n3A_217, %while3A_275 : i32
        %mul3A_278 = arith.constant 16 : i32
        %mul3A_279 = arith.muli %add3A_277, %mul3A_278 : i32
        %add3A_280 = vector.broadcast %mul3A_279 : i32 to vector<16xi32>
        %add3A_281 = arith.addi %add3A_280, %iota3A : vector<16xi32>
        %get3A_282 = arith.index_cast %mul3A_279 : i32 to index
        %get3A_283 = tpu.vector_load %arg7[%get3A_282] {strides = array<i32>} : memref<10016xi32, #tpu.memory_space<vmem>>, vector<16xi32>,
        %get3A_284 = vector.shape_cast %get3A_283 : vector<16xi32> to vector<16xi32>
        %ge3A = vector.broadcast %squeeze3A : i32 to vector<16xi32>
        %ge3A_285 = arith.cmpi sge, %add3A_281, %ge3A : vector<16xi32>
        %jit3A_286 = arith.constant 1 : i32
        %broadcast_in_dim3A_287 = vector.broadcast %jit3A_286 : i32 to vector<16xi32>
        %select_n3A_288 = arith.select %ge3A_285, %get3A_284, %broadcast_in_dim3A_287 : vector<16xi1>, vector<16xi32>
        %lt3A = vector.broadcast %squeeze3A_192 : i32 to vector<16xi32>
        %lt3A_289 = arith.cmpi slt, %add3A_281, %lt3A : vector<16xi32>
        %jit3A_290 = arith.constant 1 : i32
        %broadcast_in_dim3A_291 = vector.broadcast %jit3A_290 : i32 to vector<16xi32>
        %select_n3A_292 = arith.select %lt3A_289, %select_n3A_288, %broadcast_in_dim3A_291 : vector<16xi1>, vector<16xi32>
        %eq3A_293 = arith.constant 0 : i32
        %eq3A_294 = vector.broadcast %eq3A_293 : i32 to vector<16xi32>
        %eq3A_295 = arith.cmpi eq, %select_n3A_292, %eq3A_294 : vector<16xi32>
        %jit3A_296 = arith.constant 1 : i32
        %jit3A_297 = arith.constant 0 : i32
        %broadcast_in_dim3A_298 = vector.broadcast %jit3A_296 : i32 to vector<16xi32>
        %broadcast_in_dim3A_299 = vector.broadcast %jit3A_297 : i32 to vector<16xi32>
        %select_n3A_300 = arith.select %eq3A_295, %broadcast_in_dim3A_298, %broadcast_in_dim3A_299 : vector<16xi1>, vector<16xi32>
        %sub3A_301 = arith.constant 1 : i32
        %sub3A_302 = vector.broadcast %sub3A_301 : i32 to vector<16xi32>
        %sub3A_303 = arith.subi %iota3A, %sub3A_302 : vector<16xi32>
        %max3A = arith.constant 0 : i32
        %max3A_304 = vector.broadcast %max3A : i32 to vector<16xi32>
        %max3A_305 = arith.maxsi %sub3A_303, %max3A_304 : vector<16xi32>
        %broadcast_in_dim3A_306 = vector.shape_cast %max3A_305 : vector<16xi32> to vector<16x1xi32>
        %gather3A = vector.shape_cast %broadcast_in_dim3A_306 : vector<16x1xi32> to vector<16xi32>
        %gather3A_307 = tpu.dynamic_gather %select_n3A_300[%gather3A] in [0] : vector<16xi32>, vector<16xi32> -> vector<16xi32>
        %ge3A_308 = arith.constant 1 : i32
        %ge3A_309 = vector.broadcast %ge3A_308 : i32 to vector<16xi32>
        %ge3A_310 = arith.cmpi sge, %iota3A, %ge3A_309 : vector<16xi32>
        %jit3A_311 = arith.constant 0 : i32
        %broadcast_in_dim3A_312 = vector.broadcast %jit3A_311 : i32 to vector<16xi32>
        %select_n3A_313 = arith.select %ge3A_310, %gather3A_307, %broadcast_in_dim3A_312 : vector<16xi1>, vector<16xi32>
        %add3A_314 = arith.addi %select_n3A_300, %select_n3A_313 : vector<16xi32>
        %sub3A_315 = arith.constant 2 : i32
        %sub3A_316 = vector.broadcast %sub3A_315 : i32 to vector<16xi32>
        %sub3A_317 = arith.subi %iota3A, %sub3A_316 : vector<16xi32>
        %max3A_318 = arith.constant 0 : i32
        %max3A_319 = vector.broadcast %max3A_318 : i32 to vector<16xi32>
        %max3A_320 = arith.maxsi %sub3A_317, %max3A_319 : vector<16xi32>
        %broadcast_in_dim3A_321 = vector.shape_cast %max3A_320 : vector<16xi32> to vector<16x1xi32>
        %gather3A_322 = vector.shape_cast %broadcast_in_dim3A_321 : vector<16x1xi32> to vector<16xi32>
        %gather3A_323 = tpu.dynamic_gather %add3A_314[%gather3A_322] in [0] : vector<16xi32>, vector<16xi32> -> vector<16xi32>
        %ge3A_324 = arith.constant 2 : i32
        %ge3A_325 = vector.broadcast %ge3A_324 : i32 to vector<16xi32>
        %ge3A_326 = arith.cmpi sge, %iota3A, %ge3A_325 : vector<16xi32>
        %jit3A_327 = arith.constant 0 : i32
        %broadcast_in_dim3A_328 = vector.broadcast %jit3A_327 : i32 to vector<16xi32>
        %select_n3A_329 = arith.select %ge3A_326, %gather3A_323, %broadcast_in_dim3A_328 : vector<16xi1>, vector<16xi32>
        %add3A_330 = arith.addi %add3A_314, %select_n3A_329 : vector<16xi32>
        %sub3A_331 = arith.constant 4 : i32
        %sub3A_332 = vector.broadcast %sub3A_331 : i32 to vector<16xi32>
        %sub3A_333 = arith.subi %iota3A, %sub3A_332 : vector<16xi32>
        %max3A_334 = arith.constant 0 : i32
        %max3A_335 = vector.broadcast %max3A_334 : i32 to vector<16xi32>
        %max3A_336 = arith.maxsi %sub3A_333, %max3A_335 : vector<16xi32>
        %broadcast_in_dim3A_337 = vector.shape_cast %max3A_336 : vector<16xi32> to vector<16x1xi32>
        %gather3A_338 = vector.shape_cast %broadcast_in_dim3A_337 : vector<16x1xi32> to vector<16xi32>
        %gather3A_339 = tpu.dynamic_gather %add3A_330[%gather3A_338] in [0] : vector<16xi32>, vector<16xi32> -> vector<16xi32>
        %ge3A_340 = arith.constant 4 : i32
        %ge3A_341 = vector.broadcast %ge3A_340 : i32 to vector<16xi32>
        %ge3A_342 = arith.cmpi sge, %iota3A, %ge3A_341 : vector<16xi32>
        %jit3A_343 = arith.constant 0 : i32
        %broadcast_in_dim3A_344 = vector.broadcast %jit3A_343 : i32 to vector<16xi32>
        %select_n3A_345 = arith.select %ge3A_342, %gather3A_339, %broadcast_in_dim3A_344 : vector<16xi1>, vector<16xi32>
        %add3A_346 = arith.addi %add3A_330, %select_n3A_345 : vector<16xi32>
        %sub3A_347 = arith.constant 8 : i32
        %sub3A_348 = vector.broadcast %sub3A_347 : i32 to vector<16xi32>
        %sub3A_349 = arith.subi %iota3A, %sub3A_348 : vector<16xi32>
        %max3A_350 = arith.constant 0 : i32
        %max3A_351 = vector.broadcast %max3A_350 : i32 to vector<16xi32>
        %max3A_352 = arith.maxsi %sub3A_349, %max3A_351 : vector<16xi32>
        %broadcast_in_dim3A_353 = vector.shape_cast %max3A_352 : vector<16xi32> to vector<16x1xi32>
        %gather3A_354 = vector.shape_cast %broadcast_in_dim3A_353 : vector<16x1xi32> to vector<16xi32>
        %gather3A_355 = tpu.dynamic_gather %add3A_346[%gather3A_354] in [0] : vector<16xi32>, vector<16xi32> -> vector<16xi32>
        %ge3A_356 = arith.constant 8 : i32
        %ge3A_357 = vector.broadcast %ge3A_356 : i32 to vector<16xi32>
        %ge3A_358 = arith.cmpi sge, %iota3A, %ge3A_357 : vector<16xi32>
        %jit3A_359 = arith.constant 0 : i32
        %broadcast_in_dim3A_360 = vector.broadcast %jit3A_359 : i32 to vector<16xi32>
        %select_n3A_361 = arith.select %ge3A_358, %gather3A_355, %broadcast_in_dim3A_360 : vector<16xi1>, vector<16xi32>
        %add3A_362 = arith.addi %add3A_346, %select_n3A_361 : vector<16xi32>
        %broadcast_in_dim3A_363 = arith.constant 0 : i32
        %broadcast_in_dim3A_364 = vector.broadcast %broadcast_in_dim3A_363 : i32 to vector<16xi32>
        %add3A_365 = arith.constant 8 : i32
        %add3A_366 = vector.broadcast %add3A_365 : i32 to vector<16xi32>
        %add3A_367 = arith.addi %broadcast_in_dim3A_364, %add3A_366 : vector<16xi32>
        %sub3A_368 = arith.constant 1 : i32
        %sub3A_369 = vector.broadcast %sub3A_368 : i32 to vector<16xi32>
        %sub3A_370 = arith.subi %add3A_367, %sub3A_369 : vector<16xi32>
        %broadcast_in_dim3A_371 = vector.shape_cast %sub3A_370 : vector<16xi32> to vector<16x1xi32>
        %gather3A_372 = vector.shape_cast %broadcast_in_dim3A_371 : vector<16x1xi32> to vector<16xi32>
        %gather3A_373 = tpu.dynamic_gather %add3A_362[%gather3A_372] in [0] : vector<16xi32>, vector<16xi32> -> vector<16xi32>
        %le3A = arith.cmpi sle, %gather3A_373, %iota3A : vector<16xi32>
        %select_n3A_374 = arith.select %le3A, %add3A_367, %broadcast_in_dim3A_364 : vector<16xi1>, vector<16xi32>
        %add3A_375 = arith.constant 4 : i32
        %add3A_376 = vector.broadcast %add3A_375 : i32 to vector<16xi32>
        %add3A_377 = arith.addi %select_n3A_374, %add3A_376 : vector<16xi32>
        %sub3A_378 = arith.constant 1 : i32
        %sub3A_379 = vector.broadcast %sub3A_378 : i32 to vector<16xi32>
        %sub3A_380 = arith.subi %add3A_377, %sub3A_379 : vector<16xi32>
        %broadcast_in_dim3A_381 = vector.shape_cast %sub3A_380 : vector<16xi32> to vector<16x1xi32>
        %gather3A_382 = vector.shape_cast %broadcast_in_dim3A_381 : vector<16x1xi32> to vector<16xi32>
        %gather3A_383 = tpu.dynamic_gather %add3A_362[%gather3A_382] in [0] : vector<16xi32>, vector<16xi32> -> vector<16xi32>
        %le3A_384 = arith.cmpi sle, %gather3A_383, %iota3A : vector<16xi32>
        %select_n3A_385 = arith.select %le3A_384, %add3A_377, %select_n3A_374 : vector<16xi1>, vector<16xi32>
        %add3A_386 = arith.constant 2 : i32
        %add3A_387 = vector.broadcast %add3A_386 : i32 to vector<16xi32>
        %add3A_388 = arith.addi %select_n3A_385, %add3A_387 : vector<16xi32>
        %sub3A_389 = arith.constant 1 : i32
        %sub3A_390 = vector.broadcast %sub3A_389 : i32 to vector<16xi32>
        %sub3A_391 = arith.subi %add3A_388, %sub3A_390 : vector<16xi32>
        %broadcast_in_dim3A_392 = vector.shape_cast %sub3A_391 : vector<16xi32> to vector<16x1xi32>
        %gather3A_393 = vector.shape_cast %broadcast_in_dim3A_392 : vector<16x1xi32> to vector<16xi32>
        %gather3A_394 = tpu.dynamic_gather %add3A_362[%gather3A_393] in [0] : vector<16xi32>, vector<16xi32> -> vector<16xi32>
        %le3A_395 = arith.cmpi sle, %gather3A_394, %iota3A : vector<16xi32>
        %select_n3A_396 = arith.select %le3A_395, %add3A_388, %select_n3A_385 : vector<16xi1>, vector<16xi32>
        %add3A_397 = arith.constant 1 : i32
        %add3A_398 = vector.broadcast %add3A_397 : i32 to vector<16xi32>
        %add3A_399 = arith.addi %select_n3A_396, %add3A_398 : vector<16xi32>
        %sub3A_400 = arith.constant 1 : i32
        %sub3A_401 = vector.broadcast %sub3A_400 : i32 to vector<16xi32>
        %sub3A_402 = arith.subi %add3A_399, %sub3A_401 : vector<16xi32>
        %broadcast_in_dim3A_403 = vector.shape_cast %sub3A_402 : vector<16xi32> to vector<16x1xi32>
        %gather3A_404 = vector.shape_cast %broadcast_in_dim3A_403 : vector<16x1xi32> to vector<16xi32>
        %gather3A_405 = tpu.dynamic_gather %add3A_362[%gather3A_404] in [0] : vector<16xi32>, vector<16xi32> -> vector<16xi32>
        %le3A_406 = arith.cmpi sle, %gather3A_405, %iota3A : vector<16xi32>
        %select_n3A_407 = arith.select %le3A_406, %add3A_399, %select_n3A_396 : vector<16xi1>, vector<16xi32>
        %get3A_408 = arith.index_cast %mul3A_279 : i32 to index
        %get3A_409 = tpu.vector_load %arg6[%get3A_408] {strides = array<i32>} : memref<10016xf32, #tpu.memory_space<vmem>>, vector<16xf32>,
        %get3A_410 = vector.shape_cast %get3A_409 : vector<16xf32> to vector<16xf32>
        %broadcast_in_dim3A_411 = vector.shape_cast %select_n3A_407 : vector<16xi32> to vector<16x1xi32>
        %gather3A_412 = vector.shape_cast %broadcast_in_dim3A_411 : vector<16x1xi32> to vector<16xi32>
        %gather3A_413 = tpu.dynamic_gather %get3A_410[%gather3A_412] in [0] : vector<16xf32>, vector<16xi32> -> vector<16xf32>
        %swap3A_414 = arith.index_cast %while3A_276 : i32 to index
        %swap3A_415 = tpu.vector_load %arg12[%swap3A_414] {strides = array<i32>} : memref<10160xf32, #tpu.memory_space<vmem>>, vector<16xf32>,
        %swap3A_416 = vector.shape_cast %swap3A_415 : vector<16xf32> to vector<16xf32>
        %swap3A_417 = vector.shape_cast %gather3A_413 : vector<16xf32> to vector<16xf32>
        tpu.vector_store %arg12[%swap3A_414], %swap3A_417 {strides = array<i32>} : memref<10160xf32, #tpu.memory_space<vmem>>, vector<16xf32>,
        %slice3A_418 = vector.extract_strided_slice %add3A_362 {offsets = [15], sizes = [1], strides = [1]} : vector<16xi32> to vector<1xi32>
        %squeeze3A_419 = vector.extract %slice3A_418[0] : i32 from vector<1xi32>
        %add3A_420 = arith.addi %while3A_276, %squeeze3A_419 : i32
        scf.yield %add3A_420 : i32
      }
      %eq3A_258 = vector.broadcast %scan3A_180 : i32 to vector<16xi32>
      %eq3A_259 = arith.cmpi eq, %iota3A, %eq3A_258 : vector<16xi32>
      %broadcast_in_dim3A_260 = vector.broadcast %scan3A_181 : i32 to vector<16xi32>
      %select_n3A_261 = arith.select %eq3A_259, %broadcast_in_dim3A_260, %scan3A_182 : vector<16xi1>, vector<16xi32>
      %eq3A_262 = vector.broadcast %scan3A_180 : i32 to vector<16xi32>
      %eq3A_263 = arith.cmpi eq, %iota3A, %eq3A_262 : vector<16xi32>
      %sub3A_264 = arith.subi %while3A_257, %scan3A_181 : i32
      %broadcast_in_dim3A_265 = vector.broadcast %sub3A_264 : i32 to vector<16xi32>
      %select_n3A_266 = arith.select %eq3A_263, %broadcast_in_dim3A_265, %scan3A_183 : vector<16xi1>, vector<16xi32>
      %broadcast_in_dim3A_267 = arith.constant -1.000000e+30 : f32
      %broadcast_in_dim3A_268 = vector.broadcast %broadcast_in_dim3A_267 : f32 to vector<16xf32>
      %swap3A_269 = arith.index_cast %while3A_257 : i32 to index
      %swap3A_270 = tpu.vector_load %arg12[%swap3A_269] {strides = array<i32>} : memref<10160xf32, #tpu.memory_space<vmem>>, vector<16xf32>,
      %swap3A_271 = vector.shape_cast %swap3A_270 : vector<16xf32> to vector<16xf32>
      %swap3A_272 = vector.shape_cast %broadcast_in_dim3A_268 : vector<16xf32> to vector<16xf32>
      tpu.vector_store %arg12[%swap3A_269], %swap3A_272 {strides = array<i32>} : memref<10160xf32, #tpu.memory_space<vmem>>, vector<16xf32>,
      %add3A_273 = arith.constant 16 : i32
      %add3A_274 = arith.addi %while3A_257, %add3A_273 : i32
      scf.yield %add3A_274, %select_n3A_261, %select_n3A_266 : i32, vector<16xi32>, vector<16xi32>
    }
    %scan3A_160 = arith.constant 8 : i32
    %swap3A_161 = arith.constant 0 : index
    %swap3A_162 = tpu.vector_load %arg13[%swap3A_161] {strides = array<i32>} : memref<48xi32, #tpu.memory_space<vmem>>, vector<16xi32>,
    %swap3A_163 = vector.shape_cast %swap3A_162 : vector<16xi32> to vector<16xi32>
    %swap3A_164 = vector.shape_cast %scan3A_159#1 : vector<16xi32> to vector<16xi32>
    tpu.vector_store %arg13[%swap3A_161], %swap3A_164 {strides = array<i32>} : memref<48xi32, #tpu.memory_space<vmem>>, vector<16xi32>,
    %swap3A_165 = arith.constant 16 : index
    %swap3A_166 = tpu.vector_load %arg13[%swap3A_165] {strides = array<i32>} : memref<48xi32, #tpu.memory_space<vmem>>, vector<16xi32>,
    %swap3A_167 = vector.shape_cast %swap3A_166 : vector<16xi32> to vector<16xi32>
    %swap3A_168 = vector.shape_cast %scan3A_159#2 : vector<16xi32> to vector<16xi32>
    tpu.vector_store %arg13[%swap3A_165], %swap3A_168 {strides = array<i32>} : memref<48xi32, #tpu.memory_space<vmem>>, vector<16xi32>,
    %swap3A_169 = arith.constant 32 : index
    %swap3A_170 = tpu.vector_load %arg13[%swap3A_169] {strides = array<i32>} : memref<48xi32, #tpu.memory_space<vmem>>, vector<16xi32>,
    %swap3A_171 = vector.shape_cast %swap3A_170 : vector<16xi32> to vector<16xi32>
    %swap3A_172 = vector.shape_cast %broadcast_in_dim3A_130 : vector<16xi32> to vector<16xi32>
    tpu.vector_store %arg13[%swap3A_169], %swap3A_172 {strides = array<i32>} : memref<48xi32, #tpu.memory_space<vmem>>, vector<16xi32>,
    %scan3A_173 = arith.constant 0 : i32
    %scan3A_174 = arith.constant 0 : i32
    %scan3A_175 = arith.constant 8 : i32
    %scan3A_176 = arith.addi %scan3A_174, %scan3A_175 : i32
    %scan3A_177 = arith.constant 1 : i32
    %scan3A_178 = scf.for %scan3A_180 = %scan3A_174 to %scan3A_176 step %scan3A_177 iter_args(%scan3A_181 = %scan3A_173) -> (i32)  : i32 {
      %get3A = arith.index_cast %scan3A_180 : i32 to index
      %get3A_182 = tpu.vector_load %arg11[%get3A] {strides = array<i32>} : memref<48xi32, #tpu.memory_space<vmem>>, vector<16xi32>,
      %get3A_183 = vector.shape_cast %get3A_182 : vector<16xi32> to vector<16xi32>
      %slice3A = vector.extract_strided_slice %get3A_183 {offsets = [0], sizes = [1], strides = [1]} : vector<16xi32> to vector<1xi32>
      %squeeze3A = vector.extract %slice3A[0] : i32 from vector<1xi32>
      %add3A_184 = arith.constant 16 : i32
      %add3A_185 = arith.addi %add3A_184, %scan3A_180 : i32
      %get3A_186 = arith.index_cast %add3A_185 : i32 to index
      %get3A_187 = tpu.vector_load %arg11[%get3A_186] {strides = array<i32>} : memref<48xi32, #tpu.memory_space<vmem>>, vector<16xi32>,
      %get3A_188 = vector.shape_cast %get3A_187 : vector<16xi32> to vector<16xi32>
      %slice3A_189 = vector.extract_strided_slice %get3A_188 {offsets = [0], sizes = [1], strides = [1]} : vector<16xi32> to vector<1xi32>
      %squeeze3A_190 = vector.extract %slice3A_189[0] : i32 from vector<1xi32>
      %get3A_191 = arith.index_cast %scan3A_180 : i32 to index
      %get3A_192 = tpu.vector_load %arg13[%get3A_191] {strides = array<i32>} : memref<48xi32, #tpu.memory_space<vmem>>, vector<16xi32>,
      %get3A_193 = vector.shape_cast %get3A_192 : vector<16xi32> to vector<16xi32>
      %slice3A_194 = vector.extract_strided_slice %get3A_193 {offsets = [0], sizes = [1], strides = [1]} : vector<16xi32> to vector<1xi32>
      %squeeze3A_195 = vector.extract %slice3A_194[0] : i32 from vector<1xi32>
      %add3A_196 = arith.constant 16 : i32
      %add3A_197 = arith.addi %add3A_196, %scan3A_180 : i32
      %get3A_198 = arith.index_cast %add3A_197 : i32 to index
      %get3A_199 = tpu.vector_load %arg13[%get3A_198] {strides = array<i32>} : memref<48xi32, #tpu.memory_space<vmem>>, vector<16xi32>,
      %get3A_200 = vector.shape_cast %get3A_199 : vector<16xi32> to vector<16xi32>
      %slice3A_201 = vector.extract_strided_slice %get3A_200 {offsets = [0], sizes = [1], strides = [1]} : vector<16xi32> to vector<1xi32>
      %squeeze3A_202 = vector.extract %slice3A_201[0] : i32 from vector<1xi32>
      %add3A_203 = arith.constant 15 : i32
      %add3A_204 = arith.addi %squeeze3A_190, %add3A_203 : i32
      %jit3A_205 = arith.constant 16 : i32
      %div3A = arith.divsi %add3A_204, %jit3A_205 : i32
      %sign3A = arith.constant 0 : i32
      %sign3A_206 = arith.cmpi sgt, %add3A_204, %sign3A : i32
      %sign3A_207 = arith.extui %sign3A_206 : i1 to i32
      %sign3A_208 = arith.constant 0 : i32
      %sign3A_209 = arith.cmpi slt, %add3A_204, %sign3A_208 : i32
      %sign3A_210 = arith.extui %sign3A_209 : i1 to i32
      %sign3A_211 = arith.subi %sign3A_207, %sign3A_210 : i32
      %sign3A_212 = arith.constant 0 : i32
      %sign3A_213 = arith.cmpi sgt, %jit3A_205, %sign3A_212 : i32
      %sign3A_214 = arith.extui %sign3A_213 : i1 to i32
      %sign3A_215 = arith.constant 0 : i32
      %sign3A_216 = arith.cmpi slt, %jit3A_205, %sign3A_215 : i32
      %sign3A_217 = arith.extui %sign3A_216 : i1 to i32
      %sign3A_218 = arith.subi %sign3A_214, %sign3A_217 : i32
      %ne3A = arith.cmpi ne, %sign3A_211, %sign3A_218 : i32
      %rem3A = arith.remsi %add3A_204, %jit3A_205 : i32
      %ne3A_219 = arith.constant 0 : i32
      %ne3A_220 = arith.cmpi ne, %rem3A, %ne3A_219 : i32
      %and3A = arith.andi %ne3A, %ne3A_220 : i1
      %sub3A = arith.constant 1 : i32
      %sub3A_221 = arith.subi %div3A, %sub3A : i32
      %select_n3A_222 = arith.select %and3A, %sub3A_221, %div3A : i32
      %add3A_223 = arith.constant 15 : i32
      %add3A_224 = arith.addi %squeeze3A_202, %add3A_223 : i32
      %jit3A_225 = arith.constant 16 : i32
      %div3A_226 = arith.divsi %add3A_224, %jit3A_225 : i32
      %sign3A_227 = arith.constant 0 : i32
      %sign3A_228 = arith.cmpi sgt, %add3A_224, %sign3A_227 : i32
      %sign3A_229 = arith.extui %sign3A_228 : i1 to i32
      %sign3A_230 = arith.constant 0 : i32
      %sign3A_231 = arith.cmpi slt, %add3A_224, %sign3A_230 : i32
      %sign3A_232 = arith.extui %sign3A_231 : i1 to i32
      %sign3A_233 = arith.subi %sign3A_229, %sign3A_232 : i32
      %sign3A_234 = arith.constant 0 : i32
      %sign3A_235 = arith.cmpi sgt, %jit3A_225, %sign3A_234 : i32
      %sign3A_236 = arith.extui %sign3A_235 : i1 to i32
      %sign3A_237 = arith.constant 0 : i32
      %sign3A_238 = arith.cmpi slt, %jit3A_225, %sign3A_237 : i32
      %sign3A_239 = arith.extui %sign3A_238 : i1 to i32
      %sign3A_240 = arith.subi %sign3A_236, %sign3A_239 : i32
      %ne3A_241 = arith.cmpi ne, %sign3A_233, %sign3A_240 : i32
      %rem3A_242 = arith.remsi %add3A_224, %jit3A_225 : i32
      %ne3A_243 = arith.constant 0 : i32
      %ne3A_244 = arith.cmpi ne, %rem3A_242, %ne3A_243 : i32
      %and3A_245 = arith.andi %ne3A_241, %ne3A_244 : i1
      %sub3A_246 = arith.constant 1 : i32
      %sub3A_247 = arith.subi %div3A_226, %sub3A_246 : i32
      %select_n3A_248 = arith.select %and3A_245, %sub3A_247, %div3A_226 : i32
      %while3A = arith.constant 0 : i32
      %while3A_249 = arith.subi %select_n3A_222, %while3A : i32
      %while3A_250 = arith.addi %while3A, %while3A_249 : i32
      %while3A_251 = arith.constant 1 : i32
      %while3A_252 = arith.divsi %while3A_249, %while3A_251 : i32
      %while3A_253 = arith.muli %while3A_252, %while3A_251 : i32
      %while3A_254 = arith.addi %while3A, %while3A_253 : i32
      %while3A_255 = arith.constant 1 : i32
      %while3A_256 = scf.for %while3A_266 = %while3A to %while3A_254 step %while3A_255 iter_args(%while3A_267 = %broadcast_in_dim3A_1) -> (vector<16xf32>)  : i32 {
        %mul3A_268 = arith.constant 16 : i32
        %mul3A_269 = arith.muli %while3A_266, %mul3A_268 : i32
        %add3A_270 = arith.addi %squeeze3A, %mul3A_269 : i32
        %get3A_271 = arith.index_cast %add3A_270 : i32 to index
        %get3A_272 = tpu.vector_load %arg10[%get3A_271] {strides = array<i32>} : memref<480xf32, #tpu.memory_space<vmem>>, vector<16xf32>,
        %get3A_273 = vector.shape_cast %get3A_272 : vector<16xf32> to vector<16xf32>
        %slice3A_274 = vector.extract_strided_slice %get3A_273 {offsets = [0], sizes = [1], strides = [1]} : vector<16xf32> to vector<1xf32>
        %squeeze3A_275 = vector.extract %slice3A_274[0] : f32 from vector<1xf32>
        %add3A_276 = vector.broadcast %squeeze3A_275 : f32 to vector<16xf32>
        %add3A_277 = arith.addf %add3A_276, %broadcast_in_dim3A_1 : vector<16xf32>
        %slice3A_278 = vector.extract_strided_slice %get3A_273 {offsets = [1], sizes = [1], strides = [1]} : vector<16xf32> to vector<1xf32>
        %squeeze3A_279 = vector.extract %slice3A_278[0] : f32 from vector<1xf32>
        %add3A_280 = vector.broadcast %squeeze3A_279 : f32 to vector<16xf32>
        %add3A_281 = arith.addf %add3A_280, %broadcast_in_dim3A_1 : vector<16xf32>
        %slice3A_282 = vector.extract_strided_slice %get3A_273 {offsets = [2], sizes = [1], strides = [1]} : vector<16xf32> to vector<1xf32>
        %squeeze3A_283 = vector.extract %slice3A_282[0] : f32 from vector<1xf32>
        %add3A_284 = vector.broadcast %squeeze3A_283 : f32 to vector<16xf32>
        %add3A_285 = arith.addf %add3A_284, %broadcast_in_dim3A_1 : vector<16xf32>
        %slice3A_286 = vector.extract_strided_slice %get3A_273 {offsets = [3], sizes = [1], strides = [1]} : vector<16xf32> to vector<1xf32>
        %squeeze3A_287 = vector.extract %slice3A_286[0] : f32 from vector<1xf32>
        %add3A_288 = vector.broadcast %squeeze3A_287 : f32 to vector<16xf32>
        %add3A_289 = arith.addf %add3A_288, %broadcast_in_dim3A_1 : vector<16xf32>
        %slice3A_290 = vector.extract_strided_slice %get3A_273 {offsets = [4], sizes = [1], strides = [1]} : vector<16xf32> to vector<1xf32>
        %squeeze3A_291 = vector.extract %slice3A_290[0] : f32 from vector<1xf32>
        %add3A_292 = vector.broadcast %squeeze3A_291 : f32 to vector<16xf32>
        %add3A_293 = arith.addf %add3A_292, %broadcast_in_dim3A_1 : vector<16xf32>
        %slice3A_294 = vector.extract_strided_slice %get3A_273 {offsets = [5], sizes = [1], strides = [1]} : vector<16xf32> to vector<1xf32>
        %squeeze3A_295 = vector.extract %slice3A_294[0] : f32 from vector<1xf32>
        %add3A_296 = vector.broadcast %squeeze3A_295 : f32 to vector<16xf32>
        %add3A_297 = arith.addf %add3A_296, %broadcast_in_dim3A_1 : vector<16xf32>
        %slice3A_298 = vector.extract_strided_slice %get3A_273 {offsets = [6], sizes = [1], strides = [1]} : vector<16xf32> to vector<1xf32>
        %squeeze3A_299 = vector.extract %slice3A_298[0] : f32 from vector<1xf32>
        %add3A_300 = vector.broadcast %squeeze3A_299 : f32 to vector<16xf32>
        %add3A_301 = arith.addf %add3A_300, %broadcast_in_dim3A_1 : vector<16xf32>
        %slice3A_302 = vector.extract_strided_slice %get3A_273 {offsets = [7], sizes = [1], strides = [1]} : vector<16xf32> to vector<1xf32>
        %squeeze3A_303 = vector.extract %slice3A_302[0] : f32 from vector<1xf32>
        %add3A_304 = vector.broadcast %squeeze3A_303 : f32 to vector<16xf32>
        %add3A_305 = arith.addf %add3A_304, %broadcast_in_dim3A_1 : vector<16xf32>
        %slice3A_306 = vector.extract_strided_slice %get3A_273 {offsets = [8], sizes = [1], strides = [1]} : vector<16xf32> to vector<1xf32>
        %squeeze3A_307 = vector.extract %slice3A_306[0] : f32 from vector<1xf32>
        %add3A_308 = vector.broadcast %squeeze3A_307 : f32 to vector<16xf32>
        %add3A_309 = arith.addf %add3A_308, %broadcast_in_dim3A_1 : vector<16xf32>
        %slice3A_310 = vector.extract_strided_slice %get3A_273 {offsets = [9], sizes = [1], strides = [1]} : vector<16xf32> to vector<1xf32>
        %squeeze3A_311 = vector.extract %slice3A_310[0] : f32 from vector<1xf32>
        %add3A_312 = vector.broadcast %squeeze3A_311 : f32 to vector<16xf32>
        %add3A_313 = arith.addf %add3A_312, %broadcast_in_dim3A_1 : vector<16xf32>
        %slice3A_314 = vector.extract_strided_slice %get3A_273 {offsets = [10], sizes = [1], strides = [1]} : vector<16xf32> to vector<1xf32>
        %squeeze3A_315 = vector.extract %slice3A_314[0] : f32 from vector<1xf32>
        %add3A_316 = vector.broadcast %squeeze3A_315 : f32 to vector<16xf32>
        %add3A_317 = arith.addf %add3A_316, %broadcast_in_dim3A_1 : vector<16xf32>
        %slice3A_318 = vector.extract_strided_slice %get3A_273 {offsets = [11], sizes = [1], strides = [1]} : vector<16xf32> to vector<1xf32>
        %squeeze3A_319 = vector.extract %slice3A_318[0] : f32 from vector<1xf32>
        %add3A_320 = vector.broadcast %squeeze3A_319 : f32 to vector<16xf32>
        %add3A_321 = arith.addf %add3A_320, %broadcast_in_dim3A_1 : vector<16xf32>
        %slice3A_322 = vector.extract_strided_slice %get3A_273 {offsets = [12], sizes = [1], strides = [1]} : vector<16xf32> to vector<1xf32>
        %squeeze3A_323 = vector.extract %slice3A_322[0] : f32 from vector<1xf32>
        %add3A_324 = vector.broadcast %squeeze3A_323 : f32 to vector<16xf32>
        %add3A_325 = arith.addf %add3A_324, %broadcast_in_dim3A_1 : vector<16xf32>
        %slice3A_326 = vector.extract_strided_slice %get3A_273 {offsets = [13], sizes = [1], strides = [1]} : vector<16xf32> to vector<1xf32>
        %squeeze3A_327 = vector.extract %slice3A_326[0] : f32 from vector<1xf32>
        %add3A_328 = vector.broadcast %squeeze3A_327 : f32 to vector<16xf32>
        %add3A_329 = arith.addf %add3A_328, %broadcast_in_dim3A_1 : vector<16xf32>
        %slice3A_330 = vector.extract_strided_slice %get3A_273 {offsets = [14], sizes = [1], strides = [1]} : vector<16xf32> to vector<1xf32>
        %squeeze3A_331 = vector.extract %slice3A_330[0] : f32 from vector<1xf32>
        %add3A_332 = vector.broadcast %squeeze3A_331 : f32 to vector<16xf32>
        %add3A_333 = arith.addf %add3A_332, %broadcast_in_dim3A_1 : vector<16xf32>
        %slice3A_334 = vector.extract_strided_slice %get3A_273 {offsets = [15], sizes = [1], strides = [1]} : vector<16xf32> to vector<1xf32>
        %squeeze3A_335 = vector.extract %slice3A_334[0] : f32 from vector<1xf32>
        %add3A_336 = vector.broadcast %squeeze3A_335 : f32 to vector<16xf32>
        %add3A_337 = arith.addf %add3A_336, %broadcast_in_dim3A_1 : vector<16xf32>
        %jit3A_338 = arith.constant 2 : i32
        %div3A_339 = arith.divsi %select_n3A_248, %jit3A_338 : i32
        %sign3A_340 = arith.constant 0 : i32
        %sign3A_341 = arith.cmpi sgt, %select_n3A_248, %sign3A_340 : i32
        %sign3A_342 = arith.extui %sign3A_341 : i1 to i32
        %sign3A_343 = arith.constant 0 : i32
        %sign3A_344 = arith.cmpi slt, %select_n3A_248, %sign3A_343 : i32
        %sign3A_345 = arith.extui %sign3A_344 : i1 to i32
        %sign3A_346 = arith.subi %sign3A_342, %sign3A_345 : i32
        %sign3A_347 = arith.constant 0 : i32
        %sign3A_348 = arith.cmpi sgt, %jit3A_338, %sign3A_347 : i32
        %sign3A_349 = arith.extui %sign3A_348 : i1 to i32
        %sign3A_350 = arith.constant 0 : i32
        %sign3A_351 = arith.cmpi slt, %jit3A_338, %sign3A_350 : i32
        %sign3A_352 = arith.extui %sign3A_351 : i1 to i32
        %sign3A_353 = arith.subi %sign3A_349, %sign3A_352 : i32
        %ne3A_354 = arith.cmpi ne, %sign3A_346, %sign3A_353 : i32
        %rem3A_355 = arith.remsi %select_n3A_248, %jit3A_338 : i32
        %ne3A_356 = arith.constant 0 : i32
        %ne3A_357 = arith.cmpi ne, %rem3A_355, %ne3A_356 : i32
        %and3A_358 = arith.andi %ne3A_354, %ne3A_357 : i1
        %sub3A_359 = arith.constant 1 : i32
        %sub3A_360 = arith.subi %div3A_339, %sub3A_359 : i32
        %select_n3A_361 = arith.select %and3A_358, %sub3A_360, %div3A_339 : i32
        %while3A_362 = arith.constant 0 : i32
        %while3A_363 = arith.subi %select_n3A_361, %while3A_362 : i32
        %while3A_364 = arith.addi %while3A_362, %while3A_363 : i32
        %while3A_365 = arith.constant 1 : i32
        %while3A_366 = arith.divsi %while3A_363, %while3A_365 : i32
        %while3A_367 = arith.muli %while3A_366, %while3A_365 : i32
        %while3A_368 = arith.addi %while3A_362, %while3A_367 : i32
        %while3A_369 = arith.constant 1 : i32
        %while3A_370:16 = scf.for %while3A_415 = %while3A_362 to %while3A_368 step %while3A_369 iter_args(%while3A_416 = %broadcast_in_dim3A_1, %while3A_417 = %broadcast_in_dim3A_1, %while3A_418 = %broadcast_in_dim3A_1, %while3A_419 = %broadcast_in_dim3A_1, %while3A_420 = %broadcast_in_dim3A_1, %while3A_421 = %broadcast_in_dim3A_1, %while3A_422 = %broadcast_in_dim3A_1, %while3A_423 = %broadcast_in_dim3A_1, %while3A_424 = %broadcast_in_dim3A_1, %while3A_425 = %broadcast_in_dim3A_1, %while3A_426 = %broadcast_in_dim3A_1, %while3A_427 = %broadcast_in_dim3A_1, %while3A_428 = %broadcast_in_dim3A_1, %while3A_429 = %broadcast_in_dim3A_1, %while3A_430 = %broadcast_in_dim3A_1, %while3A_431 = %broadcast_in_dim3A_1) -> (vector<16xf32>, vector<16xf32>, vector<16xf32>, vector<16xf32>, vector<16xf32>, vector<16xf32>, vector<16xf32>, vector<16xf32>, vector<16xf32>, vector<16xf32>, vector<16xf32>, vector<16xf32>, vector<16xf32>, vector<16xf32>, vector<16xf32>, vector<16xf32>)  : i32 {
          %mul3A_432 = arith.constant 32 : i32
          %mul3A_433 = arith.muli %while3A_415, %mul3A_432 : i32
          %add3A_434 = arith.addi %squeeze3A_195, %mul3A_433 : i32
          %get3A_435 = arith.index_cast %add3A_434 : i32 to index
          %get3A_436 = tpu.vector_load %arg12[%get3A_435] {strides = array<i32>} : memref<10160xf32, #tpu.memory_space<vmem>>, vector<16xf32>,
          %get3A_437 = vector.shape_cast %get3A_436 : vector<16xf32> to vector<16xf32>
          %mul3A_438 = arith.constant 32 : i32
          %mul3A_439 = arith.muli %while3A_415, %mul3A_438 : i32
          %add3A_440 = arith.addi %squeeze3A_195, %mul3A_439 : i32
          %add3A_441 = arith.constant 16 : i32
          %add3A_442 = arith.addi %add3A_440, %add3A_441 : i32
          %get3A_443 = arith.index_cast %add3A_442 : i32 to index
          %get3A_444 = tpu.vector_load %arg12[%get3A_443] {strides = array<i32>} : memref<10160xf32, #tpu.memory_space<vmem>>, vector<16xf32>,
          %get3A_445 = vector.shape_cast %get3A_444 : vector<16xf32> to vector<16xf32>
          %add3A_446 = arith.addf %get3A_437, %add3A_277 : vector<16xf32>
          %max3A = arith.constant 0.000000e+00 : f32
          %max3A_447 = vector.broadcast %max3A : f32 to vector<16xf32>
          %max3A_448 = arith.maximumf %add3A_446, %max3A_447 : vector<16xf32>
          %add3A_449 = arith.addf %while3A_416, %max3A_448 : vector<16xf32>
          %add3A_450 = arith.addf %get3A_437, %add3A_281 : vector<16xf32>
          %max3A_451 = arith.constant 0.000000e+00 : f32
          %max3A_452 = vector.broadcast %max3A_451 : f32 to vector<16xf32>
          %max3A_453 = arith.maximumf %add3A_450, %max3A_452 : vector<16xf32>
          %add3A_454 = arith.addf %while3A_417, %max3A_453 : vector<16xf32>
          %add3A_455 = arith.addf %get3A_437, %add3A_285 : vector<16xf32>
          %max3A_456 = arith.constant 0.000000e+00 : f32
          %max3A_457 = vector.broadcast %max3A_456 : f32 to vector<16xf32>
          %max3A_458 = arith.maximumf %add3A_455, %max3A_457 : vector<16xf32>
          %add3A_459 = arith.addf %while3A_418, %max3A_458 : vector<16xf32>
          %add3A_460 = arith.addf %get3A_437, %add3A_289 : vector<16xf32>
          %max3A_461 = arith.constant 0.000000e+00 : f32
          %max3A_462 = vector.broadcast %max3A_461 : f32 to vector<16xf32>
          %max3A_463 = arith.maximumf %add3A_460, %max3A_462 : vector<16xf32>
          %add3A_464 = arith.addf %while3A_419, %max3A_463 : vector<16xf32>
          %add3A_465 = arith.addf %get3A_437, %add3A_293 : vector<16xf32>
          %max3A_466 = arith.constant 0.000000e+00 : f32
          %max3A_467 = vector.broadcast %max3A_466 : f32 to vector<16xf32>
          %max3A_468 = arith.maximumf %add3A_465, %max3A_467 : vector<16xf32>
          %add3A_469 = arith.addf %while3A_420, %max3A_468 : vector<16xf32>
          %add3A_470 = arith.addf %get3A_437, %add3A_297 : vector<16xf32>
          %max3A_471 = arith.constant 0.000000e+00 : f32
          %max3A_472 = vector.broadcast %max3A_471 : f32 to vector<16xf32>
          %max3A_473 = arith.maximumf %add3A_470, %max3A_472 : vector<16xf32>
          %add3A_474 = arith.addf %while3A_421, %max3A_473 : vector<16xf32>
          %add3A_475 = arith.addf %get3A_437, %add3A_301 : vector<16xf32>
          %max3A_476 = arith.constant 0.000000e+00 : f32
          %max3A_477 = vector.broadcast %max3A_476 : f32 to vector<16xf32>
          %max3A_478 = arith.maximumf %add3A_475, %max3A_477 : vector<16xf32>
          %add3A_479 = arith.addf %while3A_422, %max3A_478 : vector<16xf32>
          %add3A_480 = arith.addf %get3A_437, %add3A_305 : vector<16xf32>
          %max3A_481 = arith.constant 0.000000e+00 : f32
          %max3A_482 = vector.broadcast %max3A_481 : f32 to vector<16xf32>
          %max3A_483 = arith.maximumf %add3A_480, %max3A_482 : vector<16xf32>
          %add3A_484 = arith.addf %while3A_423, %max3A_483 : vector<16xf32>
          %add3A_485 = arith.addf %get3A_437, %add3A_309 : vector<16xf32>
          %max3A_486 = arith.constant 0.000000e+00 : f32
          %max3A_487 = vector.broadcast %max3A_486 : f32 to vector<16xf32>
          %max3A_488 = arith.maximumf %add3A_485, %max3A_487 : vector<16xf32>
          %add3A_489 = arith.addf %while3A_424, %max3A_488 : vector<16xf32>
          %add3A_490 = arith.addf %get3A_437, %add3A_313 : vector<16xf32>
          %max3A_491 = arith.constant 0.000000e+00 : f32
          %max3A_492 = vector.broadcast %max3A_491 : f32 to vector<16xf32>
          %max3A_493 = arith.maximumf %add3A_490, %max3A_492 : vector<16xf32>
          %add3A_494 = arith.addf %while3A_425, %max3A_493 : vector<16xf32>
          %add3A_495 = arith.addf %get3A_437, %add3A_317 : vector<16xf32>
          %max3A_496 = arith.constant 0.000000e+00 : f32
          %max3A_497 = vector.broadcast %max3A_496 : f32 to vector<16xf32>
          %max3A_498 = arith.maximumf %add3A_495, %max3A_497 : vector<16xf32>
          %add3A_499 = arith.addf %while3A_426, %max3A_498 : vector<16xf32>
          %add3A_500 = arith.addf %get3A_437, %add3A_321 : vector<16xf32>
          %max3A_501 = arith.constant 0.000000e+00 : f32
          %max3A_502 = vector.broadcast %max3A_501 : f32 to vector<16xf32>
          %max3A_503 = arith.maximumf %add3A_500, %max3A_502 : vector<16xf32>
          %add3A_504 = arith.addf %while3A_427, %max3A_503 : vector<16xf32>
          %add3A_505 = arith.addf %get3A_437, %add3A_325 : vector<16xf32>
          %max3A_506 = arith.constant 0.000000e+00 : f32
          %max3A_507 = vector.broadcast %max3A_506 : f32 to vector<16xf32>
          %max3A_508 = arith.maximumf %add3A_505, %max3A_507 : vector<16xf32>
          %add3A_509 = arith.addf %while3A_428, %max3A_508 : vector<16xf32>
          %add3A_510 = arith.addf %get3A_437, %add3A_329 : vector<16xf32>
          %max3A_511 = arith.constant 0.000000e+00 : f32
          %max3A_512 = vector.broadcast %max3A_511 : f32 to vector<16xf32>
          %max3A_513 = arith.maximumf %add3A_510, %max3A_512 : vector<16xf32>
          %add3A_514 = arith.addf %while3A_429, %max3A_513 : vector<16xf32>
          %add3A_515 = arith.addf %get3A_437, %add3A_333 : vector<16xf32>
          %max3A_516 = arith.constant 0.000000e+00 : f32
          %max3A_517 = vector.broadcast %max3A_516 : f32 to vector<16xf32>
          %max3A_518 = arith.maximumf %add3A_515, %max3A_517 : vector<16xf32>
          %add3A_519 = arith.addf %while3A_430, %max3A_518 : vector<16xf32>
          %add3A_520 = arith.addf %get3A_437, %add3A_337 : vector<16xf32>
          %max3A_521 = arith.constant 0.000000e+00 : f32
          %max3A_522 = vector.broadcast %max3A_521 : f32 to vector<16xf32>
          %max3A_523 = arith.maximumf %add3A_520, %max3A_522 : vector<16xf32>
          %add3A_524 = arith.addf %while3A_431, %max3A_523 : vector<16xf32>
          %add3A_525 = arith.addf %get3A_445, %add3A_277 : vector<16xf32>
          %max3A_526 = arith.constant 0.000000e+00 : f32
          %max3A_527 = vector.broadcast %max3A_526 : f32 to vector<16xf32>
          %max3A_528 = arith.maximumf %add3A_525, %max3A_527 : vector<16xf32>
          %add3A_529 = arith.addf %add3A_449, %max3A_528 : vector<16xf32>
          %add3A_530 = arith.addf %get3A_445, %add3A_281 : vector<16xf32>
          %max3A_531 = arith.constant 0.000000e+00 : f32
          %max3A_532 = vector.broadcast %max3A_531 : f32 to vector<16xf32>
          %max3A_533 = arith.maximumf %add3A_530, %max3A_532 : vector<16xf32>
          %add3A_534 = arith.addf %add3A_454, %max3A_533 : vector<16xf32>
          %add3A_535 = arith.addf %get3A_445, %add3A_285 : vector<16xf32>
          %max3A_536 = arith.constant 0.000000e+00 : f32
          %max3A_537 = vector.broadcast %max3A_536 : f32 to vector<16xf32>
          %max3A_538 = arith.maximumf %add3A_535, %max3A_537 : vector<16xf32>
          %add3A_539 = arith.addf %add3A_459, %max3A_538 : vector<16xf32>
          %add3A_540 = arith.addf %get3A_445, %add3A_289 : vector<16xf32>
          %max3A_541 = arith.constant 0.000000e+00 : f32
          %max3A_542 = vector.broadcast %max3A_541 : f32 to vector<16xf32>
          %max3A_543 = arith.maximumf %add3A_540, %max3A_542 : vector<16xf32>
          %add3A_544 = arith.addf %add3A_464, %max3A_543 : vector<16xf32>
          %add3A_545 = arith.addf %get3A_445, %add3A_293 : vector<16xf32>
          %max3A_546 = arith.constant 0.000000e+00 : f32
          %max3A_547 = vector.broadcast %max3A_546 : f32 to vector<16xf32>
          %max3A_548 = arith.maximumf %add3A_545, %max3A_547 : vector<16xf32>
          %add3A_549 = arith.addf %add3A_469, %max3A_548 : vector<16xf32>
          %add3A_550 = arith.addf %get3A_445, %add3A_297 : vector<16xf32>
          %max3A_551 = arith.constant 0.000000e+00 : f32
          %max3A_552 = vector.broadcast %max3A_551 : f32 to vector<16xf32>
          %max3A_553 = arith.maximumf %add3A_550, %max3A_552 : vector<16xf32>
          %add3A_554 = arith.addf %add3A_474, %max3A_553 : vector<16xf32>
          %add3A_555 = arith.addf %get3A_445, %add3A_301 : vector<16xf32>
          %max3A_556 = arith.constant 0.000000e+00 : f32
          %max3A_557 = vector.broadcast %max3A_556 : f32 to vector<16xf32>
          %max3A_558 = arith.maximumf %add3A_555, %max3A_557 : vector<16xf32>
          %add3A_559 = arith.addf %add3A_479, %max3A_558 : vector<16xf32>
          %add3A_560 = arith.addf %get3A_445, %add3A_305 : vector<16xf32>
          %max3A_561 = arith.constant 0.000000e+00 : f32
          %max3A_562 = vector.broadcast %max3A_561 : f32 to vector<16xf32>
          %max3A_563 = arith.maximumf %add3A_560, %max3A_562 : vector<16xf32>
          %add3A_564 = arith.addf %add3A_484, %max3A_563 : vector<16xf32>
          %add3A_565 = arith.addf %get3A_445, %add3A_309 : vector<16xf32>
          %max3A_566 = arith.constant 0.000000e+00 : f32
          %max3A_567 = vector.broadcast %max3A_566 : f32 to vector<16xf32>
          %max3A_568 = arith.maximumf %add3A_565, %max3A_567 : vector<16xf32>
          %add3A_569 = arith.addf %add3A_489, %max3A_568 : vector<16xf32>
          %add3A_570 = arith.addf %get3A_445, %add3A_313 : vector<16xf32>
          %max3A_571 = arith.constant 0.000000e+00 : f32
          %max3A_572 = vector.broadcast %max3A_571 : f32 to vector<16xf32>
          %max3A_573 = arith.maximumf %add3A_570, %max3A_572 : vector<16xf32>
          %add3A_574 = arith.addf %add3A_494, %max3A_573 : vector<16xf32>
          %add3A_575 = arith.addf %get3A_445, %add3A_317 : vector<16xf32>
          %max3A_576 = arith.constant 0.000000e+00 : f32
          %max3A_577 = vector.broadcast %max3A_576 : f32 to vector<16xf32>
          %max3A_578 = arith.maximumf %add3A_575, %max3A_577 : vector<16xf32>
          %add3A_579 = arith.addf %add3A_499, %max3A_578 : vector<16xf32>
          %add3A_580 = arith.addf %get3A_445, %add3A_321 : vector<16xf32>
          %max3A_581 = arith.constant 0.000000e+00 : f32
          %max3A_582 = vector.broadcast %max3A_581 : f32 to vector<16xf32>
          %max3A_583 = arith.maximumf %add3A_580, %max3A_582 : vector<16xf32>
          %add3A_584 = arith.addf %add3A_504, %max3A_583 : vector<16xf32>
          %add3A_585 = arith.addf %get3A_445, %add3A_325 : vector<16xf32>
          %max3A_586 = arith.constant 0.000000e+00 : f32
          %max3A_587 = vector.broadcast %max3A_586 : f32 to vector<16xf32>
          %max3A_588 = arith.maximumf %add3A_585, %max3A_587 : vector<16xf32>
          %add3A_589 = arith.addf %add3A_509, %max3A_588 : vector<16xf32>
          %add3A_590 = arith.addf %get3A_445, %add3A_329 : vector<16xf32>
          %max3A_591 = arith.constant 0.000000e+00 : f32
          %max3A_592 = vector.broadcast %max3A_591 : f32 to vector<16xf32>
          %max3A_593 = arith.maximumf %add3A_590, %max3A_592 : vector<16xf32>
          %add3A_594 = arith.addf %add3A_514, %max3A_593 : vector<16xf32>
          %add3A_595 = arith.addf %get3A_445, %add3A_333 : vector<16xf32>
          %max3A_596 = arith.constant 0.000000e+00 : f32
          %max3A_597 = vector.broadcast %max3A_596 : f32 to vector<16xf32>
          %max3A_598 = arith.maximumf %add3A_595, %max3A_597 : vector<16xf32>
          %add3A_599 = arith.addf %add3A_519, %max3A_598 : vector<16xf32>
          %add3A_600 = arith.addf %get3A_445, %add3A_337 : vector<16xf32>
          %max3A_601 = arith.constant 0.000000e+00 : f32
          %max3A_602 = vector.broadcast %max3A_601 : f32 to vector<16xf32>
          %max3A_603 = arith.maximumf %add3A_600, %max3A_602 : vector<16xf32>
          %add3A_604 = arith.addf %add3A_524, %max3A_603 : vector<16xf32>
          scf.yield %add3A_529, %add3A_534, %add3A_539, %add3A_544, %add3A_549, %add3A_554, %add3A_559, %add3A_564, %add3A_569, %add3A_574, %add3A_579, %add3A_584, %add3A_589, %add3A_594, %add3A_599, %add3A_604 : vector<16xf32>, vector<16xf32>, vector<16xf32>, vector<16xf32>, vector<16xf32>, vector<16xf32>, vector<16xf32>, vector<16xf32>, vector<16xf32>, vector<16xf32>, vector<16xf32>, vector<16xf32>, vector<16xf32>, vector<16xf32>, vector<16xf32>, vector<16xf32>
        }
        %while3A_371 = arith.constant 1 : i32
        %while3A_372:16 = scf.for %while3A_415 = %while3A_368 to %while3A_364 step %while3A_371 iter_args(%while3A_416 = %while3A_370#0, %while3A_417 = %while3A_370#1, %while3A_418 = %while3A_370#2, %while3A_419 = %while3A_370#3, %while3A_420 = %while3A_370#4, %while3A_421 = %while3A_370#5, %while3A_422 = %while3A_370#6, %while3A_423 = %while3A_370#7, %while3A_424 = %while3A_370#8, %while3A_425 = %while3A_370#9, %while3A_426 = %while3A_370#10, %while3A_427 = %while3A_370#11, %while3A_428 = %while3A_370#12, %while3A_429 = %while3A_370#13, %while3A_430 = %while3A_370#14, %while3A_431 = %while3A_370#15) -> (vector<16xf32>, vector<16xf32>, vector<16xf32>, vector<16xf32>, vector<16xf32>, vector<16xf32>, vector<16xf32>, vector<16xf32>, vector<16xf32>, vector<16xf32>, vector<16xf32>, vector<16xf32>, vector<16xf32>, vector<16xf32>, vector<16xf32>, vector<16xf32>)  : i32 {
          %mul3A_432 = arith.constant 32 : i32
          %mul3A_433 = arith.muli %while3A_415, %mul3A_432 : i32
          %add3A_434 = arith.addi %squeeze3A_195, %mul3A_433 : i32
          %get3A_435 = arith.index_cast %add3A_434 : i32 to index
          %get3A_436 = tpu.vector_load %arg12[%get3A_435] {strides = array<i32>} : memref<10160xf32, #tpu.memory_space<vmem>>, vector<16xf32>,
          %get3A_437 = vector.shape_cast %get3A_436 : vector<16xf32> to vector<16xf32>
          %mul3A_438 = arith.constant 32 : i32
          %mul3A_439 = arith.muli %while3A_415, %mul3A_438 : i32
          %add3A_440 = arith.addi %squeeze3A_195, %mul3A_439 : i32
          %add3A_441 = arith.constant 16 : i32
          %add3A_442 = arith.addi %add3A_440, %add3A_441 : i32
          %get3A_443 = arith.index_cast %add3A_442 : i32 to index
          %get3A_444 = tpu.vector_load %arg12[%get3A_443] {strides = array<i32>} : memref<10160xf32, #tpu.memory_space<vmem>>, vector<16xf32>,
          %get3A_445 = vector.shape_cast %get3A_444 : vector<16xf32> to vector<16xf32>
          %add3A_446 = arith.addf %get3A_437, %add3A_277 : vector<16xf32>
          %max3A = arith.constant 0.000000e+00 : f32
          %max3A_447 = vector.broadcast %max3A : f32 to vector<16xf32>
          %max3A_448 = arith.maximumf %add3A_446, %max3A_447 : vector<16xf32>
          %add3A_449 = arith.addf %while3A_416, %max3A_448 : vector<16xf32>
          %add3A_450 = arith.addf %get3A_437, %add3A_281 : vector<16xf32>
          %max3A_451 = arith.constant 0.000000e+00 : f32
          %max3A_452 = vector.broadcast %max3A_451 : f32 to vector<16xf32>
          %max3A_453 = arith.maximumf %add3A_450, %max3A_452 : vector<16xf32>
          %add3A_454 = arith.addf %while3A_417, %max3A_453 : vector<16xf32>
          %add3A_455 = arith.addf %get3A_437, %add3A_285 : vector<16xf32>
          %max3A_456 = arith.constant 0.000000e+00 : f32
          %max3A_457 = vector.broadcast %max3A_456 : f32 to vector<16xf32>
          %max3A_458 = arith.maximumf %add3A_455, %max3A_457 : vector<16xf32>
          %add3A_459 = arith.addf %while3A_418, %max3A_458 : vector<16xf32>
          %add3A_460 = arith.addf %get3A_437, %add3A_289 : vector<16xf32>
          %max3A_461 = arith.constant 0.000000e+00 : f32
          %max3A_462 = vector.broadcast %max3A_461 : f32 to vector<16xf32>
          %max3A_463 = arith.maximumf %add3A_460, %max3A_462 : vector<16xf32>
          %add3A_464 = arith.addf %while3A_419, %max3A_463 : vector<16xf32>
          %add3A_465 = arith.addf %get3A_437, %add3A_293 : vector<16xf32>
          %max3A_466 = arith.constant 0.000000e+00 : f32
          %max3A_467 = vector.broadcast %max3A_466 : f32 to vector<16xf32>
          %max3A_468 = arith.maximumf %add3A_465, %max3A_467 : vector<16xf32>
          %add3A_469 = arith.addf %while3A_420, %max3A_468 : vector<16xf32>
          %add3A_470 = arith.addf %get3A_437, %add3A_297 : vector<16xf32>
          %max3A_471 = arith.constant 0.000000e+00 : f32
          %max3A_472 = vector.broadcast %max3A_471 : f32 to vector<16xf32>
          %max3A_473 = arith.maximumf %add3A_470, %max3A_472 : vector<16xf32>
          %add3A_474 = arith.addf %while3A_421, %max3A_473 : vector<16xf32>
          %add3A_475 = arith.addf %get3A_437, %add3A_301 : vector<16xf32>
          %max3A_476 = arith.constant 0.000000e+00 : f32
          %max3A_477 = vector.broadcast %max3A_476 : f32 to vector<16xf32>
          %max3A_478 = arith.maximumf %add3A_475, %max3A_477 : vector<16xf32>
          %add3A_479 = arith.addf %while3A_422, %max3A_478 : vector<16xf32>
          %add3A_480 = arith.addf %get3A_437, %add3A_305 : vector<16xf32>
          %max3A_481 = arith.constant 0.000000e+00 : f32
          %max3A_482 = vector.broadcast %max3A_481 : f32 to vector<16xf32>
          %max3A_483 = arith.maximumf %add3A_480, %max3A_482 : vector<16xf32>
          %add3A_484 = arith.addf %while3A_423, %max3A_483 : vector<16xf32>
          %add3A_485 = arith.addf %get3A_437, %add3A_309 : vector<16xf32>
          %max3A_486 = arith.constant 0.000000e+00 : f32
          %max3A_487 = vector.broadcast %max3A_486 : f32 to vector<16xf32>
          %max3A_488 = arith.maximumf %add3A_485, %max3A_487 : vector<16xf32>
          %add3A_489 = arith.addf %while3A_424, %max3A_488 : vector<16xf32>
          %add3A_490 = arith.addf %get3A_437, %add3A_313 : vector<16xf32>
          %max3A_491 = arith.constant 0.000000e+00 : f32
          %max3A_492 = vector.broadcast %max3A_491 : f32 to vector<16xf32>
          %max3A_493 = arith.maximumf %add3A_490, %max3A_492 : vector<16xf32>
          %add3A_494 = arith.addf %while3A_425, %max3A_493 : vector<16xf32>
          %add3A_495 = arith.addf %get3A_437, %add3A_317 : vector<16xf32>
          %max3A_496 = arith.constant 0.000000e+00 : f32
          %max3A_497 = vector.broadcast %max3A_496 : f32 to vector<16xf32>
          %max3A_498 = arith.maximumf %add3A_495, %max3A_497 : vector<16xf32>
          %add3A_499 = arith.addf %while3A_426, %max3A_498 : vector<16xf32>
          %add3A_500 = arith.addf %get3A_437, %add3A_321 : vector<16xf32>
          %max3A_501 = arith.constant 0.000000e+00 : f32
          %max3A_502 = vector.broadcast %max3A_501 : f32 to vector<16xf32>
          %max3A_503 = arith.maximumf %add3A_500, %max3A_502 : vector<16xf32>
          %add3A_504 = arith.addf %while3A_427, %max3A_503 : vector<16xf32>
          %add3A_505 = arith.addf %get3A_437, %add3A_325 : vector<16xf32>
          %max3A_506 = arith.constant 0.000000e+00 : f32
          %max3A_507 = vector.broadcast %max3A_506 : f32 to vector<16xf32>
          %max3A_508 = arith.maximumf %add3A_505, %max3A_507 : vector<16xf32>
          %add3A_509 = arith.addf %while3A_428, %max3A_508 : vector<16xf32>
          %add3A_510 = arith.addf %get3A_437, %add3A_329 : vector<16xf32>
          %max3A_511 = arith.constant 0.000000e+00 : f32
          %max3A_512 = vector.broadcast %max3A_511 : f32 to vector<16xf32>
          %max3A_513 = arith.maximumf %add3A_510, %max3A_512 : vector<16xf32>
          %add3A_514 = arith.addf %while3A_429, %max3A_513 : vector<16xf32>
          %add3A_515 = arith.addf %get3A_437, %add3A_333 : vector<16xf32>
          %max3A_516 = arith.constant 0.000000e+00 : f32
          %max3A_517 = vector.broadcast %max3A_516 : f32 to vector<16xf32>
          %max3A_518 = arith.maximumf %add3A_515, %max3A_517 : vector<16xf32>
          %add3A_519 = arith.addf %while3A_430, %max3A_518 : vector<16xf32>
          %add3A_520 = arith.addf %get3A_437, %add3A_337 : vector<16xf32>
          %max3A_521 = arith.constant 0.000000e+00 : f32
          %max3A_522 = vector.broadcast %max3A_521 : f32 to vector<16xf32>
          %max3A_523 = arith.maximumf %add3A_520, %max3A_522 : vector<16xf32>
          %add3A_524 = arith.addf %while3A_431, %max3A_523 : vector<16xf32>
          %add3A_525 = arith.addf %get3A_445, %add3A_277 : vector<16xf32>
          %max3A_526 = arith.constant 0.000000e+00 : f32
          %max3A_527 = vector.broadcast %max3A_526 : f32 to vector<16xf32>
          %max3A_528 = arith.maximumf %add3A_525, %max3A_527 : vector<16xf32>
          %add3A_529 = arith.addf %add3A_449, %max3A_528 : vector<16xf32>
          %add3A_530 = arith.addf %get3A_445, %add3A_281 : vector<16xf32>
          %max3A_531 = arith.constant 0.000000e+00 : f32
          %max3A_532 = vector.broadcast %max3A_531 : f32 to vector<16xf32>
          %max3A_533 = arith.maximumf %add3A_530, %max3A_532 : vector<16xf32>
          %add3A_534 = arith.addf %add3A_454, %max3A_533 : vector<16xf32>
          %add3A_535 = arith.addf %get3A_445, %add3A_285 : vector<16xf32>
          %max3A_536 = arith.constant 0.000000e+00 : f32
          %max3A_537 = vector.broadcast %max3A_536 : f32 to vector<16xf32>
          %max3A_538 = arith.maximumf %add3A_535, %max3A_537 : vector<16xf32>
          %add3A_539 = arith.addf %add3A_459, %max3A_538 : vector<16xf32>
          %add3A_540 = arith.addf %get3A_445, %add3A_289 : vector<16xf32>
          %max3A_541 = arith.constant 0.000000e+00 : f32
          %max3A_542 = vector.broadcast %max3A_541 : f32 to vector<16xf32>
          %max3A_543 = arith.maximumf %add3A_540, %max3A_542 : vector<16xf32>
          %add3A_544 = arith.addf %add3A_464, %max3A_543 : vector<16xf32>
          %add3A_545 = arith.addf %get3A_445, %add3A_293 : vector<16xf32>
          %max3A_546 = arith.constant 0.000000e+00 : f32
          %max3A_547 = vector.broadcast %max3A_546 : f32 to vector<16xf32>
          %max3A_548 = arith.maximumf %add3A_545, %max3A_547 : vector<16xf32>
          %add3A_549 = arith.addf %add3A_469, %max3A_548 : vector<16xf32>
          %add3A_550 = arith.addf %get3A_445, %add3A_297 : vector<16xf32>
          %max3A_551 = arith.constant 0.000000e+00 : f32
          %max3A_552 = vector.broadcast %max3A_551 : f32 to vector<16xf32>
          %max3A_553 = arith.maximumf %add3A_550, %max3A_552 : vector<16xf32>
          %add3A_554 = arith.addf %add3A_474, %max3A_553 : vector<16xf32>
          %add3A_555 = arith.addf %get3A_445, %add3A_301 : vector<16xf32>
          %max3A_556 = arith.constant 0.000000e+00 : f32
          %max3A_557 = vector.broadcast %max3A_556 : f32 to vector<16xf32>
          %max3A_558 = arith.maximumf %add3A_555, %max3A_557 : vector<16xf32>
          %add3A_559 = arith.addf %add3A_479, %max3A_558 : vector<16xf32>
          %add3A_560 = arith.addf %get3A_445, %add3A_305 : vector<16xf32>
          %max3A_561 = arith.constant 0.000000e+00 : f32
          %max3A_562 = vector.broadcast %max3A_561 : f32 to vector<16xf32>
          %max3A_563 = arith.maximumf %add3A_560, %max3A_562 : vector<16xf32>
          %add3A_564 = arith.addf %add3A_484, %max3A_563 : vector<16xf32>
          %add3A_565 = arith.addf %get3A_445, %add3A_309 : vector<16xf32>
          %max3A_566 = arith.constant 0.000000e+00 : f32
          %max3A_567 = vector.broadcast %max3A_566 : f32 to vector<16xf32>
          %max3A_568 = arith.maximumf %add3A_565, %max3A_567 : vector<16xf32>
          %add3A_569 = arith.addf %add3A_489, %max3A_568 : vector<16xf32>
          %add3A_570 = arith.addf %get3A_445, %add3A_313 : vector<16xf32>
          %max3A_571 = arith.constant 0.000000e+00 : f32
          %max3A_572 = vector.broadcast %max3A_571 : f32 to vector<16xf32>
          %max3A_573 = arith.maximumf %add3A_570, %max3A_572 : vector<16xf32>
          %add3A_574 = arith.addf %add3A_494, %max3A_573 : vector<16xf32>
          %add3A_575 = arith.addf %get3A_445, %add3A_317 : vector<16xf32>
          %max3A_576 = arith.constant 0.000000e+00 : f32
          %max3A_577 = vector.broadcast %max3A_576 : f32 to vector<16xf32>
          %max3A_578 = arith.maximumf %add3A_575, %max3A_577 : vector<16xf32>
          %add3A_579 = arith.addf %add3A_499, %max3A_578 : vector<16xf32>
          %add3A_580 = arith.addf %get3A_445, %add3A_321 : vector<16xf32>
          %max3A_581 = arith.constant 0.000000e+00 : f32
          %max3A_582 = vector.broadcast %max3A_581 : f32 to vector<16xf32>
          %max3A_583 = arith.maximumf %add3A_580, %max3A_582 : vector<16xf32>
          %add3A_584 = arith.addf %add3A_504, %max3A_583 : vector<16xf32>
          %add3A_585 = arith.addf %get3A_445, %add3A_325 : vector<16xf32>
          %max3A_586 = arith.constant 0.000000e+00 : f32
          %max3A_587 = vector.broadcast %max3A_586 : f32 to vector<16xf32>
          %max3A_588 = arith.maximumf %add3A_585, %max3A_587 : vector<16xf32>
          %add3A_589 = arith.addf %add3A_509, %max3A_588 : vector<16xf32>
          %add3A_590 = arith.addf %get3A_445, %add3A_329 : vector<16xf32>
          %max3A_591 = arith.constant 0.000000e+00 : f32
          %max3A_592 = vector.broadcast %max3A_591 : f32 to vector<16xf32>
          %max3A_593 = arith.maximumf %add3A_590, %max3A_592 : vector<16xf32>
          %add3A_594 = arith.addf %add3A_514, %max3A_593 : vector<16xf32>
          %add3A_595 = arith.addf %get3A_445, %add3A_333 : vector<16xf32>
          %max3A_596 = arith.constant 0.000000e+00 : f32
          %max3A_597 = vector.broadcast %max3A_596 : f32 to vector<16xf32>
          %max3A_598 = arith.maximumf %add3A_595, %max3A_597 : vector<16xf32>
          %add3A_599 = arith.addf %add3A_519, %max3A_598 : vector<16xf32>
          %add3A_600 = arith.addf %get3A_445, %add3A_337 : vector<16xf32>
          %max3A_601 = arith.constant 0.000000e+00 : f32
          %max3A_602 = vector.broadcast %max3A_601 : f32 to vector<16xf32>
          %max3A_603 = arith.maximumf %add3A_600, %max3A_602 : vector<16xf32>
          %add3A_604 = arith.addf %add3A_524, %max3A_603 : vector<16xf32>
          scf.yield %add3A_529, %add3A_534, %add3A_539, %add3A_544, %add3A_549, %add3A_554, %add3A_559, %add3A_564, %add3A_569, %add3A_574, %add3A_579, %add3A_584, %add3A_589, %add3A_594, %add3A_599, %add3A_604 : vector<16xf32>, vector<16xf32>, vector<16xf32>, vector<16xf32>, vector<16xf32>, vector<16xf32>, vector<16xf32>, vector<16xf32>, vector<16xf32>, vector<16xf32>, vector<16xf32>, vector<16xf32>, vector<16xf32>, vector<16xf32>, vector<16xf32>, vector<16xf32>
        }
        %jit3A_373 = arith.constant 2 : i32
        %eq3A_374 = arith.constant 0 : i32
        %eq3A_375 = arith.cmpi eq, %jit3A_373, %eq3A_374 : i32
        %jit3A_376 = arith.constant 1 : i32
        %select_n3A_377 = arith.select %eq3A_375, %jit3A_376, %jit3A_373 : i32
        %rem3A_378 = arith.remsi %select_n3A_248, %select_n3A_377 : i32
        %ne3A_379 = arith.constant 0 : i32
        %ne3A_380 = arith.cmpi ne, %rem3A_378, %ne3A_379 : i32
        %lt3A = arith.constant 0 : i32
        %lt3A_381 = arith.cmpi slt, %rem3A_378, %lt3A : i32
        %lt3A_382 = arith.constant 0 : i32
        %lt3A_383 = arith.cmpi slt, %select_n3A_377, %lt3A_382 : i32
        %ne3A_384 = arith.xori %lt3A_381, %lt3A_383 : i1
        %and3A_385 = arith.andi %ne3A_384, %ne3A_380 : i1
        %add3A_386 = arith.addi %rem3A_378, %select_n3A_377 : i32
        %select_n3A_387 = arith.select %and3A_385, %add3A_386, %rem3A_378 : i32
        %while3A_388 = arith.constant 0 : i32
        %while3A_389 = arith.subi %select_n3A_387, %while3A_388 : i32
        %while3A_390 = arith.addi %while3A_388, %while3A_389 : i32
        %while3A_391 = arith.constant 1 : i32
        %while3A_392 = arith.divsi %while3A_389, %while3A_391 : i32
        %while3A_393 = arith.muli %while3A_392, %while3A_391 : i32
        %while3A_394 = arith.addi %while3A_388, %while3A_393 : i32
        %while3A_395 = arith.constant 1 : i32
        %while3A_396:16 = scf.for %while3A_415 = %while3A_388 to %while3A_394 step %while3A_395 iter_args(%while3A_416 = %while3A_372#0, %while3A_417 = %while3A_372#1, %while3A_418 = %while3A_372#2, %while3A_419 = %while3A_372#3, %while3A_420 = %while3A_372#4, %while3A_421 = %while3A_372#5, %while3A_422 = %while3A_372#6, %while3A_423 = %while3A_372#7, %while3A_424 = %while3A_372#8, %while3A_425 = %while3A_372#9, %while3A_426 = %while3A_372#10, %while3A_427 = %while3A_372#11, %while3A_428 = %while3A_372#12, %while3A_429 = %while3A_372#13, %while3A_430 = %while3A_372#14, %while3A_431 = %while3A_372#15) -> (vector<16xf32>, vector<16xf32>, vector<16xf32>, vector<16xf32>, vector<16xf32>, vector<16xf32>, vector<16xf32>, vector<16xf32>, vector<16xf32>, vector<16xf32>, vector<16xf32>, vector<16xf32>, vector<16xf32>, vector<16xf32>, vector<16xf32>, vector<16xf32>)  : i32 {
          %sub3A_432 = arith.constant 1 : i32
          %sub3A_433 = arith.subi %select_n3A_248, %sub3A_432 : i32
          %mul3A_434 = arith.constant 16 : i32
          %mul3A_435 = arith.muli %sub3A_433, %mul3A_434 : i32
          %add3A_436 = arith.addi %squeeze3A_195, %mul3A_435 : i32
          %get3A_437 = arith.index_cast %add3A_436 : i32 to index
          %get3A_438 = tpu.vector_load %arg12[%get3A_437] {strides = array<i32>} : memref<10160xf32, #tpu.memory_space<vmem>>, vector<16xf32>,
          %get3A_439 = vector.shape_cast %get3A_438 : vector<16xf32> to vector<16xf32>
          %add3A_440 = arith.addf %get3A_439, %add3A_277 : vector<16xf32>
          %max3A = arith.constant 0.000000e+00 : f32
          %max3A_441 = vector.broadcast %max3A : f32 to vector<16xf32>
          %max3A_442 = arith.maximumf %add3A_440, %max3A_441 : vector<16xf32>
          %add3A_443 = arith.addf %while3A_416, %max3A_442 : vector<16xf32>
          %add3A_444 = arith.addf %get3A_439, %add3A_281 : vector<16xf32>
          %max3A_445 = arith.constant 0.000000e+00 : f32
          %max3A_446 = vector.broadcast %max3A_445 : f32 to vector<16xf32>
          %max3A_447 = arith.maximumf %add3A_444, %max3A_446 : vector<16xf32>
          %add3A_448 = arith.addf %while3A_417, %max3A_447 : vector<16xf32>
          %add3A_449 = arith.addf %get3A_439, %add3A_285 : vector<16xf32>
          %max3A_450 = arith.constant 0.000000e+00 : f32
          %max3A_451 = vector.broadcast %max3A_450 : f32 to vector<16xf32>
          %max3A_452 = arith.maximumf %add3A_449, %max3A_451 : vector<16xf32>
          %add3A_453 = arith.addf %while3A_418, %max3A_452 : vector<16xf32>
          %add3A_454 = arith.addf %get3A_439, %add3A_289 : vector<16xf32>
          %max3A_455 = arith.constant 0.000000e+00 : f32
          %max3A_456 = vector.broadcast %max3A_455 : f32 to vector<16xf32>
          %max3A_457 = arith.maximumf %add3A_454, %max3A_456 : vector<16xf32>
          %add3A_458 = arith.addf %while3A_419, %max3A_457 : vector<16xf32>
          %add3A_459 = arith.addf %get3A_439, %add3A_293 : vector<16xf32>
          %max3A_460 = arith.constant 0.000000e+00 : f32
          %max3A_461 = vector.broadcast %max3A_460 : f32 to vector<16xf32>
          %max3A_462 = arith.maximumf %add3A_459, %max3A_461 : vector<16xf32>
          %add3A_463 = arith.addf %while3A_420, %max3A_462 : vector<16xf32>
          %add3A_464 = arith.addf %get3A_439, %add3A_297 : vector<16xf32>
          %max3A_465 = arith.constant 0.000000e+00 : f32
          %max3A_466 = vector.broadcast %max3A_465 : f32 to vector<16xf32>
          %max3A_467 = arith.maximumf %add3A_464, %max3A_466 : vector<16xf32>
          %add3A_468 = arith.addf %while3A_421, %max3A_467 : vector<16xf32>
          %add3A_469 = arith.addf %get3A_439, %add3A_301 : vector<16xf32>
          %max3A_470 = arith.constant 0.000000e+00 : f32
          %max3A_471 = vector.broadcast %max3A_470 : f32 to vector<16xf32>
          %max3A_472 = arith.maximumf %add3A_469, %max3A_471 : vector<16xf32>
          %add3A_473 = arith.addf %while3A_422, %max3A_472 : vector<16xf32>
          %add3A_474 = arith.addf %get3A_439, %add3A_305 : vector<16xf32>
          %max3A_475 = arith.constant 0.000000e+00 : f32
          %max3A_476 = vector.broadcast %max3A_475 : f32 to vector<16xf32>
          %max3A_477 = arith.maximumf %add3A_474, %max3A_476 : vector<16xf32>
          %add3A_478 = arith.addf %while3A_423, %max3A_477 : vector<16xf32>
          %add3A_479 = arith.addf %get3A_439, %add3A_309 : vector<16xf32>
          %max3A_480 = arith.constant 0.000000e+00 : f32
          %max3A_481 = vector.broadcast %max3A_480 : f32 to vector<16xf32>
          %max3A_482 = arith.maximumf %add3A_479, %max3A_481 : vector<16xf32>
          %add3A_483 = arith.addf %while3A_424, %max3A_482 : vector<16xf32>
          %add3A_484 = arith.addf %get3A_439, %add3A_313 : vector<16xf32>
          %max3A_485 = arith.constant 0.000000e+00 : f32
          %max3A_486 = vector.broadcast %max3A_485 : f32 to vector<16xf32>
          %max3A_487 = arith.maximumf %add3A_484, %max3A_486 : vector<16xf32>
          %add3A_488 = arith.addf %while3A_425, %max3A_487 : vector<16xf32>
          %add3A_489 = arith.addf %get3A_439, %add3A_317 : vector<16xf32>
          %max3A_490 = arith.constant 0.000000e+00 : f32
          %max3A_491 = vector.broadcast %max3A_490 : f32 to vector<16xf32>
          %max3A_492 = arith.maximumf %add3A_489, %max3A_491 : vector<16xf32>
          %add3A_493 = arith.addf %while3A_426, %max3A_492 : vector<16xf32>
          %add3A_494 = arith.addf %get3A_439, %add3A_321 : vector<16xf32>
          %max3A_495 = arith.constant 0.000000e+00 : f32
          %max3A_496 = vector.broadcast %max3A_495 : f32 to vector<16xf32>
          %max3A_497 = arith.maximumf %add3A_494, %max3A_496 : vector<16xf32>
          %add3A_498 = arith.addf %while3A_427, %max3A_497 : vector<16xf32>
          %add3A_499 = arith.addf %get3A_439, %add3A_325 : vector<16xf32>
          %max3A_500 = arith.constant 0.000000e+00 : f32
          %max3A_501 = vector.broadcast %max3A_500 : f32 to vector<16xf32>
          %max3A_502 = arith.maximumf %add3A_499, %max3A_501 : vector<16xf32>
          %add3A_503 = arith.addf %while3A_428, %max3A_502 : vector<16xf32>
          %add3A_504 = arith.addf %get3A_439, %add3A_329 : vector<16xf32>
          %max3A_505 = arith.constant 0.000000e+00 : f32
          %max3A_506 = vector.broadcast %max3A_505 : f32 to vector<16xf32>
          %max3A_507 = arith.maximumf %add3A_504, %max3A_506 : vector<16xf32>
          %add3A_508 = arith.addf %while3A_429, %max3A_507 : vector<16xf32>
          %add3A_509 = arith.addf %get3A_439, %add3A_333 : vector<16xf32>
          %max3A_510 = arith.constant 0.000000e+00 : f32
          %max3A_511 = vector.broadcast %max3A_510 : f32 to vector<16xf32>
          %max3A_512 = arith.maximumf %add3A_509, %max3A_511 : vector<16xf32>
          %add3A_513 = arith.addf %while3A_430, %max3A_512 : vector<16xf32>
          %add3A_514 = arith.addf %get3A_439, %add3A_337 : vector<16xf32>
          %max3A_515 = arith.constant 0.000000e+00 : f32
          %max3A_516 = vector.broadcast %max3A_515 : f32 to vector<16xf32>
          %max3A_517 = arith.maximumf %add3A_514, %max3A_516 : vector<16xf32>
          %add3A_518 = arith.addf %while3A_431, %max3A_517 : vector<16xf32>
          scf.yield %add3A_443, %add3A_448, %add3A_453, %add3A_458, %add3A_463, %add3A_468, %add3A_473, %add3A_478, %add3A_483, %add3A_488, %add3A_493, %add3A_498, %add3A_503, %add3A_508, %add3A_513, %add3A_518 : vector<16xf32>, vector<16xf32>, vector<16xf32>, vector<16xf32>, vector<16xf32>, vector<16xf32>, vector<16xf32>, vector<16xf32>, vector<16xf32>, vector<16xf32>, vector<16xf32>, vector<16xf32>, vector<16xf32>, vector<16xf32>, vector<16xf32>, vector<16xf32>
        }
        %while3A_397 = arith.constant 1 : i32
        %while3A_398:16 = scf.for %while3A_415 = %while3A_394 to %while3A_390 step %while3A_397 iter_args(%while3A_416 = %while3A_396#0, %while3A_417 = %while3A_396#1, %while3A_418 = %while3A_396#2, %while3A_419 = %while3A_396#3, %while3A_420 = %while3A_396#4, %while3A_421 = %while3A_396#5, %while3A_422 = %while3A_396#6, %while3A_423 = %while3A_396#7, %while3A_424 = %while3A_396#8, %while3A_425 = %while3A_396#9, %while3A_426 = %while3A_396#10, %while3A_427 = %while3A_396#11, %while3A_428 = %while3A_396#12, %while3A_429 = %while3A_396#13, %while3A_430 = %while3A_396#14, %while3A_431 = %while3A_396#15) -> (vector<16xf32>, vector<16xf32>, vector<16xf32>, vector<16xf32>, vector<16xf32>, vector<16xf32>, vector<16xf32>, vector<16xf32>, vector<16xf32>, vector<16xf32>, vector<16xf32>, vector<16xf32>, vector<16xf32>, vector<16xf32>, vector<16xf32>, vector<16xf32>)  : i32 {
          %sub3A_432 = arith.constant 1 : i32
          %sub3A_433 = arith.subi %select_n3A_248, %sub3A_432 : i32
          %mul3A_434 = arith.constant 16 : i32
          %mul3A_435 = arith.muli %sub3A_433, %mul3A_434 : i32
          %add3A_436 = arith.addi %squeeze3A_195, %mul3A_435 : i32
          %get3A_437 = arith.index_cast %add3A_436 : i32 to index
          %get3A_438 = tpu.vector_load %arg12[%get3A_437] {strides = array<i32>} : memref<10160xf32, #tpu.memory_space<vmem>>, vector<16xf32>,
          %get3A_439 = vector.shape_cast %get3A_438 : vector<16xf32> to vector<16xf32>
          %add3A_440 = arith.addf %get3A_439, %add3A_277 : vector<16xf32>
          %max3A = arith.constant 0.000000e+00 : f32
          %max3A_441 = vector.broadcast %max3A : f32 to vector<16xf32>
          %max3A_442 = arith.maximumf %add3A_440, %max3A_441 : vector<16xf32>
          %add3A_443 = arith.addf %while3A_416, %max3A_442 : vector<16xf32>
          %add3A_444 = arith.addf %get3A_439, %add3A_281 : vector<16xf32>
          %max3A_445 = arith.constant 0.000000e+00 : f32
          %max3A_446 = vector.broadcast %max3A_445 : f32 to vector<16xf32>
          %max3A_447 = arith.maximumf %add3A_444, %max3A_446 : vector<16xf32>
          %add3A_448 = arith.addf %while3A_417, %max3A_447 : vector<16xf32>
          %add3A_449 = arith.addf %get3A_439, %add3A_285 : vector<16xf32>
          %max3A_450 = arith.constant 0.000000e+00 : f32
          %max3A_451 = vector.broadcast %max3A_450 : f32 to vector<16xf32>
          %max3A_452 = arith.maximumf %add3A_449, %max3A_451 : vector<16xf32>
          %add3A_453 = arith.addf %while3A_418, %max3A_452 : vector<16xf32>
          %add3A_454 = arith.addf %get3A_439, %add3A_289 : vector<16xf32>
          %max3A_455 = arith.constant 0.000000e+00 : f32
          %max3A_456 = vector.broadcast %max3A_455 : f32 to vector<16xf32>
          %max3A_457 = arith.maximumf %add3A_454, %max3A_456 : vector<16xf32>
          %add3A_458 = arith.addf %while3A_419, %max3A_457 : vector<16xf32>
          %add3A_459 = arith.addf %get3A_439, %add3A_293 : vector<16xf32>
          %max3A_460 = arith.constant 0.000000e+00 : f32
          %max3A_461 = vector.broadcast %max3A_460 : f32 to vector<16xf32>
          %max3A_462 = arith.maximumf %add3A_459, %max3A_461 : vector<16xf32>
          %add3A_463 = arith.addf %while3A_420, %max3A_462 : vector<16xf32>
          %add3A_464 = arith.addf %get3A_439, %add3A_297 : vector<16xf32>
          %max3A_465 = arith.constant 0.000000e+00 : f32
          %max3A_466 = vector.broadcast %max3A_465 : f32 to vector<16xf32>
          %max3A_467 = arith.maximumf %add3A_464, %max3A_466 : vector<16xf32>
          %add3A_468 = arith.addf %while3A_421, %max3A_467 : vector<16xf32>
          %add3A_469 = arith.addf %get3A_439, %add3A_301 : vector<16xf32>
          %max3A_470 = arith.constant 0.000000e+00 : f32
          %max3A_471 = vector.broadcast %max3A_470 : f32 to vector<16xf32>
          %max3A_472 = arith.maximumf %add3A_469, %max3A_471 : vector<16xf32>
          %add3A_473 = arith.addf %while3A_422, %max3A_472 : vector<16xf32>
          %add3A_474 = arith.addf %get3A_439, %add3A_305 : vector<16xf32>
          %max3A_475 = arith.constant 0.000000e+00 : f32
          %max3A_476 = vector.broadcast %max3A_475 : f32 to vector<16xf32>
          %max3A_477 = arith.maximumf %add3A_474, %max3A_476 : vector<16xf32>
          %add3A_478 = arith.addf %while3A_423, %max3A_477 : vector<16xf32>
          %add3A_479 = arith.addf %get3A_439, %add3A_309 : vector<16xf32>
          %max3A_480 = arith.constant 0.000000e+00 : f32
          %max3A_481 = vector.broadcast %max3A_480 : f32 to vector<16xf32>
          %max3A_482 = arith.maximumf %add3A_479, %max3A_481 : vector<16xf32>
          %add3A_483 = arith.addf %while3A_424, %max3A_482 : vector<16xf32>
          %add3A_484 = arith.addf %get3A_439, %add3A_313 : vector<16xf32>
          %max3A_485 = arith.constant 0.000000e+00 : f32
          %max3A_486 = vector.broadcast %max3A_485 : f32 to vector<16xf32>
          %max3A_487 = arith.maximumf %add3A_484, %max3A_486 : vector<16xf32>
          %add3A_488 = arith.addf %while3A_425, %max3A_487 : vector<16xf32>
          %add3A_489 = arith.addf %get3A_439, %add3A_317 : vector<16xf32>
          %max3A_490 = arith.constant 0.000000e+00 : f32
          %max3A_491 = vector.broadcast %max3A_490 : f32 to vector<16xf32>
          %max3A_492 = arith.maximumf %add3A_489, %max3A_491 : vector<16xf32>
          %add3A_493 = arith.addf %while3A_426, %max3A_492 : vector<16xf32>
          %add3A_494 = arith.addf %get3A_439, %add3A_321 : vector<16xf32>
          %max3A_495 = arith.constant 0.000000e+00 : f32
          %max3A_496 = vector.broadcast %max3A_495 : f32 to vector<16xf32>
          %max3A_497 = arith.maximumf %add3A_494, %max3A_496 : vector<16xf32>
          %add3A_498 = arith.addf %while3A_427, %max3A_497 : vector<16xf32>
          %add3A_499 = arith.addf %get3A_439, %add3A_325 : vector<16xf32>
          %max3A_500 = arith.constant 0.000000e+00 : f32
          %max3A_501 = vector.broadcast %max3A_500 : f32 to vector<16xf32>
          %max3A_502 = arith.maximumf %add3A_499, %max3A_501 : vector<16xf32>
          %add3A_503 = arith.addf %while3A_428, %max3A_502 : vector<16xf32>
          %add3A_504 = arith.addf %get3A_439, %add3A_329 : vector<16xf32>
          %max3A_505 = arith.constant 0.000000e+00 : f32
          %max3A_506 = vector.broadcast %max3A_505 : f32 to vector<16xf32>
          %max3A_507 = arith.maximumf %add3A_504, %max3A_506 : vector<16xf32>
          %add3A_508 = arith.addf %while3A_429, %max3A_507 : vector<16xf32>
          %add3A_509 = arith.addf %get3A_439, %add3A_333 : vector<16xf32>
          %max3A_510 = arith.constant 0.000000e+00 : f32
          %max3A_511 = vector.broadcast %max3A_510 : f32 to vector<16xf32>
          %max3A_512 = arith.maximumf %add3A_509, %max3A_511 : vector<16xf32>
          %add3A_513 = arith.addf %while3A_430, %max3A_512 : vector<16xf32>
          %add3A_514 = arith.addf %get3A_439, %add3A_337 : vector<16xf32>
          %max3A_515 = arith.constant 0.000000e+00 : f32
          %max3A_516 = vector.broadcast %max3A_515 : f32 to vector<16xf32>
          %max3A_517 = arith.maximumf %add3A_514, %max3A_516 : vector<16xf32>
          %add3A_518 = arith.addf %while3A_431, %max3A_517 : vector<16xf32>
          scf.yield %add3A_443, %add3A_448, %add3A_453, %add3A_458, %add3A_463, %add3A_468, %add3A_473, %add3A_478, %add3A_483, %add3A_488, %add3A_493, %add3A_498, %add3A_503, %add3A_508, %add3A_513, %add3A_518 : vector<16xf32>, vector<16xf32>, vector<16xf32>, vector<16xf32>, vector<16xf32>, vector<16xf32>, vector<16xf32>, vector<16xf32>, vector<16xf32>, vector<16xf32>, vector<16xf32>, vector<16xf32>, vector<16xf32>, vector<16xf32>, vector<16xf32>, vector<16xf32>
        }
        %add3A_399 = arith.addf %while3A_398#0, %while3A_398#1 : vector<16xf32>
        %add3A_400 = arith.addf %while3A_398#2, %while3A_398#3 : vector<16xf32>
        %add3A_401 = arith.addf %while3A_398#4, %while3A_398#5 : vector<16xf32>
        %add3A_402 = arith.addf %while3A_398#6, %while3A_398#7 : vector<16xf32>
        %add3A_403 = arith.addf %while3A_398#8, %while3A_398#9 : vector<16xf32>
        %add3A_404 = arith.addf %while3A_398#10, %while3A_398#11 : vector<16xf32>
        %add3A_405 = arith.addf %while3A_398#12, %while3A_398#13 : vector<16xf32>
        %add3A_406 = arith.addf %while3A_398#14, %while3A_398#15 : vector<16xf32>
        %add3A_407 = arith.addf %add3A_399, %add3A_400 : vector<16xf32>
        %add3A_408 = arith.addf %add3A_401, %add3A_402 : vector<16xf32>
        %add3A_409 = arith.addf %add3A_403, %add3A_404 : vector<16xf32>
        %add3A_410 = arith.addf %add3A_405, %add3A_406 : vector<16xf32>
        %add3A_411 = arith.addf %add3A_407, %add3A_408 : vector<16xf32>
        %add3A_412 = arith.addf %add3A_409, %add3A_410 : vector<16xf32>
        %add3A_413 = arith.addf %add3A_411, %add3A_412 : vector<16xf32>
        %add3A_414 = arith.addf %while3A_267, %add3A_413 : vector<16xf32>
        scf.yield %add3A_414 : vector<16xf32>
      }
      %while3A_257 = arith.constant 1 : i32
      %while3A_258 = scf.for %while3A_266 = %while3A_254 to %while3A_250 step %while3A_257 iter_args(%while3A_267 = %while3A_256) -> (vector<16xf32>)  : i32 {
        %mul3A_268 = arith.constant 16 : i32
        %mul3A_269 = arith.muli %while3A_266, %mul3A_268 : i32
        %add3A_270 = arith.addi %squeeze3A, %mul3A_269 : i32
        %get3A_271 = arith.index_cast %add3A_270 : i32 to index
        %get3A_272 = tpu.vector_load %arg10[%get3A_271] {strides = array<i32>} : memref<480xf32, #tpu.memory_space<vmem>>, vector<16xf32>,
        %get3A_273 = vector.shape_cast %get3A_272 : vector<16xf32> to vector<16xf32>
        %slice3A_274 = vector.extract_strided_slice %get3A_273 {offsets = [0], sizes = [1], strides = [1]} : vector<16xf32> to vector<1xf32>
        %squeeze3A_275 = vector.extract %slice3A_274[0] : f32 from vector<1xf32>
        %add3A_276 = vector.broadcast %squeeze3A_275 : f32 to vector<16xf32>
        %add3A_277 = arith.addf %add3A_276, %broadcast_in_dim3A_1 : vector<16xf32>
        %slice3A_278 = vector.extract_strided_slice %get3A_273 {offsets = [1], sizes = [1], strides = [1]} : vector<16xf32> to vector<1xf32>
        %squeeze3A_279 = vector.extract %slice3A_278[0] : f32 from vector<1xf32>
        %add3A_280 = vector.broadcast %squeeze3A_279 : f32 to vector<16xf32>
        %add3A_281 = arith.addf %add3A_280, %broadcast_in_dim3A_1 : vector<16xf32>
        %slice3A_282 = vector.extract_strided_slice %get3A_273 {offsets = [2], sizes = [1], strides = [1]} : vector<16xf32> to vector<1xf32>
        %squeeze3A_283 = vector.extract %slice3A_282[0] : f32 from vector<1xf32>
        %add3A_284 = vector.broadcast %squeeze3A_283 : f32 to vector<16xf32>
        %add3A_285 = arith.addf %add3A_284, %broadcast_in_dim3A_1 : vector<16xf32>
        %slice3A_286 = vector.extract_strided_slice %get3A_273 {offsets = [3], sizes = [1], strides = [1]} : vector<16xf32> to vector<1xf32>
        %squeeze3A_287 = vector.extract %slice3A_286[0] : f32 from vector<1xf32>
        %add3A_288 = vector.broadcast %squeeze3A_287 : f32 to vector<16xf32>
        %add3A_289 = arith.addf %add3A_288, %broadcast_in_dim3A_1 : vector<16xf32>
        %slice3A_290 = vector.extract_strided_slice %get3A_273 {offsets = [4], sizes = [1], strides = [1]} : vector<16xf32> to vector<1xf32>
        %squeeze3A_291 = vector.extract %slice3A_290[0] : f32 from vector<1xf32>
        %add3A_292 = vector.broadcast %squeeze3A_291 : f32 to vector<16xf32>
        %add3A_293 = arith.addf %add3A_292, %broadcast_in_dim3A_1 : vector<16xf32>
        %slice3A_294 = vector.extract_strided_slice %get3A_273 {offsets = [5], sizes = [1], strides = [1]} : vector<16xf32> to vector<1xf32>
        %squeeze3A_295 = vector.extract %slice3A_294[0] : f32 from vector<1xf32>
        %add3A_296 = vector.broadcast %squeeze3A_295 : f32 to vector<16xf32>
        %add3A_297 = arith.addf %add3A_296, %broadcast_in_dim3A_1 : vector<16xf32>
        %slice3A_298 = vector.extract_strided_slice %get3A_273 {offsets = [6], sizes = [1], strides = [1]} : vector<16xf32> to vector<1xf32>
        %squeeze3A_299 = vector.extract %slice3A_298[0] : f32 from vector<1xf32>
        %add3A_300 = vector.broadcast %squeeze3A_299 : f32 to vector<16xf32>
        %add3A_301 = arith.addf %add3A_300, %broadcast_in_dim3A_1 : vector<16xf32>
        %slice3A_302 = vector.extract_strided_slice %get3A_273 {offsets = [7], sizes = [1], strides = [1]} : vector<16xf32> to vector<1xf32>
        %squeeze3A_303 = vector.extract %slice3A_302[0] : f32 from vector<1xf32>
        %add3A_304 = vector.broadcast %squeeze3A_303 : f32 to vector<16xf32>
        %add3A_305 = arith.addf %add3A_304, %broadcast_in_dim3A_1 : vector<16xf32>
        %slice3A_306 = vector.extract_strided_slice %get3A_273 {offsets = [8], sizes = [1], strides = [1]} : vector<16xf32> to vector<1xf32>
        %squeeze3A_307 = vector.extract %slice3A_306[0] : f32 from vector<1xf32>
        %add3A_308 = vector.broadcast %squeeze3A_307 : f32 to vector<16xf32>
        %add3A_309 = arith.addf %add3A_308, %broadcast_in_dim3A_1 : vector<16xf32>
        %slice3A_310 = vector.extract_strided_slice %get3A_273 {offsets = [9], sizes = [1], strides = [1]} : vector<16xf32> to vector<1xf32>
        %squeeze3A_311 = vector.extract %slice3A_310[0] : f32 from vector<1xf32>
        %add3A_312 = vector.broadcast %squeeze3A_311 : f32 to vector<16xf32>
        %add3A_313 = arith.addf %add3A_312, %broadcast_in_dim3A_1 : vector<16xf32>
        %slice3A_314 = vector.extract_strided_slice %get3A_273 {offsets = [10], sizes = [1], strides = [1]} : vector<16xf32> to vector<1xf32>
        %squeeze3A_315 = vector.extract %slice3A_314[0] : f32 from vector<1xf32>
        %add3A_316 = vector.broadcast %squeeze3A_315 : f32 to vector<16xf32>
        %add3A_317 = arith.addf %add3A_316, %broadcast_in_dim3A_1 : vector<16xf32>
        %slice3A_318 = vector.extract_strided_slice %get3A_273 {offsets = [11], sizes = [1], strides = [1]} : vector<16xf32> to vector<1xf32>
        %squeeze3A_319 = vector.extract %slice3A_318[0] : f32 from vector<1xf32>
        %add3A_320 = vector.broadcast %squeeze3A_319 : f32 to vector<16xf32>
        %add3A_321 = arith.addf %add3A_320, %broadcast_in_dim3A_1 : vector<16xf32>
        %slice3A_322 = vector.extract_strided_slice %get3A_273 {offsets = [12], sizes = [1], strides = [1]} : vector<16xf32> to vector<1xf32>
        %squeeze3A_323 = vector.extract %slice3A_322[0] : f32 from vector<1xf32>
        %add3A_324 = vector.broadcast %squeeze3A_323 : f32 to vector<16xf32>
        %add3A_325 = arith.addf %add3A_324, %broadcast_in_dim3A_1 : vector<16xf32>
        %slice3A_326 = vector.extract_strided_slice %get3A_273 {offsets = [13], sizes = [1], strides = [1]} : vector<16xf32> to vector<1xf32>
        %squeeze3A_327 = vector.extract %slice3A_326[0] : f32 from vector<1xf32>
        %add3A_328 = vector.broadcast %squeeze3A_327 : f32 to vector<16xf32>
        %add3A_329 = arith.addf %add3A_328, %broadcast_in_dim3A_1 : vector<16xf32>
        %slice3A_330 = vector.extract_strided_slice %get3A_273 {offsets = [14], sizes = [1], strides = [1]} : vector<16xf32> to vector<1xf32>
        %squeeze3A_331 = vector.extract %slice3A_330[0] : f32 from vector<1xf32>
        %add3A_332 = vector.broadcast %squeeze3A_331 : f32 to vector<16xf32>
        %add3A_333 = arith.addf %add3A_332, %broadcast_in_dim3A_1 : vector<16xf32>
        %slice3A_334 = vector.extract_strided_slice %get3A_273 {offsets = [15], sizes = [1], strides = [1]} : vector<16xf32> to vector<1xf32>
        %squeeze3A_335 = vector.extract %slice3A_334[0] : f32 from vector<1xf32>
        %add3A_336 = vector.broadcast %squeeze3A_335 : f32 to vector<16xf32>
        %add3A_337 = arith.addf %add3A_336, %broadcast_in_dim3A_1 : vector<16xf32>
        %jit3A_338 = arith.constant 2 : i32
        %div3A_339 = arith.divsi %select_n3A_248, %jit3A_338 : i32
        %sign3A_340 = arith.constant 0 : i32
        %sign3A_341 = arith.cmpi sgt, %select_n3A_248, %sign3A_340 : i32
        %sign3A_342 = arith.extui %sign3A_341 : i1 to i32
        %sign3A_343 = arith.constant 0 : i32
        %sign3A_344 = arith.cmpi slt, %select_n3A_248, %sign3A_343 : i32
        %sign3A_345 = arith.extui %sign3A_344 : i1 to i32
        %sign3A_346 = arith.subi %sign3A_342, %sign3A_345 : i32
        %sign3A_347 = arith.constant 0 : i32
        %sign3A_348 = arith.cmpi sgt, %jit3A_338, %sign3A_347 : i32
        %sign3A_349 = arith.extui %sign3A_348 : i1 to i32
        %sign3A_350 = arith.constant 0 : i32
        %sign3A_351 = arith.cmpi slt, %jit3A_338, %sign3A_350 : i32
        %sign3A_352 = arith.extui %sign3A_351 : i1 to i32
        %sign3A_353 = arith.subi %sign3A_349, %sign3A_352 : i32
        %ne3A_354 = arith.cmpi ne, %sign3A_346, %sign3A_353 : i32
        %rem3A_355 = arith.remsi %select_n3A_248, %jit3A_338 : i32
        %ne3A_356 = arith.constant 0 : i32
        %ne3A_357 = arith.cmpi ne, %rem3A_355, %ne3A_356 : i32
        %and3A_358 = arith.andi %ne3A_354, %ne3A_357 : i1
        %sub3A_359 = arith.constant 1 : i32
        %sub3A_360 = arith.subi %div3A_339, %sub3A_359 : i32
        %select_n3A_361 = arith.select %and3A_358, %sub3A_360, %div3A_339 : i32
        %while3A_362 = arith.constant 0 : i32
        %while3A_363 = arith.subi %select_n3A_361, %while3A_362 : i32
        %while3A_364 = arith.addi %while3A_362, %while3A_363 : i32
        %while3A_365 = arith.constant 1 : i32
        %while3A_366 = arith.divsi %while3A_363, %while3A_365 : i32
        %while3A_367 = arith.muli %while3A_366, %while3A_365 : i32
        %while3A_368 = arith.addi %while3A_362, %while3A_367 : i32
        %while3A_369 = arith.constant 1 : i32
        %while3A_370:16 = scf.for %while3A_415 = %while3A_362 to %while3A_368 step %while3A_369 iter_args(%while3A_416 = %broadcast_in_dim3A_1, %while3A_417 = %broadcast_in_dim3A_1, %while3A_418 = %broadcast_in_dim3A_1, %while3A_419 = %broadcast_in_dim3A_1, %while3A_420 = %broadcast_in_dim3A_1, %while3A_421 = %broadcast_in_dim3A_1, %while3A_422 = %broadcast_in_dim3A_1, %while3A_423 = %broadcast_in_dim3A_1, %while3A_424 = %broadcast_in_dim3A_1, %while3A_425 = %broadcast_in_dim3A_1, %while3A_426 = %broadcast_in_dim3A_1, %while3A_427 = %broadcast_in_dim3A_1, %while3A_428 = %broadcast_in_dim3A_1, %while3A_429 = %broadcast_in_dim3A_1, %while3A_430 = %broadcast_in_dim3A_1, %while3A_431 = %broadcast_in_dim3A_1) -> (vector<16xf32>, vector<16xf32>, vector<16xf32>, vector<16xf32>, vector<16xf32>, vector<16xf32>, vector<16xf32>, vector<16xf32>, vector<16xf32>, vector<16xf32>, vector<16xf32>, vector<16xf32>, vector<16xf32>, vector<16xf32>, vector<16xf32>, vector<16xf32>)  : i32 {
          %mul3A_432 = arith.constant 32 : i32
          %mul3A_433 = arith.muli %while3A_415, %mul3A_432 : i32
          %add3A_434 = arith.addi %squeeze3A_195, %mul3A_433 : i32
          %get3A_435 = arith.index_cast %add3A_434 : i32 to index
          %get3A_436 = tpu.vector_load %arg12[%get3A_435] {strides = array<i32>} : memref<10160xf32, #tpu.memory_space<vmem>>, vector<16xf32>,
          %get3A_437 = vector.shape_cast %get3A_436 : vector<16xf32> to vector<16xf32>
          %mul3A_438 = arith.constant 32 : i32
          %mul3A_439 = arith.muli %while3A_415, %mul3A_438 : i32
          %add3A_440 = arith.addi %squeeze3A_195, %mul3A_439 : i32
          %add3A_441 = arith.constant 16 : i32
          %add3A_442 = arith.addi %add3A_440, %add3A_441 : i32
          %get3A_443 = arith.index_cast %add3A_442 : i32 to index
          %get3A_444 = tpu.vector_load %arg12[%get3A_443] {strides = array<i32>} : memref<10160xf32, #tpu.memory_space<vmem>>, vector<16xf32>,
          %get3A_445 = vector.shape_cast %get3A_444 : vector<16xf32> to vector<16xf32>
          %add3A_446 = arith.addf %get3A_437, %add3A_277 : vector<16xf32>
          %max3A = arith.constant 0.000000e+00 : f32
          %max3A_447 = vector.broadcast %max3A : f32 to vector<16xf32>
          %max3A_448 = arith.maximumf %add3A_446, %max3A_447 : vector<16xf32>
          %add3A_449 = arith.addf %while3A_416, %max3A_448 : vector<16xf32>
          %add3A_450 = arith.addf %get3A_437, %add3A_281 : vector<16xf32>
          %max3A_451 = arith.constant 0.000000e+00 : f32
          %max3A_452 = vector.broadcast %max3A_451 : f32 to vector<16xf32>
          %max3A_453 = arith.maximumf %add3A_450, %max3A_452 : vector<16xf32>
          %add3A_454 = arith.addf %while3A_417, %max3A_453 : vector<16xf32>
          %add3A_455 = arith.addf %get3A_437, %add3A_285 : vector<16xf32>
          %max3A_456 = arith.constant 0.000000e+00 : f32
          %max3A_457 = vector.broadcast %max3A_456 : f32 to vector<16xf32>
          %max3A_458 = arith.maximumf %add3A_455, %max3A_457 : vector<16xf32>
          %add3A_459 = arith.addf %while3A_418, %max3A_458 : vector<16xf32>
          %add3A_460 = arith.addf %get3A_437, %add3A_289 : vector<16xf32>
          %max3A_461 = arith.constant 0.000000e+00 : f32
          %max3A_462 = vector.broadcast %max3A_461 : f32 to vector<16xf32>
          %max3A_463 = arith.maximumf %add3A_460, %max3A_462 : vector<16xf32>
          %add3A_464 = arith.addf %while3A_419, %max3A_463 : vector<16xf32>
          %add3A_465 = arith.addf %get3A_437, %add3A_293 : vector<16xf32>
          %max3A_466 = arith.constant 0.000000e+00 : f32
          %max3A_467 = vector.broadcast %max3A_466 : f32 to vector<16xf32>
          %max3A_468 = arith.maximumf %add3A_465, %max3A_467 : vector<16xf32>
          %add3A_469 = arith.addf %while3A_420, %max3A_468 : vector<16xf32>
          %add3A_470 = arith.addf %get3A_437, %add3A_297 : vector<16xf32>
          %max3A_471 = arith.constant 0.000000e+00 : f32
          %max3A_472 = vector.broadcast %max3A_471 : f32 to vector<16xf32>
          %max3A_473 = arith.maximumf %add3A_470, %max3A_472 : vector<16xf32>
          %add3A_474 = arith.addf %while3A_421, %max3A_473 : vector<16xf32>
          %add3A_475 = arith.addf %get3A_437, %add3A_301 : vector<16xf32>
          %max3A_476 = arith.constant 0.000000e+00 : f32
          %max3A_477 = vector.broadcast %max3A_476 : f32 to vector<16xf32>
          %max3A_478 = arith.maximumf %add3A_475, %max3A_477 : vector<16xf32>
          %add3A_479 = arith.addf %while3A_422, %max3A_478 : vector<16xf32>
          %add3A_480 = arith.addf %get3A_437, %add3A_305 : vector<16xf32>
          %max3A_481 = arith.constant 0.000000e+00 : f32
          %max3A_482 = vector.broadcast %max3A_481 : f32 to vector<16xf32>
          %max3A_483 = arith.maximumf %add3A_480, %max3A_482 : vector<16xf32>
          %add3A_484 = arith.addf %while3A_423, %max3A_483 : vector<16xf32>
          %add3A_485 = arith.addf %get3A_437, %add3A_309 : vector<16xf32>
          %max3A_486 = arith.constant 0.000000e+00 : f32
          %max3A_487 = vector.broadcast %max3A_486 : f32 to vector<16xf32>
          %max3A_488 = arith.maximumf %add3A_485, %max3A_487 : vector<16xf32>
          %add3A_489 = arith.addf %while3A_424, %max3A_488 : vector<16xf32>
          %add3A_490 = arith.addf %get3A_437, %add3A_313 : vector<16xf32>
          %max3A_491 = arith.constant 0.000000e+00 : f32
          %max3A_492 = vector.broadcast %max3A_491 : f32 to vector<16xf32>
          %max3A_493 = arith.maximumf %add3A_490, %max3A_492 : vector<16xf32>
          %add3A_494 = arith.addf %while3A_425, %max3A_493 : vector<16xf32>
          %add3A_495 = arith.addf %get3A_437, %add3A_317 : vector<16xf32>
          %max3A_496 = arith.constant 0.000000e+00 : f32
          %max3A_497 = vector.broadcast %max3A_496 : f32 to vector<16xf32>
          %max3A_498 = arith.maximumf %add3A_495, %max3A_497 : vector<16xf32>
          %add3A_499 = arith.addf %while3A_426, %max3A_498 : vector<16xf32>
          %add3A_500 = arith.addf %get3A_437, %add3A_321 : vector<16xf32>
          %max3A_501 = arith.constant 0.000000e+00 : f32
          %max3A_502 = vector.broadcast %max3A_501 : f32 to vector<16xf32>
          %max3A_503 = arith.maximumf %add3A_500, %max3A_502 : vector<16xf32>
          %add3A_504 = arith.addf %while3A_427, %max3A_503 : vector<16xf32>
          %add3A_505 = arith.addf %get3A_437, %add3A_325 : vector<16xf32>
          %max3A_506 = arith.constant 0.000000e+00 : f32
          %max3A_507 = vector.broadcast %max3A_506 : f32 to vector<16xf32>
          %max3A_508 = arith.maximumf %add3A_505, %max3A_507 : vector<16xf32>
          %add3A_509 = arith.addf %while3A_428, %max3A_508 : vector<16xf32>
          %add3A_510 = arith.addf %get3A_437, %add3A_329 : vector<16xf32>
          %max3A_511 = arith.constant 0.000000e+00 : f32
          %max3A_512 = vector.broadcast %max3A_511 : f32 to vector<16xf32>
          %max3A_513 = arith.maximumf %add3A_510, %max3A_512 : vector<16xf32>
          %add3A_514 = arith.addf %while3A_429, %max3A_513 : vector<16xf32>
          %add3A_515 = arith.addf %get3A_437, %add3A_333 : vector<16xf32>
          %max3A_516 = arith.constant 0.000000e+00 : f32
          %max3A_517 = vector.broadcast %max3A_516 : f32 to vector<16xf32>
          %max3A_518 = arith.maximumf %add3A_515, %max3A_517 : vector<16xf32>
          %add3A_519 = arith.addf %while3A_430, %max3A_518 : vector<16xf32>
          %add3A_520 = arith.addf %get3A_437, %add3A_337 : vector<16xf32>
          %max3A_521 = arith.constant 0.000000e+00 : f32
          %max3A_522 = vector.broadcast %max3A_521 : f32 to vector<16xf32>
          %max3A_523 = arith.maximumf %add3A_520, %max3A_522 : vector<16xf32>
          %add3A_524 = arith.addf %while3A_431, %max3A_523 : vector<16xf32>
          %add3A_525 = arith.addf %get3A_445, %add3A_277 : vector<16xf32>
          %max3A_526 = arith.constant 0.000000e+00 : f32
          %max3A_527 = vector.broadcast %max3A_526 : f32 to vector<16xf32>
          %max3A_528 = arith.maximumf %add3A_525, %max3A_527 : vector<16xf32>
          %add3A_529 = arith.addf %add3A_449, %max3A_528 : vector<16xf32>
          %add3A_530 = arith.addf %get3A_445, %add3A_281 : vector<16xf32>
          %max3A_531 = arith.constant 0.000000e+00 : f32
          %max3A_532 = vector.broadcast %max3A_531 : f32 to vector<16xf32>
          %max3A_533 = arith.maximumf %add3A_530, %max3A_532 : vector<16xf32>
          %add3A_534 = arith.addf %add3A_454, %max3A_533 : vector<16xf32>
          %add3A_535 = arith.addf %get3A_445, %add3A_285 : vector<16xf32>
          %max3A_536 = arith.constant 0.000000e+00 : f32
          %max3A_537 = vector.broadcast %max3A_536 : f32 to vector<16xf32>
          %max3A_538 = arith.maximumf %add3A_535, %max3A_537 : vector<16xf32>
          %add3A_539 = arith.addf %add3A_459, %max3A_538 : vector<16xf32>
          %add3A_540 = arith.addf %get3A_445, %add3A_289 : vector<16xf32>
          %max3A_541 = arith.constant 0.000000e+00 : f32
          %max3A_542 = vector.broadcast %max3A_541 : f32 to vector<16xf32>
          %max3A_543 = arith.maximumf %add3A_540, %max3A_542 : vector<16xf32>
          %add3A_544 = arith.addf %add3A_464, %max3A_543 : vector<16xf32>
          %add3A_545 = arith.addf %get3A_445, %add3A_293 : vector<16xf32>
          %max3A_546 = arith.constant 0.000000e+00 : f32
          %max3A_547 = vector.broadcast %max3A_546 : f32 to vector<16xf32>
          %max3A_548 = arith.maximumf %add3A_545, %max3A_547 : vector<16xf32>
          %add3A_549 = arith.addf %add3A_469, %max3A_548 : vector<16xf32>
          %add3A_550 = arith.addf %get3A_445, %add3A_297 : vector<16xf32>
          %max3A_551 = arith.constant 0.000000e+00 : f32
          %max3A_552 = vector.broadcast %max3A_551 : f32 to vector<16xf32>
          %max3A_553 = arith.maximumf %add3A_550, %max3A_552 : vector<16xf32>
          %add3A_554 = arith.addf %add3A_474, %max3A_553 : vector<16xf32>
          %add3A_555 = arith.addf %get3A_445, %add3A_301 : vector<16xf32>
          %max3A_556 = arith.constant 0.000000e+00 : f32
          %max3A_557 = vector.broadcast %max3A_556 : f32 to vector<16xf32>
          %max3A_558 = arith.maximumf %add3A_555, %max3A_557 : vector<16xf32>
          %add3A_559 = arith.addf %add3A_479, %max3A_558 : vector<16xf32>
          %add3A_560 = arith.addf %get3A_445, %add3A_305 : vector<16xf32>
          %max3A_561 = arith.constant 0.000000e+00 : f32
          %max3A_562 = vector.broadcast %max3A_561 : f32 to vector<16xf32>
          %max3A_563 = arith.maximumf %add3A_560, %max3A_562 : vector<16xf32>
          %add3A_564 = arith.addf %add3A_484, %max3A_563 : vector<16xf32>
          %add3A_565 = arith.addf %get3A_445, %add3A_309 : vector<16xf32>
          %max3A_566 = arith.constant 0.000000e+00 : f32
          %max3A_567 = vector.broadcast %max3A_566 : f32 to vector<16xf32>
          %max3A_568 = arith.maximumf %add3A_565, %max3A_567 : vector<16xf32>
          %add3A_569 = arith.addf %add3A_489, %max3A_568 : vector<16xf32>
          %add3A_570 = arith.addf %get3A_445, %add3A_313 : vector<16xf32>
          %max3A_571 = arith.constant 0.000000e+00 : f32
          %max3A_572 = vector.broadcast %max3A_571 : f32 to vector<16xf32>
          %max3A_573 = arith.maximumf %add3A_570, %max3A_572 : vector<16xf32>
          %add3A_574 = arith.addf %add3A_494, %max3A_573 : vector<16xf32>
          %add3A_575 = arith.addf %get3A_445, %add3A_317 : vector<16xf32>
          %max3A_576 = arith.constant 0.000000e+00 : f32
          %max3A_577 = vector.broadcast %max3A_576 : f32 to vector<16xf32>
          %max3A_578 = arith.maximumf %add3A_575, %max3A_577 : vector<16xf32>
          %add3A_579 = arith.addf %add3A_499, %max3A_578 : vector<16xf32>
          %add3A_580 = arith.addf %get3A_445, %add3A_321 : vector<16xf32>
          %max3A_581 = arith.constant 0.000000e+00 : f32
          %max3A_582 = vector.broadcast %max3A_581 : f32 to vector<16xf32>
          %max3A_583 = arith.maximumf %add3A_580, %max3A_582 : vector<16xf32>
          %add3A_584 = arith.addf %add3A_504, %max3A_583 : vector<16xf32>
          %add3A_585 = arith.addf %get3A_445, %add3A_325 : vector<16xf32>
          %max3A_586 = arith.constant 0.000000e+00 : f32
          %max3A_587 = vector.broadcast %max3A_586 : f32 to vector<16xf32>
          %max3A_588 = arith.maximumf %add3A_585, %max3A_587 : vector<16xf32>
          %add3A_589 = arith.addf %add3A_509, %max3A_588 : vector<16xf32>
          %add3A_590 = arith.addf %get3A_445, %add3A_329 : vector<16xf32>
          %max3A_591 = arith.constant 0.000000e+00 : f32
          %max3A_592 = vector.broadcast %max3A_591 : f32 to vector<16xf32>
          %max3A_593 = arith.maximumf %add3A_590, %max3A_592 : vector<16xf32>
          %add3A_594 = arith.addf %add3A_514, %max3A_593 : vector<16xf32>
          %add3A_595 = arith.addf %get3A_445, %add3A_333 : vector<16xf32>
          %max3A_596 = arith.constant 0.000000e+00 : f32
          %max3A_597 = vector.broadcast %max3A_596 : f32 to vector<16xf32>
          %max3A_598 = arith.maximumf %add3A_595, %max3A_597 : vector<16xf32>
          %add3A_599 = arith.addf %add3A_519, %max3A_598 : vector<16xf32>
          %add3A_600 = arith.addf %get3A_445, %add3A_337 : vector<16xf32>
          %max3A_601 = arith.constant 0.000000e+00 : f32
          %max3A_602 = vector.broadcast %max3A_601 : f32 to vector<16xf32>
          %max3A_603 = arith.maximumf %add3A_600, %max3A_602 : vector<16xf32>
          %add3A_604 = arith.addf %add3A_524, %max3A_603 : vector<16xf32>
          scf.yield %add3A_529, %add3A_534, %add3A_539, %add3A_544, %add3A_549, %add3A_554, %add3A_559, %add3A_564, %add3A_569, %add3A_574, %add3A_579, %add3A_584, %add3A_589, %add3A_594, %add3A_599, %add3A_604 : vector<16xf32>, vector<16xf32>, vector<16xf32>, vector<16xf32>, vector<16xf32>, vector<16xf32>, vector<16xf32>, vector<16xf32>, vector<16xf32>, vector<16xf32>, vector<16xf32>, vector<16xf32>, vector<16xf32>, vector<16xf32>, vector<16xf32>, vector<16xf32>
        }
        %while3A_371 = arith.constant 1 : i32
        %while3A_372:16 = scf.for %while3A_415 = %while3A_368 to %while3A_364 step %while3A_371 iter_args(%while3A_416 = %while3A_370#0, %while3A_417 = %while3A_370#1, %while3A_418 = %while3A_370#2, %while3A_419 = %while3A_370#3, %while3A_420 = %while3A_370#4, %while3A_421 = %while3A_370#5, %while3A_422 = %while3A_370#6, %while3A_423 = %while3A_370#7, %while3A_424 = %while3A_370#8, %while3A_425 = %while3A_370#9, %while3A_426 = %while3A_370#10, %while3A_427 = %while3A_370#11, %while3A_428 = %while3A_370#12, %while3A_429 = %while3A_370#13, %while3A_430 = %while3A_370#14, %while3A_431 = %while3A_370#15) -> (vector<16xf32>, vector<16xf32>, vector<16xf32>, vector<16xf32>, vector<16xf32>, vector<16xf32>, vector<16xf32>, vector<16xf32>, vector<16xf32>, vector<16xf32>, vector<16xf32>, vector<16xf32>, vector<16xf32>, vector<16xf32>, vector<16xf32>, vector<16xf32>)  : i32 {
          %mul3A_432 = arith.constant 32 : i32
          %mul3A_433 = arith.muli %while3A_415, %mul3A_432 : i32
          %add3A_434 = arith.addi %squeeze3A_195, %mul3A_433 : i32
          %get3A_435 = arith.index_cast %add3A_434 : i32 to index
          %get3A_436 = tpu.vector_load %arg12[%get3A_435] {strides = array<i32>} : memref<10160xf32, #tpu.memory_space<vmem>>, vector<16xf32>,
          %get3A_437 = vector.shape_cast %get3A_436 : vector<16xf32> to vector<16xf32>
          %mul3A_438 = arith.constant 32 : i32
          %mul3A_439 = arith.muli %while3A_415, %mul3A_438 : i32
          %add3A_440 = arith.addi %squeeze3A_195, %mul3A_439 : i32
          %add3A_441 = arith.constant 16 : i32
          %add3A_442 = arith.addi %add3A_440, %add3A_441 : i32
          %get3A_443 = arith.index_cast %add3A_442 : i32 to index
          %get3A_444 = tpu.vector_load %arg12[%get3A_443] {strides = array<i32>} : memref<10160xf32, #tpu.memory_space<vmem>>, vector<16xf32>,
          %get3A_445 = vector.shape_cast %get3A_444 : vector<16xf32> to vector<16xf32>
          %add3A_446 = arith.addf %get3A_437, %add3A_277 : vector<16xf32>
          %max3A = arith.constant 0.000000e+00 : f32
          %max3A_447 = vector.broadcast %max3A : f32 to vector<16xf32>
          %max3A_448 = arith.maximumf %add3A_446, %max3A_447 : vector<16xf32>
          %add3A_449 = arith.addf %while3A_416, %max3A_448 : vector<16xf32>
          %add3A_450 = arith.addf %get3A_437, %add3A_281 : vector<16xf32>
          %max3A_451 = arith.constant 0.000000e+00 : f32
          %max3A_452 = vector.broadcast %max3A_451 : f32 to vector<16xf32>
          %max3A_453 = arith.maximumf %add3A_450, %max3A_452 : vector<16xf32>
          %add3A_454 = arith.addf %while3A_417, %max3A_453 : vector<16xf32>
          %add3A_455 = arith.addf %get3A_437, %add3A_285 : vector<16xf32>
          %max3A_456 = arith.constant 0.000000e+00 : f32
          %max3A_457 = vector.broadcast %max3A_456 : f32 to vector<16xf32>
          %max3A_458 = arith.maximumf %add3A_455, %max3A_457 : vector<16xf32>
          %add3A_459 = arith.addf %while3A_418, %max3A_458 : vector<16xf32>
          %add3A_460 = arith.addf %get3A_437, %add3A_289 : vector<16xf32>
          %max3A_461 = arith.constant 0.000000e+00 : f32
          %max3A_462 = vector.broadcast %max3A_461 : f32 to vector<16xf32>
          %max3A_463 = arith.maximumf %add3A_460, %max3A_462 : vector<16xf32>
          %add3A_464 = arith.addf %while3A_419, %max3A_463 : vector<16xf32>
          %add3A_465 = arith.addf %get3A_437, %add3A_293 : vector<16xf32>
          %max3A_466 = arith.constant 0.000000e+00 : f32
          %max3A_467 = vector.broadcast %max3A_466 : f32 to vector<16xf32>
          %max3A_468 = arith.maximumf %add3A_465, %max3A_467 : vector<16xf32>
          %add3A_469 = arith.addf %while3A_420, %max3A_468 : vector<16xf32>
          %add3A_470 = arith.addf %get3A_437, %add3A_297 : vector<16xf32>
          %max3A_471 = arith.constant 0.000000e+00 : f32
          %max3A_472 = vector.broadcast %max3A_471 : f32 to vector<16xf32>
          %max3A_473 = arith.maximumf %add3A_470, %max3A_472 : vector<16xf32>
          %add3A_474 = arith.addf %while3A_421, %max3A_473 : vector<16xf32>
          %add3A_475 = arith.addf %get3A_437, %add3A_301 : vector<16xf32>
          %max3A_476 = arith.constant 0.000000e+00 : f32
          %max3A_477 = vector.broadcast %max3A_476 : f32 to vector<16xf32>
          %max3A_478 = arith.maximumf %add3A_475, %max3A_477 : vector<16xf32>
          %add3A_479 = arith.addf %while3A_422, %max3A_478 : vector<16xf32>
          %add3A_480 = arith.addf %get3A_437, %add3A_305 : vector<16xf32>
          %max3A_481 = arith.constant 0.000000e+00 : f32
          %max3A_482 = vector.broadcast %max3A_481 : f32 to vector<16xf32>
          %max3A_483 = arith.maximumf %add3A_480, %max3A_482 : vector<16xf32>
          %add3A_484 = arith.addf %while3A_423, %max3A_483 : vector<16xf32>
          %add3A_485 = arith.addf %get3A_437, %add3A_309 : vector<16xf32>
          %max3A_486 = arith.constant 0.000000e+00 : f32
          %max3A_487 = vector.broadcast %max3A_486 : f32 to vector<16xf32>
          %max3A_488 = arith.maximumf %add3A_485, %max3A_487 : vector<16xf32>
          %add3A_489 = arith.addf %while3A_424, %max3A_488 : vector<16xf32>
          %add3A_490 = arith.addf %get3A_437, %add3A_313 : vector<16xf32>
          %max3A_491 = arith.constant 0.000000e+00 : f32
          %max3A_492 = vector.broadcast %max3A_491 : f32 to vector<16xf32>
          %max3A_493 = arith.maximumf %add3A_490, %max3A_492 : vector<16xf32>
          %add3A_494 = arith.addf %while3A_425, %max3A_493 : vector<16xf32>
          %add3A_495 = arith.addf %get3A_437, %add3A_317 : vector<16xf32>
          %max3A_496 = arith.constant 0.000000e+00 : f32
          %max3A_497 = vector.broadcast %max3A_496 : f32 to vector<16xf32>
          %max3A_498 = arith.maximumf %add3A_495, %max3A_497 : vector<16xf32>
          %add3A_499 = arith.addf %while3A_426, %max3A_498 : vector<16xf32>
          %add3A_500 = arith.addf %get3A_437, %add3A_321 : vector<16xf32>
          %max3A_501 = arith.constant 0.000000e+00 : f32
          %max3A_502 = vector.broadcast %max3A_501 : f32 to vector<16xf32>
          %max3A_503 = arith.maximumf %add3A_500, %max3A_502 : vector<16xf32>
          %add3A_504 = arith.addf %while3A_427, %max3A_503 : vector<16xf32>
          %add3A_505 = arith.addf %get3A_437, %add3A_325 : vector<16xf32>
          %max3A_506 = arith.constant 0.000000e+00 : f32
          %max3A_507 = vector.broadcast %max3A_506 : f32 to vector<16xf32>
          %max3A_508 = arith.maximumf %add3A_505, %max3A_507 : vector<16xf32>
          %add3A_509 = arith.addf %while3A_428, %max3A_508 : vector<16xf32>
          %add3A_510 = arith.addf %get3A_437, %add3A_329 : vector<16xf32>
          %max3A_511 = arith.constant 0.000000e+00 : f32
          %max3A_512 = vector.broadcast %max3A_511 : f32 to vector<16xf32>
          %max3A_513 = arith.maximumf %add3A_510, %max3A_512 : vector<16xf32>
          %add3A_514 = arith.addf %while3A_429, %max3A_513 : vector<16xf32>
          %add3A_515 = arith.addf %get3A_437, %add3A_333 : vector<16xf32>
          %max3A_516 = arith.constant 0.000000e+00 : f32
          %max3A_517 = vector.broadcast %max3A_516 : f32 to vector<16xf32>
          %max3A_518 = arith.maximumf %add3A_515, %max3A_517 : vector<16xf32>
          %add3A_519 = arith.addf %while3A_430, %max3A_518 : vector<16xf32>
          %add3A_520 = arith.addf %get3A_437, %add3A_337 : vector<16xf32>
          %max3A_521 = arith.constant 0.000000e+00 : f32
          %max3A_522 = vector.broadcast %max3A_521 : f32 to vector<16xf32>
          %max3A_523 = arith.maximumf %add3A_520, %max3A_522 : vector<16xf32>
          %add3A_524 = arith.addf %while3A_431, %max3A_523 : vector<16xf32>
          %add3A_525 = arith.addf %get3A_445, %add3A_277 : vector<16xf32>
          %max3A_526 = arith.constant 0.000000e+00 : f32
          %max3A_527 = vector.broadcast %max3A_526 : f32 to vector<16xf32>
          %max3A_528 = arith.maximumf %add3A_525, %max3A_527 : vector<16xf32>
          %add3A_529 = arith.addf %add3A_449, %max3A_528 : vector<16xf32>
          %add3A_530 = arith.addf %get3A_445, %add3A_281 : vector<16xf32>
          %max3A_531 = arith.constant 0.000000e+00 : f32
          %max3A_532 = vector.broadcast %max3A_531 : f32 to vector<16xf32>
          %max3A_533 = arith.maximumf %add3A_530, %max3A_532 : vector<16xf32>
          %add3A_534 = arith.addf %add3A_454, %max3A_533 : vector<16xf32>
          %add3A_535 = arith.addf %get3A_445, %add3A_285 : vector<16xf32>
          %max3A_536 = arith.constant 0.000000e+00 : f32
          %max3A_537 = vector.broadcast %max3A_536 : f32 to vector<16xf32>
          %max3A_538 = arith.maximumf %add3A_535, %max3A_537 : vector<16xf32>
          %add3A_539 = arith.addf %add3A_459, %max3A_538 : vector<16xf32>
          %add3A_540 = arith.addf %get3A_445, %add3A_289 : vector<16xf32>
          %max3A_541 = arith.constant 0.000000e+00 : f32
          %max3A_542 = vector.broadcast %max3A_541 : f32 to vector<16xf32>
          %max3A_543 = arith.maximumf %add3A_540, %max3A_542 : vector<16xf32>
          %add3A_544 = arith.addf %add3A_464, %max3A_543 : vector<16xf32>
          %add3A_545 = arith.addf %get3A_445, %add3A_293 : vector<16xf32>
          %max3A_546 = arith.constant 0.000000e+00 : f32
          %max3A_547 = vector.broadcast %max3A_546 : f32 to vector<16xf32>
          %max3A_548 = arith.maximumf %add3A_545, %max3A_547 : vector<16xf32>
          %add3A_549 = arith.addf %add3A_469, %max3A_548 : vector<16xf32>
          %add3A_550 = arith.addf %get3A_445, %add3A_297 : vector<16xf32>
          %max3A_551 = arith.constant 0.000000e+00 : f32
          %max3A_552 = vector.broadcast %max3A_551 : f32 to vector<16xf32>
          %max3A_553 = arith.maximumf %add3A_550, %max3A_552 : vector<16xf32>
          %add3A_554 = arith.addf %add3A_474, %max3A_553 : vector<16xf32>
          %add3A_555 = arith.addf %get3A_445, %add3A_301 : vector<16xf32>
          %max3A_556 = arith.constant 0.000000e+00 : f32
          %max3A_557 = vector.broadcast %max3A_556 : f32 to vector<16xf32>
          %max3A_558 = arith.maximumf %add3A_555, %max3A_557 : vector<16xf32>
          %add3A_559 = arith.addf %add3A_479, %max3A_558 : vector<16xf32>
          %add3A_560 = arith.addf %get3A_445, %add3A_305 : vector<16xf32>
          %max3A_561 = arith.constant 0.000000e+00 : f32
          %max3A_562 = vector.broadcast %max3A_561 : f32 to vector<16xf32>
          %max3A_563 = arith.maximumf %add3A_560, %max3A_562 : vector<16xf32>
          %add3A_564 = arith.addf %add3A_484, %max3A_563 : vector<16xf32>
          %add3A_565 = arith.addf %get3A_445, %add3A_309 : vector<16xf32>
          %max3A_566 = arith.constant 0.000000e+00 : f32
          %max3A_567 = vector.broadcast %max3A_566 : f32 to vector<16xf32>
          %max3A_568 = arith.maximumf %add3A_565, %max3A_567 : vector<16xf32>
          %add3A_569 = arith.addf %add3A_489, %max3A_568 : vector<16xf32>
          %add3A_570 = arith.addf %get3A_445, %add3A_313 : vector<16xf32>
          %max3A_571 = arith.constant 0.000000e+00 : f32
          %max3A_572 = vector.broadcast %max3A_571 : f32 to vector<16xf32>
          %max3A_573 = arith.maximumf %add3A_570, %max3A_572 : vector<16xf32>
          %add3A_574 = arith.addf %add3A_494, %max3A_573 : vector<16xf32>
          %add3A_575 = arith.addf %get3A_445, %add3A_317 : vector<16xf32>
          %max3A_576 = arith.constant 0.000000e+00 : f32
          %max3A_577 = vector.broadcast %max3A_576 : f32 to vector<16xf32>
          %max3A_578 = arith.maximumf %add3A_575, %max3A_577 : vector<16xf32>
          %add3A_579 = arith.addf %add3A_499, %max3A_578 : vector<16xf32>
          %add3A_580 = arith.addf %get3A_445, %add3A_321 : vector<16xf32>
          %max3A_581 = arith.constant 0.000000e+00 : f32
          %max3A_582 = vector.broadcast %max3A_581 : f32 to vector<16xf32>
          %max3A_583 = arith.maximumf %add3A_580, %max3A_582 : vector<16xf32>
          %add3A_584 = arith.addf %add3A_504, %max3A_583 : vector<16xf32>
          %add3A_585 = arith.addf %get3A_445, %add3A_325 : vector<16xf32>
          %max3A_586 = arith.constant 0.000000e+00 : f32
          %max3A_587 = vector.broadcast %max3A_586 : f32 to vector<16xf32>
          %max3A_588 = arith.maximumf %add3A_585, %max3A_587 : vector<16xf32>
          %add3A_589 = arith.addf %add3A_509, %max3A_588 : vector<16xf32>
          %add3A_590 = arith.addf %get3A_445, %add3A_329 : vector<16xf32>
          %max3A_591 = arith.constant 0.000000e+00 : f32
          %max3A_592 = vector.broadcast %max3A_591 : f32 to vector<16xf32>
          %max3A_593 = arith.maximumf %add3A_590, %max3A_592 : vector<16xf32>
          %add3A_594 = arith.addf %add3A_514, %max3A_593 : vector<16xf32>
          %add3A_595 = arith.addf %get3A_445, %add3A_333 : vector<16xf32>
          %max3A_596 = arith.constant 0.000000e+00 : f32
          %max3A_597 = vector.broadcast %max3A_596 : f32 to vector<16xf32>
          %max3A_598 = arith.maximumf %add3A_595, %max3A_597 : vector<16xf32>
          %add3A_599 = arith.addf %add3A_519, %max3A_598 : vector<16xf32>
          %add3A_600 = arith.addf %get3A_445, %add3A_337 : vector<16xf32>
          %max3A_601 = arith.constant 0.000000e+00 : f32
          %max3A_602 = vector.broadcast %max3A_601 : f32 to vector<16xf32>
          %max3A_603 = arith.maximumf %add3A_600, %max3A_602 : vector<16xf32>
          %add3A_604 = arith.addf %add3A_524, %max3A_603 : vector<16xf32>
          scf.yield %add3A_529, %add3A_534, %add3A_539, %add3A_544, %add3A_549, %add3A_554, %add3A_559, %add3A_564, %add3A_569, %add3A_574, %add3A_579, %add3A_584, %add3A_589, %add3A_594, %add3A_599, %add3A_604 : vector<16xf32>, vector<16xf32>, vector<16xf32>, vector<16xf32>, vector<16xf32>, vector<16xf32>, vector<16xf32>, vector<16xf32>, vector<16xf32>, vector<16xf32>, vector<16xf32>, vector<16xf32>, vector<16xf32>, vector<16xf32>, vector<16xf32>, vector<16xf32>
        }
        %jit3A_373 = arith.constant 2 : i32
        %eq3A_374 = arith.constant 0 : i32
        %eq3A_375 = arith.cmpi eq, %jit3A_373, %eq3A_374 : i32
        %jit3A_376 = arith.constant 1 : i32
        %select_n3A_377 = arith.select %eq3A_375, %jit3A_376, %jit3A_373 : i32
        %rem3A_378 = arith.remsi %select_n3A_248, %select_n3A_377 : i32
        %ne3A_379 = arith.constant 0 : i32
        %ne3A_380 = arith.cmpi ne, %rem3A_378, %ne3A_379 : i32
        %lt3A = arith.constant 0 : i32
        %lt3A_381 = arith.cmpi slt, %rem3A_378, %lt3A : i32
        %lt3A_382 = arith.constant 0 : i32
        %lt3A_383 = arith.cmpi slt, %select_n3A_377, %lt3A_382 : i32
        %ne3A_384 = arith.xori %lt3A_381, %lt3A_383 : i1
        %and3A_385 = arith.andi %ne3A_384, %ne3A_380 : i1
        %add3A_386 = arith.addi %rem3A_378, %select_n3A_377 : i32
        %select_n3A_387 = arith.select %and3A_385, %add3A_386, %rem3A_378 : i32
        %while3A_388 = arith.constant 0 : i32
        %while3A_389 = arith.subi %select_n3A_387, %while3A_388 : i32
        %while3A_390 = arith.addi %while3A_388, %while3A_389 : i32
        %while3A_391 = arith.constant 1 : i32
        %while3A_392 = arith.divsi %while3A_389, %while3A_391 : i32
        %while3A_393 = arith.muli %while3A_392, %while3A_391 : i32
        %while3A_394 = arith.addi %while3A_388, %while3A_393 : i32
        %while3A_395 = arith.constant 1 : i32
        %while3A_396:16 = scf.for %while3A_415 = %while3A_388 to %while3A_394 step %while3A_395 iter_args(%while3A_416 = %while3A_372#0, %while3A_417 = %while3A_372#1, %while3A_418 = %while3A_372#2, %while3A_419 = %while3A_372#3, %while3A_420 = %while3A_372#4, %while3A_421 = %while3A_372#5, %while3A_422 = %while3A_372#6, %while3A_423 = %while3A_372#7, %while3A_424 = %while3A_372#8, %while3A_425 = %while3A_372#9, %while3A_426 = %while3A_372#10, %while3A_427 = %while3A_372#11, %while3A_428 = %while3A_372#12, %while3A_429 = %while3A_372#13, %while3A_430 = %while3A_372#14, %while3A_431 = %while3A_372#15) -> (vector<16xf32>, vector<16xf32>, vector<16xf32>, vector<16xf32>, vector<16xf32>, vector<16xf32>, vector<16xf32>, vector<16xf32>, vector<16xf32>, vector<16xf32>, vector<16xf32>, vector<16xf32>, vector<16xf32>, vector<16xf32>, vector<16xf32>, vector<16xf32>)  : i32 {
          %sub3A_432 = arith.constant 1 : i32
          %sub3A_433 = arith.subi %select_n3A_248, %sub3A_432 : i32
          %mul3A_434 = arith.constant 16 : i32
          %mul3A_435 = arith.muli %sub3A_433, %mul3A_434 : i32
          %add3A_436 = arith.addi %squeeze3A_195, %mul3A_435 : i32
          %get3A_437 = arith.index_cast %add3A_436 : i32 to index
          %get3A_438 = tpu.vector_load %arg12[%get3A_437] {strides = array<i32>} : memref<10160xf32, #tpu.memory_space<vmem>>, vector<16xf32>,
          %get3A_439 = vector.shape_cast %get3A_438 : vector<16xf32> to vector<16xf32>
          %add3A_440 = arith.addf %get3A_439, %add3A_277 : vector<16xf32>
          %max3A = arith.constant 0.000000e+00 : f32
          %max3A_441 = vector.broadcast %max3A : f32 to vector<16xf32>
          %max3A_442 = arith.maximumf %add3A_440, %max3A_441 : vector<16xf32>
          %add3A_443 = arith.addf %while3A_416, %max3A_442 : vector<16xf32>
          %add3A_444 = arith.addf %get3A_439, %add3A_281 : vector<16xf32>
          %max3A_445 = arith.constant 0.000000e+00 : f32
          %max3A_446 = vector.broadcast %max3A_445 : f32 to vector<16xf32>
          %max3A_447 = arith.maximumf %add3A_444, %max3A_446 : vector<16xf32>
          %add3A_448 = arith.addf %while3A_417, %max3A_447 : vector<16xf32>
          %add3A_449 = arith.addf %get3A_439, %add3A_285 : vector<16xf32>
          %max3A_450 = arith.constant 0.000000e+00 : f32
          %max3A_451 = vector.broadcast %max3A_450 : f32 to vector<16xf32>
          %max3A_452 = arith.maximumf %add3A_449, %max3A_451 : vector<16xf32>
          %add3A_453 = arith.addf %while3A_418, %max3A_452 : vector<16xf32>
          %add3A_454 = arith.addf %get3A_439, %add3A_289 : vector<16xf32>
          %max3A_455 = arith.constant 0.000000e+00 : f32
          %max3A_456 = vector.broadcast %max3A_455 : f32 to vector<16xf32>
          %max3A_457 = arith.maximumf %add3A_454, %max3A_456 : vector<16xf32>
          %add3A_458 = arith.addf %while3A_419, %max3A_457 : vector<16xf32>
          %add3A_459 = arith.addf %get3A_439, %add3A_293 : vector<16xf32>
          %max3A_460 = arith.constant 0.000000e+00 : f32
          %max3A_461 = vector.broadcast %max3A_460 : f32 to vector<16xf32>
          %max3A_462 = arith.maximumf %add3A_459, %max3A_461 : vector<16xf32>
          %add3A_463 = arith.addf %while3A_420, %max3A_462 : vector<16xf32>
          %add3A_464 = arith.addf %get3A_439, %add3A_297 : vector<16xf32>
          %max3A_465 = arith.constant 0.000000e+00 : f32
          %max3A_466 = vector.broadcast %max3A_465 : f32 to vector<16xf32>
          %max3A_467 = arith.maximumf %add3A_464, %max3A_466 : vector<16xf32>
          %add3A_468 = arith.addf %while3A_421, %max3A_467 : vector<16xf32>
          %add3A_469 = arith.addf %get3A_439, %add3A_301 : vector<16xf32>
          %max3A_470 = arith.constant 0.000000e+00 : f32
          %max3A_471 = vector.broadcast %max3A_470 : f32 to vector<16xf32>
          %max3A_472 = arith.maximumf %add3A_469, %max3A_471 : vector<16xf32>
          %add3A_473 = arith.addf %while3A_422, %max3A_472 : vector<16xf32>
          %add3A_474 = arith.addf %get3A_439, %add3A_305 : vector<16xf32>
          %max3A_475 = arith.constant 0.000000e+00 : f32
          %max3A_476 = vector.broadcast %max3A_475 : f32 to vector<16xf32>
          %max3A_477 = arith.maximumf %add3A_474, %max3A_476 : vector<16xf32>
          %add3A_478 = arith.addf %while3A_423, %max3A_477 : vector<16xf32>
          %add3A_479 = arith.addf %get3A_439, %add3A_309 : vector<16xf32>
          %max3A_480 = arith.constant 0.000000e+00 : f32
          %max3A_481 = vector.broadcast %max3A_480 : f32 to vector<16xf32>
          %max3A_482 = arith.maximumf %add3A_479, %max3A_481 : vector<16xf32>
          %add3A_483 = arith.addf %while3A_424, %max3A_482 : vector<16xf32>
          %add3A_484 = arith.addf %get3A_439, %add3A_313 : vector<16xf32>
          %max3A_485 = arith.constant 0.000000e+00 : f32
          %max3A_486 = vector.broadcast %max3A_485 : f32 to vector<16xf32>
          %max3A_487 = arith.maximumf %add3A_484, %max3A_486 : vector<16xf32>
          %add3A_488 = arith.addf %while3A_425, %max3A_487 : vector<16xf32>
          %add3A_489 = arith.addf %get3A_439, %add3A_317 : vector<16xf32>
          %max3A_490 = arith.constant 0.000000e+00 : f32
          %max3A_491 = vector.broadcast %max3A_490 : f32 to vector<16xf32>
          %max3A_492 = arith.maximumf %add3A_489, %max3A_491 : vector<16xf32>
          %add3A_493 = arith.addf %while3A_426, %max3A_492 : vector<16xf32>
          %add3A_494 = arith.addf %get3A_439, %add3A_321 : vector<16xf32>
          %max3A_495 = arith.constant 0.000000e+00 : f32
          %max3A_496 = vector.broadcast %max3A_495 : f32 to vector<16xf32>
          %max3A_497 = arith.maximumf %add3A_494, %max3A_496 : vector<16xf32>
          %add3A_498 = arith.addf %while3A_427, %max3A_497 : vector<16xf32>
          %add3A_499 = arith.addf %get3A_439, %add3A_325 : vector<16xf32>
          %max3A_500 = arith.constant 0.000000e+00 : f32
          %max3A_501 = vector.broadcast %max3A_500 : f32 to vector<16xf32>
          %max3A_502 = arith.maximumf %add3A_499, %max3A_501 : vector<16xf32>
          %add3A_503 = arith.addf %while3A_428, %max3A_502 : vector<16xf32>
          %add3A_504 = arith.addf %get3A_439, %add3A_329 : vector<16xf32>
          %max3A_505 = arith.constant 0.000000e+00 : f32
          %max3A_506 = vector.broadcast %max3A_505 : f32 to vector<16xf32>
          %max3A_507 = arith.maximumf %add3A_504, %max3A_506 : vector<16xf32>
          %add3A_508 = arith.addf %while3A_429, %max3A_507 : vector<16xf32>
          %add3A_509 = arith.addf %get3A_439, %add3A_333 : vector<16xf32>
          %max3A_510 = arith.constant 0.000000e+00 : f32
          %max3A_511 = vector.broadcast %max3A_510 : f32 to vector<16xf32>
          %max3A_512 = arith.maximumf %add3A_509, %max3A_511 : vector<16xf32>
          %add3A_513 = arith.addf %while3A_430, %max3A_512 : vector<16xf32>
          %add3A_514 = arith.addf %get3A_439, %add3A_337 : vector<16xf32>
          %max3A_515 = arith.constant 0.000000e+00 : f32
          %max3A_516 = vector.broadcast %max3A_515 : f32 to vector<16xf32>
          %max3A_517 = arith.maximumf %add3A_514, %max3A_516 : vector<16xf32>
          %add3A_518 = arith.addf %while3A_431, %max3A_517 : vector<16xf32>
          scf.yield %add3A_443, %add3A_448, %add3A_453, %add3A_458, %add3A_463, %add3A_468, %add3A_473, %add3A_478, %add3A_483, %add3A_488, %add3A_493, %add3A_498, %add3A_503, %add3A_508, %add3A_513, %add3A_518 : vector<16xf32>, vector<16xf32>, vector<16xf32>, vector<16xf32>, vector<16xf32>, vector<16xf32>, vector<16xf32>, vector<16xf32>, vector<16xf32>, vector<16xf32>, vector<16xf32>, vector<16xf32>, vector<16xf32>, vector<16xf32>, vector<16xf32>, vector<16xf32>
        }
        %while3A_397 = arith.constant 1 : i32
        %while3A_398:16 = scf.for %while3A_415 = %while3A_394 to %while3A_390 step %while3A_397 iter_args(%while3A_416 = %while3A_396#0, %while3A_417 = %while3A_396#1, %while3A_418 = %while3A_396#2, %while3A_419 = %while3A_396#3, %while3A_420 = %while3A_396#4, %while3A_421 = %while3A_396#5, %while3A_422 = %while3A_396#6, %while3A_423 = %while3A_396#7, %while3A_424 = %while3A_396#8, %while3A_425 = %while3A_396#9, %while3A_426 = %while3A_396#10, %while3A_427 = %while3A_396#11, %while3A_428 = %while3A_396#12, %while3A_429 = %while3A_396#13, %while3A_430 = %while3A_396#14, %while3A_431 = %while3A_396#15) -> (vector<16xf32>, vector<16xf32>, vector<16xf32>, vector<16xf32>, vector<16xf32>, vector<16xf32>, vector<16xf32>, vector<16xf32>, vector<16xf32>, vector<16xf32>, vector<16xf32>, vector<16xf32>, vector<16xf32>, vector<16xf32>, vector<16xf32>, vector<16xf32>)  : i32 {
          %sub3A_432 = arith.constant 1 : i32
          %sub3A_433 = arith.subi %select_n3A_248, %sub3A_432 : i32
          %mul3A_434 = arith.constant 16 : i32
          %mul3A_435 = arith.muli %sub3A_433, %mul3A_434 : i32
          %add3A_436 = arith.addi %squeeze3A_195, %mul3A_435 : i32
          %get3A_437 = arith.index_cast %add3A_436 : i32 to index
          %get3A_438 = tpu.vector_load %arg12[%get3A_437] {strides = array<i32>} : memref<10160xf32, #tpu.memory_space<vmem>>, vector<16xf32>,
          %get3A_439 = vector.shape_cast %get3A_438 : vector<16xf32> to vector<16xf32>
          %add3A_440 = arith.addf %get3A_439, %add3A_277 : vector<16xf32>
          %max3A = arith.constant 0.000000e+00 : f32
          %max3A_441 = vector.broadcast %max3A : f32 to vector<16xf32>
          %max3A_442 = arith.maximumf %add3A_440, %max3A_441 : vector<16xf32>
          %add3A_443 = arith.addf %while3A_416, %max3A_442 : vector<16xf32>
          %add3A_444 = arith.addf %get3A_439, %add3A_281 : vector<16xf32>
          %max3A_445 = arith.constant 0.000000e+00 : f32
          %max3A_446 = vector.broadcast %max3A_445 : f32 to vector<16xf32>
          %max3A_447 = arith.maximumf %add3A_444, %max3A_446 : vector<16xf32>
          %add3A_448 = arith.addf %while3A_417, %max3A_447 : vector<16xf32>
          %add3A_449 = arith.addf %get3A_439, %add3A_285 : vector<16xf32>
          %max3A_450 = arith.constant 0.000000e+00 : f32
          %max3A_451 = vector.broadcast %max3A_450 : f32 to vector<16xf32>
          %max3A_452 = arith.maximumf %add3A_449, %max3A_451 : vector<16xf32>
          %add3A_453 = arith.addf %while3A_418, %max3A_452 : vector<16xf32>
          %add3A_454 = arith.addf %get3A_439, %add3A_289 : vector<16xf32>
          %max3A_455 = arith.constant 0.000000e+00 : f32
          %max3A_456 = vector.broadcast %max3A_455 : f32 to vector<16xf32>
          %max3A_457 = arith.maximumf %add3A_454, %max3A_456 : vector<16xf32>
          %add3A_458 = arith.addf %while3A_419, %max3A_457 : vector<16xf32>
          %add3A_459 = arith.addf %get3A_439, %add3A_293 : vector<16xf32>
          %max3A_460 = arith.constant 0.000000e+00 : f32
          %max3A_461 = vector.broadcast %max3A_460 : f32 to vector<16xf32>
          %max3A_462 = arith.maximumf %add3A_459, %max3A_461 : vector<16xf32>
          %add3A_463 = arith.addf %while3A_420, %max3A_462 : vector<16xf32>
          %add3A_464 = arith.addf %get3A_439, %add3A_297 : vector<16xf32>
          %max3A_465 = arith.constant 0.000000e+00 : f32
          %max3A_466 = vector.broadcast %max3A_465 : f32 to vector<16xf32>
          %max3A_467 = arith.maximumf %add3A_464, %max3A_466 : vector<16xf32>
          %add3A_468 = arith.addf %while3A_421, %max3A_467 : vector<16xf32>
          %add3A_469 = arith.addf %get3A_439, %add3A_301 : vector<16xf32>
          %max3A_470 = arith.constant 0.000000e+00 : f32
          %max3A_471 = vector.broadcast %max3A_470 : f32 to vector<16xf32>
          %max3A_472 = arith.maximumf %add3A_469, %max3A_471 : vector<16xf32>
          %add3A_473 = arith.addf %while3A_422, %max3A_472 : vector<16xf32>
          %add3A_474 = arith.addf %get3A_439, %add3A_305 : vector<16xf32>
          %max3A_475 = arith.constant 0.000000e+00 : f32
          %max3A_476 = vector.broadcast %max3A_475 : f32 to vector<16xf32>
          %max3A_477 = arith.maximumf %add3A_474, %max3A_476 : vector<16xf32>
          %add3A_478 = arith.addf %while3A_423, %max3A_477 : vector<16xf32>
          %add3A_479 = arith.addf %get3A_439, %add3A_309 : vector<16xf32>
          %max3A_480 = arith.constant 0.000000e+00 : f32
          %max3A_481 = vector.broadcast %max3A_480 : f32 to vector<16xf32>
          %max3A_482 = arith.maximumf %add3A_479, %max3A_481 : vector<16xf32>
          %add3A_483 = arith.addf %while3A_424, %max3A_482 : vector<16xf32>
          %add3A_484 = arith.addf %get3A_439, %add3A_313 : vector<16xf32>
          %max3A_485 = arith.constant 0.000000e+00 : f32
          %max3A_486 = vector.broadcast %max3A_485 : f32 to vector<16xf32>
          %max3A_487 = arith.maximumf %add3A_484, %max3A_486 : vector<16xf32>
          %add3A_488 = arith.addf %while3A_425, %max3A_487 : vector<16xf32>
          %add3A_489 = arith.addf %get3A_439, %add3A_317 : vector<16xf32>
          %max3A_490 = arith.constant 0.000000e+00 : f32
          %max3A_491 = vector.broadcast %max3A_490 : f32 to vector<16xf32>
          %max3A_492 = arith.maximumf %add3A_489, %max3A_491 : vector<16xf32>
          %add3A_493 = arith.addf %while3A_426, %max3A_492 : vector<16xf32>
          %add3A_494 = arith.addf %get3A_439, %add3A_321 : vector<16xf32>
          %max3A_495 = arith.constant 0.000000e+00 : f32
          %max3A_496 = vector.broadcast %max3A_495 : f32 to vector<16xf32>
          %max3A_497 = arith.maximumf %add3A_494, %max3A_496 : vector<16xf32>
          %add3A_498 = arith.addf %while3A_427, %max3A_497 : vector<16xf32>
          %add3A_499 = arith.addf %get3A_439, %add3A_325 : vector<16xf32>
          %max3A_500 = arith.constant 0.000000e+00 : f32
          %max3A_501 = vector.broadcast %max3A_500 : f32 to vector<16xf32>
          %max3A_502 = arith.maximumf %add3A_499, %max3A_501 : vector<16xf32>
          %add3A_503 = arith.addf %while3A_428, %max3A_502 : vector<16xf32>
          %add3A_504 = arith.addf %get3A_439, %add3A_329 : vector<16xf32>
          %max3A_505 = arith.constant 0.000000e+00 : f32
          %max3A_506 = vector.broadcast %max3A_505 : f32 to vector<16xf32>
          %max3A_507 = arith.maximumf %add3A_504, %max3A_506 : vector<16xf32>
          %add3A_508 = arith.addf %while3A_429, %max3A_507 : vector<16xf32>
          %add3A_509 = arith.addf %get3A_439, %add3A_333 : vector<16xf32>
          %max3A_510 = arith.constant 0.000000e+00 : f32
          %max3A_511 = vector.broadcast %max3A_510 : f32 to vector<16xf32>
          %max3A_512 = arith.maximumf %add3A_509, %max3A_511 : vector<16xf32>
          %add3A_513 = arith.addf %while3A_430, %max3A_512 : vector<16xf32>
          %add3A_514 = arith.addf %get3A_439, %add3A_337 : vector<16xf32>
          %max3A_515 = arith.constant 0.000000e+00 : f32
          %max3A_516 = vector.broadcast %max3A_515 : f32 to vector<16xf32>
          %max3A_517 = arith.maximumf %add3A_514, %max3A_516 : vector<16xf32>
          %add3A_518 = arith.addf %while3A_431, %max3A_517 : vector<16xf32>
          scf.yield %add3A_443, %add3A_448, %add3A_453, %add3A_458, %add3A_463, %add3A_468, %add3A_473, %add3A_478, %add3A_483, %add3A_488, %add3A_493, %add3A_498, %add3A_503, %add3A_508, %add3A_513, %add3A_518 : vector<16xf32>, vector<16xf32>, vector<16xf32>, vector<16xf32>, vector<16xf32>, vector<16xf32>, vector<16xf32>, vector<16xf32>, vector<16xf32>, vector<16xf32>, vector<16xf32>, vector<16xf32>, vector<16xf32>, vector<16xf32>, vector<16xf32>, vector<16xf32>
        }
        %add3A_399 = arith.addf %while3A_398#0, %while3A_398#1 : vector<16xf32>
        %add3A_400 = arith.addf %while3A_398#2, %while3A_398#3 : vector<16xf32>
        %add3A_401 = arith.addf %while3A_398#4, %while3A_398#5 : vector<16xf32>
        %add3A_402 = arith.addf %while3A_398#6, %while3A_398#7 : vector<16xf32>
        %add3A_403 = arith.addf %while3A_398#8, %while3A_398#9 : vector<16xf32>
        %add3A_404 = arith.addf %while3A_398#10, %while3A_398#11 : vector<16xf32>
        %add3A_405 = arith.addf %while3A_398#12, %while3A_398#13 : vector<16xf32>
        %add3A_406 = arith.addf %while3A_398#14, %while3A_398#15 : vector<16xf32>
        %add3A_407 = arith.addf %add3A_399, %add3A_400 : vector<16xf32>
        %add3A_408 = arith.addf %add3A_401, %add3A_402 : vector<16xf32>
        %add3A_409 = arith.addf %add3A_403, %add3A_404 : vector<16xf32>
        %add3A_410 = arith.addf %add3A_405, %add3A_406 : vector<16xf32>
        %add3A_411 = arith.addf %add3A_407, %add3A_408 : vector<16xf32>
        %add3A_412 = arith.addf %add3A_409, %add3A_410 : vector<16xf32>
        %add3A_413 = arith.addf %add3A_411, %add3A_412 : vector<16xf32>
        %add3A_414 = arith.addf %while3A_267, %add3A_413 : vector<16xf32>
        scf.yield %add3A_414 : vector<16xf32>
      }
      %mul3A_259 = arith.constant 16 : i32
      %mul3A_260 = arith.muli %scan3A_180, %mul3A_259 : i32
      %swap3A_261 = arith.index_cast %mul3A_260 : i32 to index
      %swap3A_262 = tpu.vector_load %arg14[%swap3A_261] {strides = array<i32>} : memref<144xf32, #tpu.memory_space<vmem>>, vector<16xf32>,
      %swap3A_263 = vector.shape_cast %swap3A_262 : vector<16xf32> to vector<16xf32>
      %swap3A_264 = vector.shape_cast %while3A_258 : vector<16xf32> to vector<16xf32>
      tpu.vector_store %arg14[%swap3A_261], %swap3A_264 {strides = array<i32>} : memref<144xf32, #tpu.memory_space<vmem>>, vector<16xf32>,
      %scan3A_265 = arith.constant 0 : i32
      scf.yield %scan3A_265 : i32
    }
    %scan3A_179 = arith.constant 8 : i32
    "tpu.region"() ({
      %run_scoped3A = tpu.sem_alloc : memref<!tpu.dma_semaphore, #tpu.memory_space<semaphore_mem>>
      %dma_start3A = arith.constant 0 : i32
      %dma_start3A_180 = tpu.memref_slice %arg5[%add3A, %dma_start3A] : memref<32x144xf32, #tpu.memory_space<hbm>> -> memref<1x144xf32, #tpu.memory_space<hbm>>
      %dma_start3A_181 = tpu.memref_squeeze %dma_start3A_180 : memref<1x144xf32, #tpu.memory_space<hbm>> -> memref<144xf32, #tpu.memory_space<hbm>>
      %dma_start3A_182 = arith.constant 0 : i32
      %dma_start3A_183 = tpu.memref_slice %arg5[%add3A, %dma_start3A_182] : memref<32x144xf32, #tpu.memory_space<hbm>> -> memref<1x144xf32, #tpu.memory_space<hbm>>
      %dma_start3A_184 = tpu.memref_squeeze %dma_start3A_183 : memref<1x144xf32, #tpu.memory_space<hbm>> -> memref<144xf32, #tpu.memory_space<hbm>>
      tpu.enqueue_dma source(%arg14 : memref<144xf32, #tpu.memory_space<vmem>>) target(%dma_start3A_184 : memref<144xf32, #tpu.memory_space<hbm>>) target_semaphore(%run_scoped3A : memref<!tpu.dma_semaphore, #tpu.memory_space<semaphore_mem>>)
      %dma_wait3A = arith.constant 0 : i32
      %dma_wait3A_185 = tpu.memref_slice %arg5[%add3A, %dma_wait3A] : memref<32x144xf32, #tpu.memory_space<hbm>> -> memref<1x144xf32, #tpu.memory_space<hbm>>
      %dma_wait3A_186 = tpu.memref_squeeze %dma_wait3A_185 : memref<1x144xf32, #tpu.memory_space<hbm>> -> memref<144xf32, #tpu.memory_space<hbm>>
      %dma_wait3A_187 = arith.constant 0 : i32
      %dma_wait3A_188 = tpu.memref_slice %arg5[%add3A, %dma_wait3A_187] : memref<32x144xf32, #tpu.memory_space<hbm>> -> memref<1x144xf32, #tpu.memory_space<hbm>>
      %dma_wait3A_189 = tpu.memref_squeeze %dma_wait3A_188 : memref<1x144xf32, #tpu.memory_space<hbm>> -> memref<144xf32, #tpu.memory_space<hbm>>
      tpu.wait_dma2 semaphore(%run_scoped3A : memref<!tpu.dma_semaphore, #tpu.memory_space<semaphore_mem>>) src(%arg14 : memref<144xf32, #tpu.memory_space<vmem>>) dst(%dma_wait3A_189 : memref<144xf32, #tpu.memory_space<hbm>>)
      tpu.yield
    }) : () -> ()
    return
  }
}

module attributes {stable_mosaic.version = 14 : i64} {
  func.func @_combine_body(%arg0: memref<32x144xf32, #tpu.memory_space<vmem>>, %arg1: memref<80x128xi32, #tpu.memory_space<vmem>>, %arg2: memref<80x128xf32, #tpu.memory_space<vmem>>, %arg3: memref<80x128xf32, #tpu.memory_space<vmem>>, %arg4: memref<8x128xf32, #tpu.memory_space<vmem>>) attributes {dimension_semantics = [], scalar_prefetch = 0 : i64, scratch_operands = 0 : i64, tpu.core_type = #tpu.core_type<tc>} {
    %get3A = arith.constant 0 : index
    %get3A_0 = arith.constant 0 : index
    %get3A_1 = vector.load %arg0[%get3A, %get3A_0] : memref<32x144xf32, #tpu.memory_space<vmem>>, vector<32x144xf32>
    %get3A_2 = arith.constant 0 : index
    %get3A_3 = arith.constant 0 : index
    %get3A_4 = vector.load %arg1[%get3A_2, %get3A_3] : memref<80x128xi32, #tpu.memory_space<vmem>>, vector<80x128xi32>
    %get3A_5 = arith.constant 0 : index
    %get3A_6 = arith.constant 0 : index
    %get3A_7 = vector.load %arg2[%get3A_5, %get3A_6] : memref<80x128xf32, #tpu.memory_space<vmem>>, vector<80x128xf32>
    %get3A_8 = arith.constant 0 : index
    %get3A_9 = arith.constant 0 : index
    %get3A_10 = vector.load %arg3[%get3A_8, %get3A_9] : memref<80x128xf32, #tpu.memory_space<vmem>>, vector<80x128xf32>
    %sub3A = arith.subf %get3A_7, %get3A_10 : vector<80x128xf32>
    %mul3A = arith.mulf %sub3A, %sub3A : vector<80x128xf32>
    %reduce_sum3A = vector.shape_cast %mul3A : vector<80x128xf32> to vector<1x80x128xf32>
    %reduce_sum3A_11 = arith.constant dense<0.000000e+00> : vector<1xf32>
    %reduce_sum3A_12 = vector.multi_reduction <add>, %reduce_sum3A, %reduce_sum3A_11 [1, 2] : vector<1x80x128xf32> to vector<1xf32>
    %reduce_sum3A_13 = vector.shape_cast %reduce_sum3A_12 : vector<1xf32> to vector<1x1x1xf32>
    %reduce_sum3A_14 = vector.extract %reduce_sum3A_13[0, 0, 0] : f32 from vector<1x1x1xf32>
    %abs3A = math.absf %sub3A : vector<80x128xf32>
    %reduce_sum3A_15 = vector.shape_cast %abs3A : vector<80x128xf32> to vector<1x80x128xf32>
    %reduce_sum3A_16 = arith.constant dense<0.000000e+00> : vector<1xf32>
    %reduce_sum3A_17 = vector.multi_reduction <add>, %reduce_sum3A_15, %reduce_sum3A_16 [1, 2] : vector<1x80x128xf32> to vector<1xf32>
    %reduce_sum3A_18 = vector.shape_cast %reduce_sum3A_17 : vector<1xf32> to vector<1x1x1xf32>
    %reduce_sum3A_19 = vector.extract %reduce_sum3A_18[0, 0, 0] : f32 from vector<1x1x1xf32>
    %slice3A = vector.extract_strided_slice %get3A_1 {offsets = [0, 0], sizes = [32, 16], strides = [1, 1]} : vector<32x144xf32> to vector<32x16xf32>
    %reduce_sum3A_20 = vector.shape_cast %slice3A : vector<32x16xf32> to vector<1x32x16xf32>
    %reduce_sum3A_21 = arith.constant dense<0.000000e+00> : vector<1xf32>
    %reduce_sum3A_22 = vector.multi_reduction <add>, %reduce_sum3A_20, %reduce_sum3A_21 [1, 2] : vector<1x32x16xf32> to vector<1xf32>
    %reduce_sum3A_23 = vector.shape_cast %reduce_sum3A_22 : vector<1xf32> to vector<1x1x1xf32>
    %reduce_sum3A_24 = vector.extract %reduce_sum3A_23[0, 0, 0] : f32 from vector<1x1x1xf32>
    %slice3A_25 = vector.extract_strided_slice %get3A_1 {offsets = [0, 128], sizes = [32, 1], strides = [1, 1]} : vector<32x144xf32> to vector<32x1xf32>
    %reduce_sum3A_26 = vector.shape_cast %slice3A_25 : vector<32x1xf32> to vector<1x32x1xf32>
    %reduce_sum3A_27 = arith.constant dense<0.000000e+00> : vector<1xf32>
    %reduce_sum3A_28 = vector.multi_reduction <add>, %reduce_sum3A_26, %reduce_sum3A_27 [1, 2] : vector<1x32x1xf32> to vector<1xf32>
    %reduce_sum3A_29 = vector.shape_cast %reduce_sum3A_28 : vector<1xf32> to vector<1x1x1xf32>
    %reduce_sum3A_30 = vector.extract %reduce_sum3A_29[0, 0, 0] : f32 from vector<1x1x1xf32>
    %eq3A = arith.constant 0 : i32
    %eq3A_31 = vector.broadcast %eq3A : i32 to vector<80x128xi32>
    %eq3A_32 = arith.cmpi eq, %get3A_4, %eq3A_31 : vector<80x128xi32>
    %convert_element_type3A = arith.extui %eq3A_32 : vector<80x128xi1> to vector<80x128xi32>
    %convert_element_type3A_33 = arith.sitofp %convert_element_type3A : vector<80x128xi32> to vector<80x128xf32>
    %reduce_sum3A_34 = vector.shape_cast %convert_element_type3A_33 : vector<80x128xf32> to vector<1x80x128xf32>
    %reduce_sum3A_35 = arith.constant dense<0.000000e+00> : vector<1xf32>
    %reduce_sum3A_36 = vector.multi_reduction <add>, %reduce_sum3A_34, %reduce_sum3A_35 [1, 2] : vector<1x80x128xf32> to vector<1xf32>
    %reduce_sum3A_37 = vector.shape_cast %reduce_sum3A_36 : vector<1xf32> to vector<1x1x1xf32>
    %reduce_sum3A_38 = vector.extract %reduce_sum3A_37[0, 0, 0] : f32 from vector<1x1x1xf32>
    %sub3A_39 = arith.subf %reduce_sum3A_38, %reduce_sum3A_30 : f32
    %mul3A_40 = arith.mulf %reduce_sum3A_30, %sub3A_39 : f32
    %gt3A = arith.constant 0.000000e+00 : f32
    %gt3A_41 = arith.cmpf ogt, %mul3A_40, %gt3A : f32
    %max3A = arith.constant 1.000000e+00 : f32
    %max3A_42 = arith.maximumf %mul3A_40, %max3A : f32
    %div3A = arith.divf %reduce_sum3A_24, %max3A_42 : f32
    %jit3A = arith.constant 0.000000e+00 : f32
    %select_n3A = arith.select %gt3A_41, %div3A, %jit3A : f32
    %add3A = arith.constant 0.000000e+00 : f32
    %add3A_43 = arith.addf %add3A, %select_n3A : f32
    %gt3A_44 = arith.constant 0.000000e+00 : f32
    %gt3A_45 = arith.cmpf ogt, %mul3A_40, %gt3A_44 : f32
    %jit3A_46 = arith.constant 1.000000e+00 : f32
    %jit3A_47 = arith.constant 0.000000e+00 : f32
    %select_n3A_48 = arith.select %gt3A_45, %jit3A_46, %jit3A_47 : f32
    %add3A_49 = arith.constant 0.000000e+00 : f32
    %add3A_50 = arith.addf %add3A_49, %select_n3A_48 : f32
    %slice3A_51 = vector.extract_strided_slice %get3A_1 {offsets = [0, 16], sizes = [32, 16], strides = [1, 1]} : vector<32x144xf32> to vector<32x16xf32>
    %reduce_sum3A_52 = vector.shape_cast %slice3A_51 : vector<32x16xf32> to vector<1x32x16xf32>
    %reduce_sum3A_53 = arith.constant dense<0.000000e+00> : vector<1xf32>
    %reduce_sum3A_54 = vector.multi_reduction <add>, %reduce_sum3A_52, %reduce_sum3A_53 [1, 2] : vector<1x32x16xf32> to vector<1xf32>
    %reduce_sum3A_55 = vector.shape_cast %reduce_sum3A_54 : vector<1xf32> to vector<1x1x1xf32>
    %reduce_sum3A_56 = vector.extract %reduce_sum3A_55[0, 0, 0] : f32 from vector<1x1x1xf32>
    %slice3A_57 = vector.extract_strided_slice %get3A_1 {offsets = [0, 129], sizes = [32, 1], strides = [1, 1]} : vector<32x144xf32> to vector<32x1xf32>
    %reduce_sum3A_58 = vector.shape_cast %slice3A_57 : vector<32x1xf32> to vector<1x32x1xf32>
    %reduce_sum3A_59 = arith.constant dense<0.000000e+00> : vector<1xf32>
    %reduce_sum3A_60 = vector.multi_reduction <add>, %reduce_sum3A_58, %reduce_sum3A_59 [1, 2] : vector<1x32x1xf32> to vector<1xf32>
    %reduce_sum3A_61 = vector.shape_cast %reduce_sum3A_60 : vector<1xf32> to vector<1x1x1xf32>
    %reduce_sum3A_62 = vector.extract %reduce_sum3A_61[0, 0, 0] : f32 from vector<1x1x1xf32>
    %eq3A_63 = arith.constant 1 : i32
    %eq3A_64 = vector.broadcast %eq3A_63 : i32 to vector<80x128xi32>
    %eq3A_65 = arith.cmpi eq, %get3A_4, %eq3A_64 : vector<80x128xi32>
    %convert_element_type3A_66 = arith.extui %eq3A_65 : vector<80x128xi1> to vector<80x128xi32>
    %convert_element_type3A_67 = arith.sitofp %convert_element_type3A_66 : vector<80x128xi32> to vector<80x128xf32>
    %reduce_sum3A_68 = vector.shape_cast %convert_element_type3A_67 : vector<80x128xf32> to vector<1x80x128xf32>
    %reduce_sum3A_69 = arith.constant dense<0.000000e+00> : vector<1xf32>
    %reduce_sum3A_70 = vector.multi_reduction <add>, %reduce_sum3A_68, %reduce_sum3A_69 [1, 2] : vector<1x80x128xf32> to vector<1xf32>
    %reduce_sum3A_71 = vector.shape_cast %reduce_sum3A_70 : vector<1xf32> to vector<1x1x1xf32>
    %reduce_sum3A_72 = vector.extract %reduce_sum3A_71[0, 0, 0] : f32 from vector<1x1x1xf32>
    %sub3A_73 = arith.subf %reduce_sum3A_72, %reduce_sum3A_62 : f32
    %mul3A_74 = arith.mulf %reduce_sum3A_62, %sub3A_73 : f32
    %gt3A_75 = arith.constant 0.000000e+00 : f32
    %gt3A_76 = arith.cmpf ogt, %mul3A_74, %gt3A_75 : f32
    %max3A_77 = arith.constant 1.000000e+00 : f32
    %max3A_78 = arith.maximumf %mul3A_74, %max3A_77 : f32
    %div3A_79 = arith.divf %reduce_sum3A_56, %max3A_78 : f32
    %jit3A_80 = arith.constant 0.000000e+00 : f32
    %select_n3A_81 = arith.select %gt3A_76, %div3A_79, %jit3A_80 : f32
    %add3A_82 = arith.addf %add3A_43, %select_n3A_81 : f32
    %gt3A_83 = arith.constant 0.000000e+00 : f32
    %gt3A_84 = arith.cmpf ogt, %mul3A_74, %gt3A_83 : f32
    %jit3A_85 = arith.constant 1.000000e+00 : f32
    %jit3A_86 = arith.constant 0.000000e+00 : f32
    %select_n3A_87 = arith.select %gt3A_84, %jit3A_85, %jit3A_86 : f32
    %add3A_88 = arith.addf %add3A_50, %select_n3A_87 : f32
    %slice3A_89 = vector.extract_strided_slice %get3A_1 {offsets = [0, 32], sizes = [32, 16], strides = [1, 1]} : vector<32x144xf32> to vector<32x16xf32>
    %reduce_sum3A_90 = vector.shape_cast %slice3A_89 : vector<32x16xf32> to vector<1x32x16xf32>
    %reduce_sum3A_91 = arith.constant dense<0.000000e+00> : vector<1xf32>
    %reduce_sum3A_92 = vector.multi_reduction <add>, %reduce_sum3A_90, %reduce_sum3A_91 [1, 2] : vector<1x32x16xf32> to vector<1xf32>
    %reduce_sum3A_93 = vector.shape_cast %reduce_sum3A_92 : vector<1xf32> to vector<1x1x1xf32>
    %reduce_sum3A_94 = vector.extract %reduce_sum3A_93[0, 0, 0] : f32 from vector<1x1x1xf32>
    %slice3A_95 = vector.extract_strided_slice %get3A_1 {offsets = [0, 130], sizes = [32, 1], strides = [1, 1]} : vector<32x144xf32> to vector<32x1xf32>
    %reduce_sum3A_96 = vector.shape_cast %slice3A_95 : vector<32x1xf32> to vector<1x32x1xf32>
    %reduce_sum3A_97 = arith.constant dense<0.000000e+00> : vector<1xf32>
    %reduce_sum3A_98 = vector.multi_reduction <add>, %reduce_sum3A_96, %reduce_sum3A_97 [1, 2] : vector<1x32x1xf32> to vector<1xf32>
    %reduce_sum3A_99 = vector.shape_cast %reduce_sum3A_98 : vector<1xf32> to vector<1x1x1xf32>
    %reduce_sum3A_100 = vector.extract %reduce_sum3A_99[0, 0, 0] : f32 from vector<1x1x1xf32>
    %eq3A_101 = arith.constant 2 : i32
    %eq3A_102 = vector.broadcast %eq3A_101 : i32 to vector<80x128xi32>
    %eq3A_103 = arith.cmpi eq, %get3A_4, %eq3A_102 : vector<80x128xi32>
    %convert_element_type3A_104 = arith.extui %eq3A_103 : vector<80x128xi1> to vector<80x128xi32>
    %convert_element_type3A_105 = arith.sitofp %convert_element_type3A_104 : vector<80x128xi32> to vector<80x128xf32>
    %reduce_sum3A_106 = vector.shape_cast %convert_element_type3A_105 : vector<80x128xf32> to vector<1x80x128xf32>
    %reduce_sum3A_107 = arith.constant dense<0.000000e+00> : vector<1xf32>
    %reduce_sum3A_108 = vector.multi_reduction <add>, %reduce_sum3A_106, %reduce_sum3A_107 [1, 2] : vector<1x80x128xf32> to vector<1xf32>
    %reduce_sum3A_109 = vector.shape_cast %reduce_sum3A_108 : vector<1xf32> to vector<1x1x1xf32>
    %reduce_sum3A_110 = vector.extract %reduce_sum3A_109[0, 0, 0] : f32 from vector<1x1x1xf32>
    %sub3A_111 = arith.subf %reduce_sum3A_110, %reduce_sum3A_100 : f32
    %mul3A_112 = arith.mulf %reduce_sum3A_100, %sub3A_111 : f32
    %gt3A_113 = arith.constant 0.000000e+00 : f32
    %gt3A_114 = arith.cmpf ogt, %mul3A_112, %gt3A_113 : f32
    %max3A_115 = arith.constant 1.000000e+00 : f32
    %max3A_116 = arith.maximumf %mul3A_112, %max3A_115 : f32
    %div3A_117 = arith.divf %reduce_sum3A_94, %max3A_116 : f32
    %jit3A_118 = arith.constant 0.000000e+00 : f32
    %select_n3A_119 = arith.select %gt3A_114, %div3A_117, %jit3A_118 : f32
    %add3A_120 = arith.addf %add3A_82, %select_n3A_119 : f32
    %gt3A_121 = arith.constant 0.000000e+00 : f32
    %gt3A_122 = arith.cmpf ogt, %mul3A_112, %gt3A_121 : f32
    %jit3A_123 = arith.constant 1.000000e+00 : f32
    %jit3A_124 = arith.constant 0.000000e+00 : f32
    %select_n3A_125 = arith.select %gt3A_122, %jit3A_123, %jit3A_124 : f32
    %add3A_126 = arith.addf %add3A_88, %select_n3A_125 : f32
    %slice3A_127 = vector.extract_strided_slice %get3A_1 {offsets = [0, 48], sizes = [32, 16], strides = [1, 1]} : vector<32x144xf32> to vector<32x16xf32>
    %reduce_sum3A_128 = vector.shape_cast %slice3A_127 : vector<32x16xf32> to vector<1x32x16xf32>
    %reduce_sum3A_129 = arith.constant dense<0.000000e+00> : vector<1xf32>
    %reduce_sum3A_130 = vector.multi_reduction <add>, %reduce_sum3A_128, %reduce_sum3A_129 [1, 2] : vector<1x32x16xf32> to vector<1xf32>
    %reduce_sum3A_131 = vector.shape_cast %reduce_sum3A_130 : vector<1xf32> to vector<1x1x1xf32>
    %reduce_sum3A_132 = vector.extract %reduce_sum3A_131[0, 0, 0] : f32 from vector<1x1x1xf32>
    %slice3A_133 = vector.extract_strided_slice %get3A_1 {offsets = [0, 131], sizes = [32, 1], strides = [1, 1]} : vector<32x144xf32> to vector<32x1xf32>
    %reduce_sum3A_134 = vector.shape_cast %slice3A_133 : vector<32x1xf32> to vector<1x32x1xf32>
    %reduce_sum3A_135 = arith.constant dense<0.000000e+00> : vector<1xf32>
    %reduce_sum3A_136 = vector.multi_reduction <add>, %reduce_sum3A_134, %reduce_sum3A_135 [1, 2] : vector<1x32x1xf32> to vector<1xf32>
    %reduce_sum3A_137 = vector.shape_cast %reduce_sum3A_136 : vector<1xf32> to vector<1x1x1xf32>
    %reduce_sum3A_138 = vector.extract %reduce_sum3A_137[0, 0, 0] : f32 from vector<1x1x1xf32>
    %eq3A_139 = arith.constant 3 : i32
    %eq3A_140 = vector.broadcast %eq3A_139 : i32 to vector<80x128xi32>
    %eq3A_141 = arith.cmpi eq, %get3A_4, %eq3A_140 : vector<80x128xi32>
    %convert_element_type3A_142 = arith.extui %eq3A_141 : vector<80x128xi1> to vector<80x128xi32>
    %convert_element_type3A_143 = arith.sitofp %convert_element_type3A_142 : vector<80x128xi32> to vector<80x128xf32>
    %reduce_sum3A_144 = vector.shape_cast %convert_element_type3A_143 : vector<80x128xf32> to vector<1x80x128xf32>
    %reduce_sum3A_145 = arith.constant dense<0.000000e+00> : vector<1xf32>
    %reduce_sum3A_146 = vector.multi_reduction <add>, %reduce_sum3A_144, %reduce_sum3A_145 [1, 2] : vector<1x80x128xf32> to vector<1xf32>
    %reduce_sum3A_147 = vector.shape_cast %reduce_sum3A_146 : vector<1xf32> to vector<1x1x1xf32>
    %reduce_sum3A_148 = vector.extract %reduce_sum3A_147[0, 0, 0] : f32 from vector<1x1x1xf32>
    %sub3A_149 = arith.subf %reduce_sum3A_148, %reduce_sum3A_138 : f32
    %mul3A_150 = arith.mulf %reduce_sum3A_138, %sub3A_149 : f32
    %gt3A_151 = arith.constant 0.000000e+00 : f32
    %gt3A_152 = arith.cmpf ogt, %mul3A_150, %gt3A_151 : f32
    %max3A_153 = arith.constant 1.000000e+00 : f32
    %max3A_154 = arith.maximumf %mul3A_150, %max3A_153 : f32
    %div3A_155 = arith.divf %reduce_sum3A_132, %max3A_154 : f32
    %jit3A_156 = arith.constant 0.000000e+00 : f32
    %select_n3A_157 = arith.select %gt3A_152, %div3A_155, %jit3A_156 : f32
    %add3A_158 = arith.addf %add3A_120, %select_n3A_157 : f32
    %gt3A_159 = arith.constant 0.000000e+00 : f32
    %gt3A_160 = arith.cmpf ogt, %mul3A_150, %gt3A_159 : f32
    %jit3A_161 = arith.constant 1.000000e+00 : f32
    %jit3A_162 = arith.constant 0.000000e+00 : f32
    %select_n3A_163 = arith.select %gt3A_160, %jit3A_161, %jit3A_162 : f32
    %add3A_164 = arith.addf %add3A_126, %select_n3A_163 : f32
    %slice3A_165 = vector.extract_strided_slice %get3A_1 {offsets = [0, 64], sizes = [32, 16], strides = [1, 1]} : vector<32x144xf32> to vector<32x16xf32>
    %reduce_sum3A_166 = vector.shape_cast %slice3A_165 : vector<32x16xf32> to vector<1x32x16xf32>
    %reduce_sum3A_167 = arith.constant dense<0.000000e+00> : vector<1xf32>
    %reduce_sum3A_168 = vector.multi_reduction <add>, %reduce_sum3A_166, %reduce_sum3A_167 [1, 2] : vector<1x32x16xf32> to vector<1xf32>
    %reduce_sum3A_169 = vector.shape_cast %reduce_sum3A_168 : vector<1xf32> to vector<1x1x1xf32>
    %reduce_sum3A_170 = vector.extract %reduce_sum3A_169[0, 0, 0] : f32 from vector<1x1x1xf32>
    %slice3A_171 = vector.extract_strided_slice %get3A_1 {offsets = [0, 132], sizes = [32, 1], strides = [1, 1]} : vector<32x144xf32> to vector<32x1xf32>
    %reduce_sum3A_172 = vector.shape_cast %slice3A_171 : vector<32x1xf32> to vector<1x32x1xf32>
    %reduce_sum3A_173 = arith.constant dense<0.000000e+00> : vector<1xf32>
    %reduce_sum3A_174 = vector.multi_reduction <add>, %reduce_sum3A_172, %reduce_sum3A_173 [1, 2] : vector<1x32x1xf32> to vector<1xf32>
    %reduce_sum3A_175 = vector.shape_cast %reduce_sum3A_174 : vector<1xf32> to vector<1x1x1xf32>
    %reduce_sum3A_176 = vector.extract %reduce_sum3A_175[0, 0, 0] : f32 from vector<1x1x1xf32>
    %eq3A_177 = arith.constant 4 : i32
    %eq3A_178 = vector.broadcast %eq3A_177 : i32 to vector<80x128xi32>
    %eq3A_179 = arith.cmpi eq, %get3A_4, %eq3A_178 : vector<80x128xi32>
    %convert_element_type3A_180 = arith.extui %eq3A_179 : vector<80x128xi1> to vector<80x128xi32>
    %convert_element_type3A_181 = arith.sitofp %convert_element_type3A_180 : vector<80x128xi32> to vector<80x128xf32>
    %reduce_sum3A_182 = vector.shape_cast %convert_element_type3A_181 : vector<80x128xf32> to vector<1x80x128xf32>
    %reduce_sum3A_183 = arith.constant dense<0.000000e+00> : vector<1xf32>
    %reduce_sum3A_184 = vector.multi_reduction <add>, %reduce_sum3A_182, %reduce_sum3A_183 [1, 2] : vector<1x80x128xf32> to vector<1xf32>
    %reduce_sum3A_185 = vector.shape_cast %reduce_sum3A_184 : vector<1xf32> to vector<1x1x1xf32>
    %reduce_sum3A_186 = vector.extract %reduce_sum3A_185[0, 0, 0] : f32 from vector<1x1x1xf32>
    %sub3A_187 = arith.subf %reduce_sum3A_186, %reduce_sum3A_176 : f32
    %mul3A_188 = arith.mulf %reduce_sum3A_176, %sub3A_187 : f32
    %gt3A_189 = arith.constant 0.000000e+00 : f32
    %gt3A_190 = arith.cmpf ogt, %mul3A_188, %gt3A_189 : f32
    %max3A_191 = arith.constant 1.000000e+00 : f32
    %max3A_192 = arith.maximumf %mul3A_188, %max3A_191 : f32
    %div3A_193 = arith.divf %reduce_sum3A_170, %max3A_192 : f32
    %jit3A_194 = arith.constant 0.000000e+00 : f32
    %select_n3A_195 = arith.select %gt3A_190, %div3A_193, %jit3A_194 : f32
    %add3A_196 = arith.addf %add3A_158, %select_n3A_195 : f32
    %gt3A_197 = arith.constant 0.000000e+00 : f32
    %gt3A_198 = arith.cmpf ogt, %mul3A_188, %gt3A_197 : f32
    %jit3A_199 = arith.constant 1.000000e+00 : f32
    %jit3A_200 = arith.constant 0.000000e+00 : f32
    %select_n3A_201 = arith.select %gt3A_198, %jit3A_199, %jit3A_200 : f32
    %add3A_202 = arith.addf %add3A_164, %select_n3A_201 : f32
    %slice3A_203 = vector.extract_strided_slice %get3A_1 {offsets = [0, 80], sizes = [32, 16], strides = [1, 1]} : vector<32x144xf32> to vector<32x16xf32>
    %reduce_sum3A_204 = vector.shape_cast %slice3A_203 : vector<32x16xf32> to vector<1x32x16xf32>
    %reduce_sum3A_205 = arith.constant dense<0.000000e+00> : vector<1xf32>
    %reduce_sum3A_206 = vector.multi_reduction <add>, %reduce_sum3A_204, %reduce_sum3A_205 [1, 2] : vector<1x32x16xf32> to vector<1xf32>
    %reduce_sum3A_207 = vector.shape_cast %reduce_sum3A_206 : vector<1xf32> to vector<1x1x1xf32>
    %reduce_sum3A_208 = vector.extract %reduce_sum3A_207[0, 0, 0] : f32 from vector<1x1x1xf32>
    %slice3A_209 = vector.extract_strided_slice %get3A_1 {offsets = [0, 133], sizes = [32, 1], strides = [1, 1]} : vector<32x144xf32> to vector<32x1xf32>
    %reduce_sum3A_210 = vector.shape_cast %slice3A_209 : vector<32x1xf32> to vector<1x32x1xf32>
    %reduce_sum3A_211 = arith.constant dense<0.000000e+00> : vector<1xf32>
    %reduce_sum3A_212 = vector.multi_reduction <add>, %reduce_sum3A_210, %reduce_sum3A_211 [1, 2] : vector<1x32x1xf32> to vector<1xf32>
    %reduce_sum3A_213 = vector.shape_cast %reduce_sum3A_212 : vector<1xf32> to vector<1x1x1xf32>
    %reduce_sum3A_214 = vector.extract %reduce_sum3A_213[0, 0, 0] : f32 from vector<1x1x1xf32>
    %eq3A_215 = arith.constant 5 : i32
    %eq3A_216 = vector.broadcast %eq3A_215 : i32 to vector<80x128xi32>
    %eq3A_217 = arith.cmpi eq, %get3A_4, %eq3A_216 : vector<80x128xi32>
    %convert_element_type3A_218 = arith.extui %eq3A_217 : vector<80x128xi1> to vector<80x128xi32>
    %convert_element_type3A_219 = arith.sitofp %convert_element_type3A_218 : vector<80x128xi32> to vector<80x128xf32>
    %reduce_sum3A_220 = vector.shape_cast %convert_element_type3A_219 : vector<80x128xf32> to vector<1x80x128xf32>
    %reduce_sum3A_221 = arith.constant dense<0.000000e+00> : vector<1xf32>
    %reduce_sum3A_222 = vector.multi_reduction <add>, %reduce_sum3A_220, %reduce_sum3A_221 [1, 2] : vector<1x80x128xf32> to vector<1xf32>
    %reduce_sum3A_223 = vector.shape_cast %reduce_sum3A_222 : vector<1xf32> to vector<1x1x1xf32>
    %reduce_sum3A_224 = vector.extract %reduce_sum3A_223[0, 0, 0] : f32 from vector<1x1x1xf32>
    %sub3A_225 = arith.subf %reduce_sum3A_224, %reduce_sum3A_214 : f32
    %mul3A_226 = arith.mulf %reduce_sum3A_214, %sub3A_225 : f32
    %gt3A_227 = arith.constant 0.000000e+00 : f32
    %gt3A_228 = arith.cmpf ogt, %mul3A_226, %gt3A_227 : f32
    %max3A_229 = arith.constant 1.000000e+00 : f32
    %max3A_230 = arith.maximumf %mul3A_226, %max3A_229 : f32
    %div3A_231 = arith.divf %reduce_sum3A_208, %max3A_230 : f32
    %jit3A_232 = arith.constant 0.000000e+00 : f32
    %select_n3A_233 = arith.select %gt3A_228, %div3A_231, %jit3A_232 : f32
    %add3A_234 = arith.addf %add3A_196, %select_n3A_233 : f32
    %gt3A_235 = arith.constant 0.000000e+00 : f32
    %gt3A_236 = arith.cmpf ogt, %mul3A_226, %gt3A_235 : f32
    %jit3A_237 = arith.constant 1.000000e+00 : f32
    %jit3A_238 = arith.constant 0.000000e+00 : f32
    %select_n3A_239 = arith.select %gt3A_236, %jit3A_237, %jit3A_238 : f32
    %add3A_240 = arith.addf %add3A_202, %select_n3A_239 : f32
    %slice3A_241 = vector.extract_strided_slice %get3A_1 {offsets = [0, 96], sizes = [32, 16], strides = [1, 1]} : vector<32x144xf32> to vector<32x16xf32>
    %reduce_sum3A_242 = vector.shape_cast %slice3A_241 : vector<32x16xf32> to vector<1x32x16xf32>
    %reduce_sum3A_243 = arith.constant dense<0.000000e+00> : vector<1xf32>
    %reduce_sum3A_244 = vector.multi_reduction <add>, %reduce_sum3A_242, %reduce_sum3A_243 [1, 2] : vector<1x32x16xf32> to vector<1xf32>
    %reduce_sum3A_245 = vector.shape_cast %reduce_sum3A_244 : vector<1xf32> to vector<1x1x1xf32>
    %reduce_sum3A_246 = vector.extract %reduce_sum3A_245[0, 0, 0] : f32 from vector<1x1x1xf32>
    %slice3A_247 = vector.extract_strided_slice %get3A_1 {offsets = [0, 134], sizes = [32, 1], strides = [1, 1]} : vector<32x144xf32> to vector<32x1xf32>
    %reduce_sum3A_248 = vector.shape_cast %slice3A_247 : vector<32x1xf32> to vector<1x32x1xf32>
    %reduce_sum3A_249 = arith.constant dense<0.000000e+00> : vector<1xf32>
    %reduce_sum3A_250 = vector.multi_reduction <add>, %reduce_sum3A_248, %reduce_sum3A_249 [1, 2] : vector<1x32x1xf32> to vector<1xf32>
    %reduce_sum3A_251 = vector.shape_cast %reduce_sum3A_250 : vector<1xf32> to vector<1x1x1xf32>
    %reduce_sum3A_252 = vector.extract %reduce_sum3A_251[0, 0, 0] : f32 from vector<1x1x1xf32>
    %eq3A_253 = arith.constant 6 : i32
    %eq3A_254 = vector.broadcast %eq3A_253 : i32 to vector<80x128xi32>
    %eq3A_255 = arith.cmpi eq, %get3A_4, %eq3A_254 : vector<80x128xi32>
    %convert_element_type3A_256 = arith.extui %eq3A_255 : vector<80x128xi1> to vector<80x128xi32>
    %convert_element_type3A_257 = arith.sitofp %convert_element_type3A_256 : vector<80x128xi32> to vector<80x128xf32>
    %reduce_sum3A_258 = vector.shape_cast %convert_element_type3A_257 : vector<80x128xf32> to vector<1x80x128xf32>
    %reduce_sum3A_259 = arith.constant dense<0.000000e+00> : vector<1xf32>
    %reduce_sum3A_260 = vector.multi_reduction <add>, %reduce_sum3A_258, %reduce_sum3A_259 [1, 2] : vector<1x80x128xf32> to vector<1xf32>
    %reduce_sum3A_261 = vector.shape_cast %reduce_sum3A_260 : vector<1xf32> to vector<1x1x1xf32>
    %reduce_sum3A_262 = vector.extract %reduce_sum3A_261[0, 0, 0] : f32 from vector<1x1x1xf32>
    %sub3A_263 = arith.subf %reduce_sum3A_262, %reduce_sum3A_252 : f32
    %mul3A_264 = arith.mulf %reduce_sum3A_252, %sub3A_263 : f32
    %gt3A_265 = arith.constant 0.000000e+00 : f32
    %gt3A_266 = arith.cmpf ogt, %mul3A_264, %gt3A_265 : f32
    %max3A_267 = arith.constant 1.000000e+00 : f32
    %max3A_268 = arith.maximumf %mul3A_264, %max3A_267 : f32
    %div3A_269 = arith.divf %reduce_sum3A_246, %max3A_268 : f32
    %jit3A_270 = arith.constant 0.000000e+00 : f32
    %select_n3A_271 = arith.select %gt3A_266, %div3A_269, %jit3A_270 : f32
    %add3A_272 = arith.addf %add3A_234, %select_n3A_271 : f32
    %gt3A_273 = arith.constant 0.000000e+00 : f32
    %gt3A_274 = arith.cmpf ogt, %mul3A_264, %gt3A_273 : f32
    %jit3A_275 = arith.constant 1.000000e+00 : f32
    %jit3A_276 = arith.constant 0.000000e+00 : f32
    %select_n3A_277 = arith.select %gt3A_274, %jit3A_275, %jit3A_276 : f32
    %add3A_278 = arith.addf %add3A_240, %select_n3A_277 : f32
    %slice3A_279 = vector.extract_strided_slice %get3A_1 {offsets = [0, 112], sizes = [32, 16], strides = [1, 1]} : vector<32x144xf32> to vector<32x16xf32>
    %reduce_sum3A_280 = vector.shape_cast %slice3A_279 : vector<32x16xf32> to vector<1x32x16xf32>
    %reduce_sum3A_281 = arith.constant dense<0.000000e+00> : vector<1xf32>
    %reduce_sum3A_282 = vector.multi_reduction <add>, %reduce_sum3A_280, %reduce_sum3A_281 [1, 2] : vector<1x32x16xf32> to vector<1xf32>
    %reduce_sum3A_283 = vector.shape_cast %reduce_sum3A_282 : vector<1xf32> to vector<1x1x1xf32>
    %reduce_sum3A_284 = vector.extract %reduce_sum3A_283[0, 0, 0] : f32 from vector<1x1x1xf32>
    %slice3A_285 = vector.extract_strided_slice %get3A_1 {offsets = [0, 135], sizes = [32, 1], strides = [1, 1]} : vector<32x144xf32> to vector<32x1xf32>
    %reduce_sum3A_286 = vector.shape_cast %slice3A_285 : vector<32x1xf32> to vector<1x32x1xf32>
    %reduce_sum3A_287 = arith.constant dense<0.000000e+00> : vector<1xf32>
    %reduce_sum3A_288 = vector.multi_reduction <add>, %reduce_sum3A_286, %reduce_sum3A_287 [1, 2] : vector<1x32x1xf32> to vector<1xf32>
    %reduce_sum3A_289 = vector.shape_cast %reduce_sum3A_288 : vector<1xf32> to vector<1x1x1xf32>
    %reduce_sum3A_290 = vector.extract %reduce_sum3A_289[0, 0, 0] : f32 from vector<1x1x1xf32>
    %eq3A_291 = arith.constant 7 : i32
    %eq3A_292 = vector.broadcast %eq3A_291 : i32 to vector<80x128xi32>
    %eq3A_293 = arith.cmpi eq, %get3A_4, %eq3A_292 : vector<80x128xi32>
    %convert_element_type3A_294 = arith.extui %eq3A_293 : vector<80x128xi1> to vector<80x128xi32>
    %convert_element_type3A_295 = arith.sitofp %convert_element_type3A_294 : vector<80x128xi32> to vector<80x128xf32>
    %reduce_sum3A_296 = vector.shape_cast %convert_element_type3A_295 : vector<80x128xf32> to vector<1x80x128xf32>
    %reduce_sum3A_297 = arith.constant dense<0.000000e+00> : vector<1xf32>
    %reduce_sum3A_298 = vector.multi_reduction <add>, %reduce_sum3A_296, %reduce_sum3A_297 [1, 2] : vector<1x80x128xf32> to vector<1xf32>
    %reduce_sum3A_299 = vector.shape_cast %reduce_sum3A_298 : vector<1xf32> to vector<1x1x1xf32>
    %reduce_sum3A_300 = vector.extract %reduce_sum3A_299[0, 0, 0] : f32 from vector<1x1x1xf32>
    %sub3A_301 = arith.subf %reduce_sum3A_300, %reduce_sum3A_290 : f32
    %mul3A_302 = arith.mulf %reduce_sum3A_290, %sub3A_301 : f32
    %gt3A_303 = arith.constant 0.000000e+00 : f32
    %gt3A_304 = arith.cmpf ogt, %mul3A_302, %gt3A_303 : f32
    %max3A_305 = arith.constant 1.000000e+00 : f32
    %max3A_306 = arith.maximumf %mul3A_302, %max3A_305 : f32
    %div3A_307 = arith.divf %reduce_sum3A_284, %max3A_306 : f32
    %jit3A_308 = arith.constant 0.000000e+00 : f32
    %select_n3A_309 = arith.select %gt3A_304, %div3A_307, %jit3A_308 : f32
    %add3A_310 = arith.addf %add3A_272, %select_n3A_309 : f32
    %gt3A_311 = arith.constant 0.000000e+00 : f32
    %gt3A_312 = arith.cmpf ogt, %mul3A_302, %gt3A_311 : f32
    %jit3A_313 = arith.constant 1.000000e+00 : f32
    %jit3A_314 = arith.constant 0.000000e+00 : f32
    %select_n3A_315 = arith.select %gt3A_312, %jit3A_313, %jit3A_314 : f32
    %add3A_316 = arith.addf %add3A_278, %select_n3A_315 : f32
    %gt3A_317 = arith.constant 0.000000e+00 : f32
    %gt3A_318 = arith.cmpf ogt, %add3A_316, %gt3A_317 : f32
    %max3A_319 = arith.constant 1.000000e+00 : f32
    %max3A_320 = arith.maximumf %add3A_316, %max3A_319 : f32
    %div3A_321 = arith.divf %add3A_310, %max3A_320 : f32
    %jit3A_322 = arith.constant 0.000000e+00 : f32
    %select_n3A_323 = arith.select %gt3A_318, %div3A_321, %jit3A_322 : f32
    %div3A_324 = arith.constant 1.000000e+04 : f32
    %div3A_325 = arith.divf %reduce_sum3A_14, %div3A_324 : f32
    %div3A_326 = arith.constant 1.000000e+04 : f32
    %div3A_327 = arith.divf %reduce_sum3A_19, %div3A_326 : f32
    %mul3A_328 = arith.constant 5.000000e-01 : f32
    %mul3A_329 = arith.mulf %mul3A_328, %div3A_325 : f32
    %add3A_330 = arith.addf %select_n3A_323, %mul3A_329 : f32
    %mul3A_331 = arith.constant 1.000000e-01 : f32
    %mul3A_332 = arith.mulf %mul3A_331, %div3A_327 : f32
    %add3A_333 = arith.addf %add3A_330, %mul3A_332 : f32
    %iota3A = tpu.iota {dimensions = array<i32: 0>} : vector<8x128xi32>
    %iota3A_334 = tpu.iota {dimensions = array<i32: 1>} : vector<8x128xi32>
    %eq3A_335 = arith.constant 0 : i32
    %eq3A_336 = vector.broadcast %eq3A_335 : i32 to vector<8x128xi32>
    %eq3A_337 = arith.cmpi eq, %iota3A_334, %eq3A_336 : vector<8x128xi32>
    %jit3A_338 = arith.constant 0.000000e+00 : f32
    %broadcast_in_dim3A = vector.broadcast %add3A_333 : f32 to vector<8x128xf32>
    %broadcast_in_dim3A_339 = vector.broadcast %jit3A_338 : f32 to vector<8x128xf32>
    %select_n3A_340 = arith.select %eq3A_337, %broadcast_in_dim3A, %broadcast_in_dim3A_339 : vector<8x128xi1>, vector<8x128xf32>
    %eq3A_341 = arith.constant 1 : i32
    %eq3A_342 = vector.broadcast %eq3A_341 : i32 to vector<8x128xi32>
    %eq3A_343 = arith.cmpi eq, %iota3A_334, %eq3A_342 : vector<8x128xi32>
    %jit3A_344 = arith.constant 0.000000e+00 : f32
    %broadcast_in_dim3A_345 = vector.broadcast %select_n3A_323 : f32 to vector<8x128xf32>
    %broadcast_in_dim3A_346 = vector.broadcast %jit3A_344 : f32 to vector<8x128xf32>
    %select_n3A_347 = arith.select %eq3A_343, %broadcast_in_dim3A_345, %broadcast_in_dim3A_346 : vector<8x128xi1>, vector<8x128xf32>
    %add3A_348 = arith.addf %select_n3A_340, %select_n3A_347 : vector<8x128xf32>
    %eq3A_349 = arith.constant 2 : i32
    %eq3A_350 = vector.broadcast %eq3A_349 : i32 to vector<8x128xi32>
    %eq3A_351 = arith.cmpi eq, %iota3A_334, %eq3A_350 : vector<8x128xi32>
    %jit3A_352 = arith.constant 0.000000e+00 : f32
    %broadcast_in_dim3A_353 = vector.broadcast %div3A_325 : f32 to vector<8x128xf32>
    %broadcast_in_dim3A_354 = vector.broadcast %jit3A_352 : f32 to vector<8x128xf32>
    %select_n3A_355 = arith.select %eq3A_351, %broadcast_in_dim3A_353, %broadcast_in_dim3A_354 : vector<8x128xi1>, vector<8x128xf32>
    %add3A_356 = arith.addf %add3A_348, %select_n3A_355 : vector<8x128xf32>
    %eq3A_357 = arith.constant 3 : i32
    %eq3A_358 = vector.broadcast %eq3A_357 : i32 to vector<8x128xi32>
    %eq3A_359 = arith.cmpi eq, %iota3A_334, %eq3A_358 : vector<8x128xi32>
    %jit3A_360 = arith.constant 0.000000e+00 : f32
    %broadcast_in_dim3A_361 = vector.broadcast %div3A_327 : f32 to vector<8x128xf32>
    %broadcast_in_dim3A_362 = vector.broadcast %jit3A_360 : f32 to vector<8x128xf32>
    %select_n3A_363 = arith.select %eq3A_359, %broadcast_in_dim3A_361, %broadcast_in_dim3A_362 : vector<8x128xi1>, vector<8x128xf32>
    %add3A_364 = arith.addf %add3A_356, %select_n3A_363 : vector<8x128xf32>
    %eq3A_365 = arith.constant 0 : i32
    %eq3A_366 = vector.broadcast %eq3A_365 : i32 to vector<8x128xi32>
    %eq3A_367 = arith.cmpi eq, %iota3A, %eq3A_366 : vector<8x128xi32>
    %jit3A_368 = arith.constant 0.000000e+00 : f32
    %broadcast_in_dim3A_369 = vector.broadcast %jit3A_368 : f32 to vector<8x128xf32>
    %select_n3A_370 = arith.select %eq3A_367, %add3A_364, %broadcast_in_dim3A_369 : vector<8x128xi1>, vector<8x128xf32>
    %swap3A = arith.constant 0 : index
    %swap3A_371 = arith.constant 0 : index
    %swap3A_372 = vector.load %arg4[%swap3A, %swap3A_371] : memref<8x128xf32, #tpu.memory_space<vmem>>, vector<8x128xf32>
    tpu.vector_store %arg4[%swap3A, %swap3A_371], %select_n3A_370 {strides = array<i32>} : memref<8x128xf32, #tpu.memory_space<vmem>>, vector<8x128xf32>,
    return
  }
}

</mosaic_0001>

<sc_bundles>
// kernel: kernel.4.cloned.1.call-start
scs
__scs_entry_jumppad:
0x0: {  	(pc) =	sbr.rel $0x88, $3  }
0x1: {  	(tag) =	ssettag $0x0;
	lr =	simm.s32 $0x1  }
0x2: {  	[smem:$0x3F9D] =	sst lr;
	_ =	strace $0xD0000000  }
0x3: {  	_ = 	snop  }
0x4: {  	_ = 	snop  }
0x5: {  	_ = 	snop  }
0x6: {  	_ = 	snop  }
0x7: {  	_ = 	snop  }
__scs_overlays_trampoline_lowered:
0x8: {  	[smem:$0x3FAC] =	sst s0  }
0x9: {  	[smem:$0x3FAD] =	sst s1  }
0xa: {  	[smem:$0x3FAE] =	sst s2  }
0xb: {  	[smem:$0x3FAF] =	sst s3  }
0xc: {  	[smem:$0x3FB0] =	sst s4  }
0xd: {  	[smem:$0x3FB1] =	sst s5  }
0xe: {  	[smem:$0x3FB2] =	sst s6  }
0xf: {  	[smem:$0x3FB3] =	sst s7  }
0x10: {  	[smem:$0x3FB4] =	sst s8  }
0x11: {  	[smem:$0x3FB5] =	sst s9;
	s0 =	simm.s32 @!p0 $0x0  }
0x12: {  	s1 =	sld [smem:$0x3F9B];
	s0 =	simm.s32 @p0 $0x1  }
0x13: {  	[smem:$0x3FB6] =	sst s0;
	s0 =	simm.s32 @!p1 $0x0  }
0x14: {  	s2 =	sld [smem:$0x3F9A];
	s0 =	simm.s32 @p1 $0x1  }
0x15: {  	[smem:$0x3FB7] =	sst s0;
	s0 =	simm.s32 @!p2 $0x0  }
0x16: {  	s3 =	sld [smem:$0x3FDB];
	s0 =	simm.s32 @p2 $0x1  }
0x17: {  	s4 =	simm.s32 $0x1BF5;
	[smem:$0x3FB9] =	sst s0  }
0x18: {  	s0 =	sld [smem:$0x3F9C];
	_ =	swait.ge [sflag:s4], $0x0  }
0x19: {  	s7 =	sld [smem:$0x3F9D]  }
0x1a: {  	s8 =	sadd.s32 $0xFFFFE003, lr  }
0x1b: {  	s9 =	sadd.s32 $0xFFFFFEF7, lr;
	s5 =	simm.s32 $0xFFFFFFFF;
	p2 =	slt.u32 s8, $0xFFFFF086  }
0x1c: {  	p1 =	slt.u32 s9, $0xF7A;
	s5 =	simm.s32 @!p2 $0x0  }
0x1d: {  	s5 =	simm.s32 @p1 $0x1;
	p0 =	seq.s32 s7, s2  }
0x1e: {  	s7 =	smul.u32 @!p0 $0xF7A, s2;
	p2 =	seq.s32 @!p0 s5, $0x0  }
0x1f: {  	s9 =	smul.u32 $0xF7A, s1;
	s8 =	simm.s32 @!p0 $0x1BF5;
	p2 =	por !p2, p0  }
0x20: {  	[sflag:s8] =	ssyncset.s32 @!p0 $0xFFFFF086;
	s6 =	sadd.s32 @!p0 s3, s7;
	s7 =	simm.s32 @!p0 $0x108  }
0x21: {  	s3 =	sadd.s32 s3, s9;
	s6 =	sadd.s32 @!p0 $0x88, s6;
	s7 =	simm.s32 @p2 $0x1082  }
0x22: {  	[simem:s7], [sflag:s8] =	dma.local @!p0 [hbm:s6], $0xF7A  }
0x23: {  	s9 =	sor.u32 $0xD0000000, s2;
	s6 =	simm.s32 $0x108;
	_ =	swait.ge @!p0 [sflag:s8], $0x0  }
0x24: {  	s3 =	sadd.s32 $0x88, s3;
	s6 =	simm.s32 @!p1 $0x1082;
	[sflag:s4] =	ssyncset.s32 $0xFFFFF086  }
0x25: {  	[simem:s6], [sflag:s4] =	dma.local [hbm:s3], $0xF7A  }
0x26: {  	[smem:$0x3F9D] =	sst s1;
	(tag) =	ssettag s2;
	_ =	strace s9  }
0x27: {  	s1 =	sld [smem:$0x3FAD]  }
0x28: {  	s2 =	sld [smem:$0x3FAE]  }
0x29: {  	s4 =	sld [smem:$0x3FB0]  }
0x2a: {  	p0 =	seq.s32 s5, $0x0;
	s5 =	sld [smem:$0x3FB1]  }
0x2b: {  	s6 =	sld [smem:$0x3FB2]  }
0x2c: {  	s7 =	sld [smem:$0x3FB3]  }
0x2d: {  	s3 =	simm.s32 $0x108;
	s8 =	sld [smem:$0x3FB4]  }
0x2e: {  	s3 =	simm.s32 @!p0 $0x1082;
	s9 =	sld [smem:$0x3FB5]  }
0x2f: {  	lr =	sadd.s32 s0, s3;
	s0 =	sld [smem:$0x3FAC]  }
0x30: {  	s3 =	sld [smem:$0x3FAF]  }
0x31: {  	[smem:$0x3FB8] =	sst s10  }
0x32: {  	s10 =	sld [smem:$0x3FB6];
	_ =	sdelay $0x3  }
0x33: {  	p0 =	seq.s32 s10, $0x1;
	s10 =	sld [smem:$0x3FB8];
	_ =	sdelay $0x3  }
0x34: {  	[smem:$0x3FB8] =	sst s10  }
0x35: {  	s10 =	sld [smem:$0x3FB7];
	_ =	sdelay $0x3  }
0x36: {  	p1 =	seq.s32 s10, $0x1;
	s10 =	sld [smem:$0x3FB8];
	_ =	sdelay $0x3  }
0x37: {  	[smem:$0x3FB8] =	sst s10  }
0x38: {  	s10 =	sld [smem:$0x3FB9]  }
0x39: {  	_ = 	snop;
	(pc) =	sbr.ind lr, $3  }
0x3a: {  	_ = 	snop  }
0x3b: {  	_ = 	snop  }
0x3c: {  	p2 =	seq.s32 s10, $0x1;
	s10 =	sld [smem:$0x3FB8]  }
0x3d: {  	_ =	shalt  }
0x3e: {  	_ =	shalt  }
0x3f: {  	_ =	shalt  }
0x40: {  	_ =	shalt  }
0x41: {  	_ =	shalt  }
0x42: {  	_ =	shalt  }
0x43: {  	_ =	shalt  }
0x44: {  	_ =	shalt  }
0x45: {  	_ =	shalt  }
0x46: {  	_ =	shalt  }
0x47: {  	_ =	shalt  }
0x48: {  	_ =	shalt  }
0x49: {  	_ =	shalt  }
0x4a: {  	_ =	shalt  }
0x4b: {  	_ =	shalt  }
0x4c: {  	_ =	shalt  }
0x4d: {  	_ =	shalt  }
0x4e: {  	_ =	shalt  }
0x4f: {  	_ =	shalt  }
0x50: {  	_ =	shalt  }
0x51: {  	_ =	shalt  }
0x52: {  	_ =	shalt  }
0x53: {  	_ =	shalt  }
0x54: {  	_ =	shalt  }
0x55: {  	_ =	shalt  }
0x56: {  	_ =	shalt  }
0x57: {  	_ =	shalt  }
0x58: {  	_ =	shalt  }
0x59: {  	_ =	shalt  }
0x5a: {  	_ =	shalt  }
0x5b: {  	_ =	shalt  }
0x5c: {  	_ =	shalt  }
0x5d: {  	_ =	shalt  }
0x5e: {  	_ =	shalt  }
0x5f: {  	_ =	shalt  }
0x60: {  	_ =	shalt  }
0x61: {  	_ =	shalt  }
0x62: {  	_ =	shalt  }
0x63: {  	_ =	shalt  }
0x64: {  	_ =	shalt  }
0x65: {  	_ =	shalt  }
0x66: {  	_ =	shalt  }
0x67: {  	_ =	shalt  }
0x68: {  	_ =	shalt  }
0x69: {  	_ =	shalt  }
0x6a: {  	_ =	shalt  }
0x6b: {  	_ =	shalt  }
0x6c: {  	_ =	shalt  }
0x6d: {  	_ =	shalt  }
0x6e: {  	_ =	shalt  }
0x6f: {  	_ =	shalt  }
0x70: {  	_ =	shalt  }
0x71: {  	_ =	shalt  }
0x72: {  	_ =	shalt  }
0x73: {  	_ =	shalt  }
0x74: {  	_ =	shalt  }
0x75: {  	_ =	shalt  }
0x76: {  	_ =	shalt  }
0x77: {  	_ =	shalt  }
0x78: {  	_ =	shalt  }
0x79: {  	_ =	shalt  }
0x7a: {  	_ =	shalt  }
0x7b: {  	_ =	shalt  }
0x7c: {  	_ =	shalt  }
0x7d: {  	_ =	shalt  }
0x7e: {  	_ =	shalt  }
0x7f: {  	_ =	shalt  }
0x80: {  	_ =	shalt  }
0x81: {  	_ =	shalt  }
0x82: {  	_ =	shalt  }
0x83: {  	_ =	shalt  }
0x84: {  	_ =	shalt  }
0x85: {  	_ =	shalt  }
0x86: {  	_ =	shalt  }
0x87: {  	_ =	shalt  }
.Lfunc_end0:
.L_simem_size_0:
called_computation_lowered:
.L_overlay_start_0:
0x88: {  	s2 =	sld [smem:$0x3FD9]  }
0x89: {  	s3 =	sld [smem:$0x3FFE];
	_ =	sdelay $0x1  }
0x8a: {  	s1 =	srdreg.scid  }
0x8b: {  	s0 =	sand.u32 $0x1, s1  }
0x8c: {  	s17 =	sshll.u32 s0, $0xA;
	s2 =	sadd.s32 s3, s2  }
0x8d: {  	s2 =	sadd.s32 s2, s17  }
0x8e: {  	[smem:$0x3FC4] =	sst s2  }
0x8f: {  	_ = 	snop  }
0x90: {  	s2 =	sld [smem:$0x3FC9]  }
0x91: {  	s18 =	sld [smem:$0x3FC7]  }
0x92: {  	s4 =	sld [smem:$0x3FC6];
	(tm) =	ssettm $0x1  }
0x93: {  	s5 =	sld [smem:$0x3FFB];
	_ =	sdelay $0x3  }
0x94: {  	_ =	strace s5  }
0x95: {  	s5 =	sld [smem:$0x3FFC];
	_ =	sdelay $0x3  }
0x96: {  	_ =	strace s5  }
0x97: {  	s5 =	sld [smem:$0x3FFD];
	_ =	sdelay $0x3  }
0x98: {  	_ =	strace s5  }
0x99: {  	_ =	strace $0x8FFFFFFF  }
0x9a: {  	s19 =	sld [smem:$0x3FDB];
	_ =	sdelay $0x1  }
0x9b: {  	s6 =	simm.s32 $_scs_section_size  }
0x9c: {  	s7 =	simm.s32 $_size__tile_overlayer_lowered;
	s8 =	simm.s32 $_tile_overlayer_lowered  }
0x9d: {  	s22 =	simm.s32 $0x1BFF;
	s21 =	sshll.u32 s8, $0x1;
	s5 =	sadd.s32 s6, s19  }
0x9e: {  	s9 =	simm.s32 $0x0;
	s20 =	sshll.u32 s7, $0x1;
	s7 =	sadd.s32 s21, s5  }
0x9f: {  	[timem:s9], [sflag:s22] =	dma.local [hbm:s7], s20  }
0xa0: {  	_ =	swait.ge [sflag:s22], s20  }
0xa1: {  	s6 =	ssub.s32 $0x0, s20;
	[sflag:s22] =	ssyncset.done $0x0  }
0xa2: {  	[sflag:s22] =	ssyncadd.s32 s6;
	_ =	sdelay $0x1  }
0xa3: {  	s23 =	simm.s32 $0x1B8B  }
0xa4: {  	_ =	swait.ge [sflag:s23], $0x1  }
0xa5: {  	[sflag:s23] =	ssyncset.done $0x0  }
0xa6: {  	s25 =	simm.s32 $0x1B8E;
	s24 =	sld [smem:$0x3FFE];
	[sflag:s23] =	ssyncadd.s32 $0xFFFFFFFF  }
0xa7: {  	s26 =	simm.s32 $execute0_lowered;
	[smem:$0x3FD2] =	sst s25  }
0xa8: {  	s7 =	sshll.u32 s26, $0x1;
	_ =	strace $0x80000046;
	[dreg:$0x1] =	wrdreg $0xFFFFFFFF  }
0xa9: {  	s28 =	simm.s32 $_size_execute0_lowered;
	s5 =	sadd.s32 s5, s7;
	[dreg:$0x0] =	wrdreg $0x0  }
0xaa: {  	s7 =	sshll.u32 s28, $0x1;
	[dreg:$0x2] =	wrdreg s5  }
0xab: {  	[dreg:$0x3] =	wrdreg s7  }
0xac: {  	[dreg:$0x4] =	wrdreg $0xC0  }
0xad: {  	_ =	task [dreg:s9], $0x5FFFF  }
0xae: {  	[dreg:$0x1] =	wrdreg $0xFFFFFFFF  }
0xaf: {  	[dreg:$0x0] =	wrdreg $0x60  }
0xb0: {  	[dreg:$0x2] =	wrdreg s2  }
0xb1: {  	[dreg:$0x3] =	wrdreg s18  }
0xb2: {  	[dreg:$0x4] =	wrdreg s4  }
0xb3: {  	[dreg:$0x5] =	wrdreg s24  }
0xb4: {  	[dreg:$0x6] =	wrdreg $0x9  }
0xb5: {  	_ =	task.clear_ibuf [dreg:s9], $0x7FFFF;
	_ =	strace $0x90000046  }
0xb6: {  	s29 =	simm.s32 $0x9;
	_ =	strace $0x80000048  }
0xb7: {  	_ =	swait.ge [sflag:s29], $0x1  }
0xb8: {  	[sflag:s29] =	ssyncadd.s32 $0xFFFFFFFF  }
0xb9: {  	_ =	strace $0x90000048  }
0xba: {  	_ =	sfence  }
0xbb: {  	s30 =	sld [smem:$0x0];
	_ =	sdelay $0x2  }
0xbc: {  	s31 =	sshll.u32 s1, $0xD;
	s1 =	sshrl.u32 s1, $0x2  }
0xbd: {  	s3 =	sand.u32 $0x4000, s31;
	s1 =	sadd.s32 s1, s30  }
0xbe: {  	s0 =	sor.u32 s3, s0;
	s1 =	sshll.u32 s1, $0x11  }
0xbf: {  	s0 =	sor.u32 s1, s0  }
0xc0: {  	s0 =	sadd.s32 $0x8F2B, s0  }
0xc1: {  	[sflag:s0] =	ssyncadd.remote.s32 $0x1  }
0xc2: {  	_ =	sfence.sel $0xFFFF  }
0xc3: {  	[dreg:$0x0] =	wrdreg $0xFFFFFFFF;
	(pc) =	sbr.abs _section_cstart, $3  }
0xc4: {  	[dreg:$0x1] =	wrdreg $0xFFFFFFFF  }
0xc5: {  	_ =	task.clear_ibuf [dreg:s9], $0x2FFFF;
	_ =	strace $0x9FFFFFFF  }
0xc6: {  	(tm) =	ssettm $0x7FFFFFFF  }
0xc7: {  	_ =	shalt  }
tec
execute0_lowered:
.L_overlay_start_1:
0x0: {  	(tag) =	ssettag $0x1  }
0x1: {  	vm0 =	vcmask $0x704  }
0x2: {  	vm1 =	vcmask $0xB08;
	vm2 =	vcmask $0x2320;
	vm3 =	vcmask $0xF0C  }
0x3: {  	vm4 =	vcmask $0x1310;
	vm5 =	vcmask $0x1714;
	v0 =	vimm.s32 $0xEDCBA987  }
0x4: {  	s0 =	rddreg [dreg:$0x0];
	vm6 =	vcmask $0x1B18;
	v1 =	vimm.s32 $0x65432100;
	vm7 =	vcmask $0x1F1C  }
0x5: {  	s1 =	rddreg [dreg:$0x1];
	v4 =	vimm.s32 $0xDCBA9876;
	v5 =	vimm.s32 $0x54321000;
	v6 =	vimm.s32 $0xE40000  }
0x6: {  	s2 =	rddreg [dreg:$0x2];
	v7 =	vimm.s32 $0xBA987654;
	v8 =	vimm.s32 $0x32100000;
	vm8 =	vmmov $0x3  }
0x7: {  	s7 =	rddreg [dreg:$0x3];
	vm10 =	vcmask $0x3F30;
	vm9 =	vmmov $0xf;
	v2 =	vunpack.c.l.s4.s8 v0  }
0x8: {  	s3 =	rddreg [dreg:$0x4];
	s4 =	simm.s32 $0x0;
	s5 =	stileid.u32;
	v0 =	vlaneseq.u32;
	v3 =	vunpack.c.l.s4.s8 v1;
	v4 =	vunpack.c.l.s4.s8 v4  }
0x9: {  	s6 =	srdreg.scid;
	s11 =	simm.s32 $0x2780;
	s12 =	simm.s32 $0x4F00;
	v1 =	vimm.s32 $0x0;
	v5 =	vunpack.c.l.s4.s8 v5;
	v6 =	vunpack.c.l.s2.s4 v6  }
0xa: {  	s13 =	simm.s32 $0x80;
	s14 =	simm.s32 $0x400;
	s15 =	simm.s32 $0xA200;
	v7 =	vunpack.c.l.s4.s8 v7;
	v2 =	vunpack.c.0.s8.s32 v2;
	v4 =	vunpack.c.0.s8.s32 v4  }
0xb: {  	s16 =	simm.s32 $0x0;
	[smem:$0x7FF] =	sst s4;
	s8 =	sshll.u32 s5, $0x6;
	v8 =	vunpack.c.l.s4.s8 v8;
	v3 =	vunpack.c.0.s8.s32 v3;
	v5 =	vunpack.c.0.s8.s32 v5  }
0xc: {  	s6 =	sand.u32 $0x1, s6;
	s9 =	sshll.u32 s5, $0x1;
	_ =	strace $0x80000047;
	v6 =	vunpack.c.l.s4.s8 v6;
	v2 =	vand.u32 $0xF, v2;
	v4 =	vand.u32 $0xF, v4  }
.Ltmp0:
0xd: {  	s8 =	sand.u32 $0x300, s8;
	s9 =	sor.u32 s6, s9;
	v2 =	vcombine.low v3, v2;
	v3 =	vcombine.low v5, v4;
	v4 =	vunpack.c.0.s8.s32 v7;
	(pc) =	sbr.rel .LBB2_1-.Ltmp0, $4  }
0xe: {  	s10 =	ssub.s32 $0x2, s6;
	s6 =	smul.u32 $0x140, s9;
	s9 =	sshll.u32 s9, $0x4;
	v6 =	vunpack.c.0.s8.s32 v6;
	v5 =	vunpack.c.0.s8.s32 v8;
	v7 =	vimm.s32 $0x7060504  }
0xf: {  	s8 =	sadd.s32 s8, s7;
	s31 =	sshrl.u32 s10, $0x1;
	s9 =	sand.u32 $0x70, s9;
	v8 =	vimm.f32 $-1.000000020e+30;
	v7 =	vunpack.c.0.s8.s32 v7;
	v4 =	vand.u32 $0xF, v4  }
0x10: {  	s10 =	ssub.s32 s10, s31;
	s7 =	sadd.s32 $0x140, s6;
	s8 =	sadd.s32 s9, s8;
	v4 =	vcombine.low v5, v4;
	v5 =	vand.u32 $0x3, v6;
	v6 =	vimm.s32 $0x7  }
0x11: {  	s9 =	smax.u32 s10, $0x1;
	s10 =	simm.s32 $0x1;
	s8 =	sadd.s32 $0x1000, s8;
	v5 =	vsel vm10, v7, v5;
	vm10 =	vmmov $0xff;
	v7 =	vadd.s32 $0x1, v0  }
.LBB2_40:
0x12: {  	s16 =	sadd.s32 $0x1, s16  }
0x13: {  	p0 =	sne.s32 s16, s9  }
.Ltmp1:
0x14: {  	_ = 	snop;
	(pc) =	sbr.rel @!p0 .LBB2_41-.Ltmp1, $4  }
0x15: {  	[hbm4b:s8+s13] =	stream.strided.scatter [tilespmem:s15], [sflag:$0x1], $0x100, s14, s13, $0x38;
	[tilespmem:$0xA300] =	vst v63  }
0x16: {  	_ =	swait.ge [sflag:s10], $0x100  }
0x17: {  	[sflag:s10] =	ssyncset.done $0x0  }
0x18: {  	v8 =	vimm.f32 $-1.000000020e+30;
	[sflag:s10] =	ssyncadd.s32 $0xFFFFFF00  }
.LBB2_1:
0x19: {  	[tilespmem:s4], [sflag:$0x1] =	stream.linear.gather [hbm4b:s0+s4], $0x2710, $0x38;
	[tilespmem:$0xA300] =	vst v63  }
0x1a: {  	_ =	swait.ge [sflag:s10], $0x2710  }
0x1b: {  	[sflag:s10] =	ssyncset.done $0x0  }
0x1c: {  	[sflag:s10] =	ssyncadd.s32 $0xFFFFD8F0  }
0x1d: {  	[tilespmem:s11], [sflag:$0x1] =	stream.linear.gather [hbm4b:s1+s4], $0x2710, $0x38;
	[tilespmem:$0xA300] =	vst v63  }
0x1e: {  	_ =	swait.ge [sflag:s10], $0x2710  }
0x1f: {  	[sflag:s10] =	ssyncset.done $0x0  }
0x20: {  	[sflag:s10] =	ssyncadd.s32 $0xFFFFD8F0  }
0x21: {  	[tilespmem:s12], [sflag:$0x1] =	stream.linear.gather [hbm4b:s2+s4], $0x2710, $0x38;
	[tilespmem:$0xA300] =	vst v63  }
0x22: {  	s20 =	simm.s32 $0x2710;
	_ =	swait.ge [sflag:s10], $0x2710  }
0x23: {  	s21 =	simm.s32 $0x2710;
	s18 =	simm.s32 $0xD;
	[sflag:s10] =	ssyncset.done $0x0  }
0x24: {  	s17 =	simm.s32 $0x0;
	s19 =	simm.s32 $0x2710;
	[sflag:s10] =	ssyncadd.s32 $0xFFFFD8F0  }
.LBB2_2:
0x25: {  	s22 =	smov.u32 s19  }
0x26: {  	p0 =	sne.s32 s18, $0x1;
	s19 =	sand.u32 $0x1, s21  }
0x27: {  	p1 =	slt.s32 s21, $0x1;
	p2 =	seq.s32 s19, $0x1  }
0x28: {  	s19 =	sshrl.u32 s21, $0x1F;
	p1 =	por !p1, !p2  }
0x29: {  	s19 =	sadd.s32 s19, s21;
	s21 =	simm.s32 $0x1;
	p1 =	por !p1, !p1  }
0x2a: {  	s19 =	sshra.s32 s19, $0x1;
	s21 =	simm.s32 @!p1 $0x0  }
0x2b: {  	s19 =	ssub.s32 s19, s21  }
0x2c: {  	v9 =	vld [tilespmem:s19+$0x4F00];
	_ =	sdelay $0x4  }
0x2d: {  	(v2sf) =	vpush v9, $0x0;
	_ =	sdelay $0xd  }
.Ltmp2:
0x2e: {  	(pc) =	sbr.rel @p0 .LBB2_2-.Ltmp2, $4  }
0x2f: {  	s21 =	spop (v2sf)  }
0x30: {  	p1 =	slt.s32 s21, $0x1;
	s21 =	sadd.s32 $0x1, s19  }
0x31: {  	s17 =	smov.u32 @p1 s21;
	s19 =	smov.u32 @p1 s22  }
0x32: {  	s18 =	sadd.s32 $0xFFFFFFFF, s18;
	s21 =	sadd.s32 s17, s19  }
0x33: {  	s18 =	sand.u32 $0x1, s21  }
0x34: {  	p0 =	slt.s32 s21, $0x1;
	p1 =	seq.s32 s18, $0x1  }
0x35: {  	s30 =	sshrl.u32 s21, $0x1F;
	p0 =	por !p0, !p1  }
0x36: {  	s19 =	simm.s32 $0x1;
	s18 =	sadd.s32 s30, s21;
	p0 =	por !p0, !p0  }
0x37: {  	s18 =	sshra.s32 s18, $0x1;
	s19 =	simm.s32 @!p0 $0x0  }
0x38: {  	s18 =	ssub.s32 s18, s19  }
0x39: {  	v9 =	vld [tilespmem:s18+$0x4F00];
	_ =	sdelay $0x4  }
0x3a: {  	(v2sf) =	vpush v9, $0x0;
	_ =	sdelay $0xe  }
0x3b: {  	s22 =	simm.s32 $0x2710;
	s31 =	spop (v2sf)  }
0x3c: {  	s21 =	simm.s32 $0xD;
	s18 =	sadd.s32 $0x1, s18;
	p0 =	slt.s32 s31, $0x1  }
0x3d: {  	s19 =	simm.s32 $0x0;
	s17 =	smov.u32 @p0 s18;
	s18 =	simm.s32 $0x0  }
.LBB2_4:
0x3e: {  	s23 =	smov.u32 s20  }
0x3f: {  	p0 =	sne.s32 s21, $0x1;
	s20 =	sand.u32 $0x1, s22  }
0x40: {  	p1 =	slt.s32 s22, $0x1;
	p2 =	seq.s32 s20, $0x1  }
0x41: {  	s20 =	sshrl.u32 s22, $0x1F;
	p1 =	por !p1, !p2  }
0x42: {  	s20 =	sadd.s32 s20, s22;
	s22 =	simm.s32 $0x1;
	p1 =	por !p1, !p1  }
0x43: {  	s20 =	sshra.s32 s20, $0x1;
	s22 =	simm.s32 @!p1 $0x0  }
0x44: {  	s20 =	ssub.s32 s20, s22  }
0x45: {  	v9 =	vld [tilespmem:s20+$0x4F00];
	_ =	sdelay $0x4  }
0x46: {  	(v2sf) =	vpush v9, $0x0;
	_ =	sdelay $0xd  }
.Ltmp3:
0x47: {  	(pc) =	sbr.rel @p0 .LBB2_4-.Ltmp3, $4  }
0x48: {  	s22 =	spop (v2sf)  }
0x49: {  	p1 =	slt.s32 s22, $0x2;
	s22 =	sadd.s32 $0x1, s20  }
0x4a: {  	s19 =	smov.u32 @p1 s22;
	s20 =	smov.u32 @p1 s23  }
0x4b: {  	s21 =	sadd.s32 $0xFFFFFFFF, s21;
	s22 =	sadd.s32 s19, s20  }
0x4c: {  	s20 =	sand.u32 $0x1, s22  }
0x4d: {  	p0 =	slt.s32 s22, $0x1;
	p1 =	seq.s32 s20, $0x1  }
0x4e: {  	s30 =	sshrl.u32 s22, $0x1F;
	p0 =	por !p0, !p1  }
0x4f: {  	s21 =	simm.s32 $0x1;
	s20 =	sadd.s32 s30, s22;
	p0 =	por !p0, !p0  }
0x50: {  	s20 =	sshra.s32 s20, $0x1;
	s21 =	simm.s32 @!p0 $0x0  }
0x51: {  	s20 =	ssub.s32 s20, s21  }
0x52: {  	v9 =	vld [tilespmem:s20+$0x4F00];
	_ =	sdelay $0x4  }
0x53: {  	(v2sf) =	vpush v9, $0x0;
	_ =	sdelay $0xe  }
0x54: {  	s23 =	simm.s32 $0x2710;
	s31 =	spop (v2sf)  }
0x55: {  	s22 =	simm.s32 $0x2710;
	s20 =	sadd.s32 $0x1, s20;
	p0 =	slt.s32 s31, $0x2  }
0x56: {  	s21 =	simm.s32 $0x2710;
	s19 =	smov.u32 @p0 s20;
	s20 =	simm.s32 $0xD  }
.LBB2_6:
0x57: {  	s24 =	smov.u32 s21  }
0x58: {  	p0 =	sne.s32 s20, $0x1;
	s21 =	sand.u32 $0x1, s23  }
0x59: {  	p1 =	slt.s32 s23, $0x1;
	p2 =	seq.s32 s21, $0x1  }
0x5a: {  	s21 =	sshrl.u32 s23, $0x1F;
	p1 =	por !p1, !p2  }
0x5b: {  	s21 =	sadd.s32 s21, s23;
	s23 =	simm.s32 $0x1;
	p1 =	por !p1, !p1  }
0x5c: {  	s21 =	sshra.s32 s21, $0x1;
	s23 =	simm.s32 @!p1 $0x0  }
0x5d: {  	s21 =	ssub.s32 s21, s23  }
0x5e: {  	v9 =	vld [tilespmem:s21+$0x4F00];
	_ =	sdelay $0x4  }
0x5f: {  	(v2sf) =	vpush v9, $0x0;
	_ =	sdelay $0xd  }
.Ltmp4:
0x60: {  	(pc) =	sbr.rel @p0 .LBB2_6-.Ltmp4, $4  }
0x61: {  	s23 =	spop (v2sf)  }
0x62: {  	p1 =	slt.s32 s23, $0x3;
	s23 =	sadd.s32 $0x1, s21  }
0x63: {  	s18 =	smov.u32 @p1 s23;
	s21 =	smov.u32 @p1 s24  }
0x64: {  	s20 =	sadd.s32 $0xFFFFFFFF, s20;
	s23 =	sadd.s32 s18, s21  }
0x65: {  	s20 =	sand.u32 $0x1, s23  }
0x66: {  	p0 =	slt.s32 s23, $0x1;
	p1 =	seq.s32 s20, $0x1  }
0x67: {  	s30 =	sshrl.u32 s23, $0x1F;
	p0 =	por !p0, !p1  }
0x68: {  	s21 =	simm.s32 $0x1;
	s20 =	sadd.s32 s30, s23;
	p0 =	por !p0, !p0  }
0x69: {  	s20 =	sshra.s32 s20, $0x1;
	s21 =	simm.s32 @!p0 $0x0  }
0x6a: {  	s20 =	ssub.s32 s20, s21  }
0x6b: {  	v9 =	vld [tilespmem:s20+$0x4F00];
	_ =	sdelay $0x4  }
0x6c: {  	(v2sf) =	vpush v9, $0x0;
	_ =	sdelay $0xe  }
0x6d: {  	s24 =	simm.s32 $0x2710;
	s31 =	spop (v2sf)  }
0x6e: {  	s23 =	simm.s32 $0xD;
	s20 =	sadd.s32 $0x1, s20;
	p0 =	slt.s32 s31, $0x3  }
0x6f: {  	s21 =	simm.s32 $0x0;
	s18 =	smov.u32 @p0 s20;
	s20 =	simm.s32 $0x0  }
.LBB2_8:
0x70: {  	s25 =	smov.u32 s22  }
0x71: {  	p0 =	sne.s32 s23, $0x1;
	s22 =	sand.u32 $0x1, s24  }
0x72: {  	p1 =	slt.s32 s24, $0x1;
	p2 =	seq.s32 s22, $0x1  }
0x73: {  	s22 =	sshrl.u32 s24, $0x1F;
	p1 =	por !p1, !p2  }
0x74: {  	s22 =	sadd.s32 s22, s24;
	s24 =	simm.s32 $0x1;
	p1 =	por !p1, !p1  }
0x75: {  	s22 =	sshra.s32 s22, $0x1;
	s24 =	simm.s32 @!p1 $0x0  }
0x76: {  	s22 =	ssub.s32 s22, s24  }
0x77: {  	v9 =	vld [tilespmem:s22+$0x4F00];
	_ =	sdelay $0x4  }
0x78: {  	(v2sf) =	vpush v9, $0x0;
	_ =	sdelay $0xd  }
.Ltmp5:
0x79: {  	(pc) =	sbr.rel @p0 .LBB2_8-.Ltmp5, $4  }
0x7a: {  	s24 =	spop (v2sf)  }
0x7b: {  	p1 =	slt.s32 s24, $0x4;
	s24 =	sadd.s32 $0x1, s22  }
0x7c: {  	s21 =	smov.u32 @p1 s24;
	s22 =	smov.u32 @p1 s25  }
0x7d: {  	s23 =	sadd.s32 $0xFFFFFFFF, s23;
	s24 =	sadd.s32 s21, s22  }
0x7e: {  	s22 =	sand.u32 $0x1, s24  }
0x7f: {  	p0 =	slt.s32 s24, $0x1;
	p1 =	seq.s32 s22, $0x1  }
0x80: {  	s30 =	sshrl.u32 s24, $0x1F;
	p0 =	por !p0, !p1  }
0x81: {  	s23 =	simm.s32 $0x1;
	s22 =	sadd.s32 s30, s24;
	p0 =	por !p0, !p0  }
0x82: {  	s22 =	sshra.s32 s22, $0x1;
	s23 =	simm.s32 @!p0 $0x0  }
0x83: {  	s22 =	ssub.s32 s22, s23  }
0x84: {  	v9 =	vld [tilespmem:s22+$0x4F00];
	_ =	sdelay $0x4  }
0x85: {  	(v2sf) =	vpush v9, $0x0;
	_ =	sdelay $0xe  }
0x86: {  	s25 =	simm.s32 $0x2710;
	s31 =	spop (v2sf)  }
0x87: {  	s24 =	simm.s32 $0x2710;
	s22 =	sadd.s32 $0x1, s22;
	p0 =	slt.s32 s31, $0x4  }
0x88: {  	s23 =	simm.s32 $0x2710;
	s21 =	smov.u32 @p0 s22;
	s22 =	simm.s32 $0xD  }
.LBB2_10:
0x89: {  	s26 =	smov.u32 s23  }
0x8a: {  	p0 =	sne.s32 s22, $0x1;
	s23 =	sand.u32 $0x1, s25  }
0x8b: {  	p1 =	slt.s32 s25, $0x1;
	p2 =	seq.s32 s23, $0x1  }
0x8c: {  	s23 =	sshrl.u32 s25, $0x1F;
	p1 =	por !p1, !p2  }
0x8d: {  	s23 =	sadd.s32 s23, s25;
	s25 =	simm.s32 $0x1;
	p1 =	por !p1, !p1  }
0x8e: {  	s23 =	sshra.s32 s23, $0x1;
	s25 =	simm.s32 @!p1 $0x0  }
0x8f: {  	s23 =	ssub.s32 s23, s25  }
0x90: {  	v9 =	vld [tilespmem:s23+$0x4F00];
	_ =	sdelay $0x4  }
0x91: {  	(v2sf) =	vpush v9, $0x0;
	_ =	sdelay $0xd  }
.Ltmp6:
0x92: {  	(pc) =	sbr.rel @p0 .LBB2_10-.Ltmp6, $4  }
0x93: {  	s25 =	spop (v2sf)  }
0x94: {  	p1 =	slt.s32 s25, $0x5;
	s25 =	sadd.s32 $0x1, s23  }
0x95: {  	s20 =	smov.u32 @p1 s25;
	s23 =	smov.u32 @p1 s26  }
0x96: {  	s22 =	sadd.s32 $0xFFFFFFFF, s22;
	s25 =	sadd.s32 s20, s23  }
0x97: {  	s22 =	sand.u32 $0x1, s25  }
0x98: {  	p0 =	slt.s32 s25, $0x1;
	p1 =	seq.s32 s22, $0x1  }
0x99: {  	s30 =	sshrl.u32 s25, $0x1F;
	p0 =	por !p0, !p1  }
0x9a: {  	s23 =	simm.s32 $0x1;
	s22 =	sadd.s32 s30, s25;
	p0 =	por !p0, !p0  }
0x9b: {  	s22 =	sshra.s32 s22, $0x1;
	s23 =	simm.s32 @!p0 $0x0  }
0x9c: {  	s22 =	ssub.s32 s22, s23  }
0x9d: {  	v9 =	vld [tilespmem:s22+$0x4F00];
	_ =	sdelay $0x4  }
0x9e: {  	(v2sf) =	vpush v9, $0x0;
	_ =	sdelay $0xe  }
0x9f: {  	s26 =	simm.s32 $0x2710;
	s31 =	spop (v2sf)  }
0xa0: {  	s25 =	simm.s32 $0xD;
	s22 =	sadd.s32 $0x1, s22;
	p0 =	slt.s32 s31, $0x5  }
0xa1: {  	s23 =	simm.s32 $0x0;
	s20 =	smov.u32 @p0 s22;
	s22 =	simm.s32 $0x0  }
.LBB2_12:
0xa2: {  	s28 =	smov.u32 s24  }
0xa3: {  	p0 =	sne.s32 s25, $0x1;
	s24 =	sand.u32 $0x1, s26  }
0xa4: {  	p1 =	slt.s32 s26, $0x1;
	p2 =	seq.s32 s24, $0x1  }
0xa5: {  	s24 =	sshrl.u32 s26, $0x1F;
	p1 =	por !p1, !p2  }
0xa6: {  	s24 =	sadd.s32 s24, s26;
	s26 =	simm.s32 $0x1;
	p1 =	por !p1, !p1  }
0xa7: {  	s24 =	sshra.s32 s24, $0x1;
	s26 =	simm.s32 @!p1 $0x0  }
0xa8: {  	s24 =	ssub.s32 s24, s26  }
0xa9: {  	v9 =	vld [tilespmem:s24+$0x4F00];
	_ =	sdelay $0x4  }
0xaa: {  	(v2sf) =	vpush v9, $0x0;
	_ =	sdelay $0xd  }
.Ltmp7:
0xab: {  	(pc) =	sbr.rel @p0 .LBB2_12-.Ltmp7, $4  }
0xac: {  	s26 =	spop (v2sf)  }
0xad: {  	p1 =	slt.s32 s26, $0x6;
	s26 =	sadd.s32 $0x1, s24  }
0xae: {  	s23 =	smov.u32 @p1 s26;
	s24 =	smov.u32 @p1 s28  }
0xaf: {  	s25 =	sadd.s32 $0xFFFFFFFF, s25;
	s26 =	sadd.s32 s23, s24  }
0xb0: {  	s24 =	sand.u32 $0x1, s26  }
0xb1: {  	p0 =	slt.s32 s26, $0x1;
	p1 =	seq.s32 s24, $0x1  }
0xb2: {  	s30 =	sshrl.u32 s26, $0x1F;
	p0 =	por !p0, !p1  }
0xb3: {  	s25 =	simm.s32 $0x1;
	s24 =	sadd.s32 s30, s26;
	p0 =	por !p0, !p0  }
0xb4: {  	s24 =	sshra.s32 s24, $0x1;
	s25 =	simm.s32 @!p0 $0x0  }
0xb5: {  	s24 =	ssub.s32 s24, s25  }
0xb6: {  	v9 =	vld [tilespmem:s24+$0x4F00];
	_ =	sdelay $0x4  }
0xb7: {  	(v2sf) =	vpush v9, $0x0;
	_ =	sdelay $0xe  }
0xb8: {  	s31 =	spop (v2sf)  }
0xb9: {  	s26 =	simm.s32 $0x2710;
	s24 =	sadd.s32 $0x1, s24;
	p0 =	slt.s32 s31, $0x6  }
0xba: {  	s25 =	simm.s32 $0x2710;
	s23 =	smov.u32 @p0 s24;
	s24 =	simm.s32 $0xD  }
.LBB2_14:
0xbb: {  	s28 =	smov.u32 s25  }
0xbc: {  	p0 =	sne.s32 s24, $0x1;
	s25 =	sand.u32 $0x1, s26  }
0xbd: {  	p1 =	slt.s32 s26, $0x1;
	p2 =	seq.s32 s25, $0x1  }
0xbe: {  	s25 =	sshrl.u32 s26, $0x1F;
	p1 =	por !p1, !p2  }
0xbf: {  	s25 =	sadd.s32 s25, s26;
	s26 =	simm.s32 $0x1;
	p1 =	por !p1, !p1  }
0xc0: {  	s25 =	sshra.s32 s25, $0x1;
	s26 =	simm.s32 @!p1 $0x0  }
0xc1: {  	s25 =	ssub.s32 s25, s26  }
0xc2: {  	v9 =	vld [tilespmem:s25+$0x4F00];
	_ =	sdelay $0x4  }
0xc3: {  	(v2sf) =	vpush v9, $0x0;
	_ =	sdelay $0xd  }
.Ltmp8:
0xc4: {  	(pc) =	sbr.rel @p0 .LBB2_14-.Ltmp8, $4  }
0xc5: {  	s26 =	spop (v2sf)  }
0xc6: {  	p1 =	slt.s32 s26, $0x7;
	s26 =	sadd.s32 $0x1, s25  }
0xc7: {  	s22 =	smov.u32 @p1 s26;
	s25 =	smov.u32 @p1 s28  }
0xc8: {  	s24 =	sadd.s32 $0xFFFFFFFF, s24;
	s26 =	sadd.s32 s22, s25  }
0xc9: {  	s24 =	sand.u32 $0x1, s26  }
0xca: {  	p0 =	slt.s32 s26, $0x1;
	p1 =	seq.s32 s24, $0x1  }
0xcb: {  	s30 =	sshrl.u32 s26, $0x1F;
	p0 =	por !p0, !p1  }
0xcc: {  	s25 =	simm.s32 $0x1;
	s24 =	sadd.s32 s30, s26;
	p0 =	por !p0, !p0  }
0xcd: {  	s24 =	sshra.s32 s24, $0x1;
	s25 =	simm.s32 @!p0 $0x0  }
0xce: {  	s24 =	ssub.s32 s24, s25  }
0xcf: {  	v9 =	vld [tilespmem:s24+$0x4F00];
	_ =	sdelay $0x4  }
0xd0: {  	(v2sf) =	vpush v9, $0x0;
	_ =	sdelay $0xc  }
0xd1: {  	v10 =	vmov s19;
	v9 =	vmov s17  }
0xd2: {  	v11 =	vmov s18;
	v10 =	vnsel vm1, $0x0, v10;
	v9 =	vnsel vm0, $0x0, v9  }
0xd3: {  	v9 =	vadd.s32 v10, v9;
	v10 =	vnsel vm3, $0x0, v11;
	v11 =	vmov s21;
	s31 =	spop (v2sf)  }
0xd4: {  	s17 =	sadd.s32 $0x1, s24;
	v9 =	vadd.s32 v10, v9;
	v10 =	vnsel vm4, $0x0, v11;
	v11 =	vmov s20;
	p0 =	slt.s32 s31, $0x7  }
0xd5: {  	v9 =	vadd.s32 v10, v9;
	v10 =	vnsel vm5, $0x0, v11;
	v11 =	vmov s23;
	s22 =	smov.u32 @p0 s17  }
.Ltmp9:
0xd6: {  	v10 =	vadd.s32 v10, v9;
	v11 =	vnsel vm6, $0x0, v11;
	v12 =	vmov s22;
	(pc) =	sbr.rel .LBB2_16-.Ltmp9, $4  }
0xd7: {  	v9 =	vimm.s32 $0x0;
	v10 =	vadd.s32 v11, v10;
	v11 =	vnsel vm7, $0x0, v12  }
0xd8: {  	v63 =	vsel vm2, $0x2710, v9;
	v10 =	vadd.s32 v11, v10  }
0xd9: {  	[tilespmem:$0x7690] =	vst v9;
	v10 =	vadd.s32 v63, v10  }
0xda: {  	s18 =	simm.s32 $0x0;
	s17 =	simm.s32 $0x0;
	[tilespmem:$0x7680] =	vst v10;
	v10 =	vimm.s32 $0x0  }
.LBB2_18:
0xdb: {  	s24 =	smov.u32 s20  }
0xdc: {  	s23 =	smov.u32 s19;
	s21 =	smov.u32 s17;
	s22 =	smov.u32 s17  }
.LBB2_22:
0xdd: {  	s24 =	sadd.s32 @p0 $0x10, s24  }
0xde: {  	s20 =	smov.u32 @p0 s24  }
0xdf: {  	v13 =	vadd.s32 s20, v0  }
0xe0: {  	vm12 =	vgt.s32 v12, $0x0;
	vm11 =	vlt.s32 v13, v11  }
0xe1: {  	vm11 =	vmand vm11, vm12  }
0xe2: {  	v11 =	vsel vm11, $0x1, v1  }
0xe3: {  	v60 =	vperm.xlane v11, v2  }
0xe4: {  	vm11 =	veq.s32 v0, $0x0  }
0xe5: {  	v12 =	vsel vm11, $0x0, v60  }
0xe6: {  	v11 =	vadd.s32 v11, v12  }
0xe7: {  	v12 =	vperm.xlane v11, v3;
	_ =	sdelay $0x1  }
0xe8: {  	v12 =	vsel vm8, $0x0, v12  }
0xe9: {  	v11 =	vadd.s32 v12, v11  }
0xea: {  	v12 =	vperm.xlane v11, v4;
	_ =	sdelay $0x1  }
0xeb: {  	v12 =	vsel vm9, $0x0, v12  }
0xec: {  	v11 =	vadd.s32 v12, v11  }
0xed: {  	v12 =	vperm.xlane v11, v5;
	_ =	sdelay $0x1  }
0xee: {  	v12 =	vsel vm10, $0x0, v12  }
0xef: {  	v11 =	vadd.s32 v12, v11  }
0xf0: {  	v12 =	vperm.xlane v11, v6;
	_ =	sdelay $0x1  }
0xf1: {  	vm11 =	vlt.s32 v12, v7  }
0xf2: {  	v12 =	vsel vm11, $0x8, v1  }
0xf3: {  	v61 =	vor.u32 $0x3, v12  }
0xf4: {  	(v2sf) =	vpush v11, $0xF;
	v13 =	vperm.xlane v11, v61;
	_ =	sdelay $0x1  }
0xf5: {  	v14 =	vor.u32 $0x4, v12;
	vm11 =	vlt.s32 v13, v7  }
0xf6: {  	v12 =	vsel vm11, v14, v12  }
0xf7: {  	v62 =	vor.u32 $0x1, v12  }
0xf8: {  	s20 =	sadd.s32 @p0 $0x10, s23;
	v13 =	vperm.xlane v11, v62  }
0xf9: {  	s19 =	smov.u32 @p0 s20  }
0xfa: {  	v63 =	vld [tilespmem:s19+$0x0];
	v14 =	vor.u32 $0x2, v12;
	vm11 =	vlt.s32 v13, v7  }
0xfb: {  	v12 =	vsel vm11, v14, v12  }
0xfc: {  	v11 =	vperm.xlane v11, v12;
	_ =	sdelay $0x1  }
0xfd: {  	vm11 =	vlt.s32 v11, v7  }
0xfe: {  	v13 =	vsub.f32 $1.000000010e-01, v63;
	v11 =	vsel vm11, $0x1, v1  }
0xff: {  	v11 =	vor.u32 v11, v12  }
0x100: {  	v11 =	vperm.xlane v13, v11  }
0x101: {  	s31 =	spop (v2sf)  }
0x102: {  	s19 =	sadd.s32 s21, s31;
	[tilespmem:s22+$0x7700] =	vst v11  }
.LBB2_23:
0x103: {  	v11 =	vmov s18;
	s18 =	sadd.s32 $0x1, s18  }
0x104: {  	p0 =	sne.s32 s18, $0x8  }
.Ltmp10:
0x105: {  	_ = 	snop;
	(pc) =	sbr.rel @!p0 .LBB2_24-.Ltmp10, $3  }
0x106: {  	_ =	sdelay $0x1  }
0x107: {  	s31 =	ssub.s32 s19, s17;
	vm11 =	veq.s32 v11, v0  }
0x108: {  	[tilespmem:s19+$0x7700] =	vst v8;
	v10 =	vsel vm11, s17, v10;
	v9 =	vsel vm11, s31, v9;
	s17 =	sadd.s32 $0x10, s19  }
.LBB2_16:
0x109: {  	v11 =	vld [tilespmem:s18+$0x7680]  }
0x10a: {  	v12 =	vld [tilespmem:s18+$0x7681];
	_ =	sdelay $0x3  }
0x10b: {  	(v2sf) =	vpush v11, $0x0  }
0x10c: {  	(v2sf) =	vpush v12, $0x0;
	_ =	sdelay $0xd  }
0x10d: {  	s20 =	spop (v2sf)  }
0x10e: {  	s21 =	spop (v2sf)  }
0x10f: {  	p0 =	sgt.s32 s6, s20;
	p1 =	slt.s32 s7, s21  }
0x110: {  	s20 =	smov.u32 @p0 s6;
	s21 =	smov.u32 @p1 s7  }
0x111: {  	s19 =	ssub.s32 s21, s20  }
0x112: {  	s19 =	sadd.s32 $0xF, s19  }
0x113: {  	s22 =	sand.u32 $0xF, s19  }
0x114: {  	s31 =	sshra.s32 s19, $0x1F;
	p6 =	slt.s32 s19, $0x1;
	p5 =	sne.s32 s22, $0x0  }
0x115: {  	s22 =	sshrl.u32 s31, $0x1C;
	p0 =	por !p6, !p5  }
0x116: {  	s19 =	sadd.s32 s22, s19;
	s22 =	simm.s32 $0x1;
	p0 =	por !p0, !p0  }
0x117: {  	s19 =	sshra.s32 s19, $0x4;
	s22 =	simm.s32 @!p0 $0x0  }
0x118: {  	s23 =	ssub.s32 s19, s22  }
0x119: {  	p0 =	slt.s32 s23, $0x1  }
.Ltmp11:
0x11a: {  	_ = 	snop;
	(pc) =	sbr.rel @p0 .LBB2_23-.Ltmp11, $2  }
0x11b: {  	_ =	sdelay $0x2  }
0x11c: {  	s19 =	smov.u32 s17  }
0x11d: {  	p1 =	sne.s32 s23, $0x1  }
.Ltmp12:
0x11e: {  	s19 =	sshll.u32 s20, $0x2;
	(pc) =	sbr.rel @!p1 .LBB2_18-.Ltmp12, $4  }
0x11f: {  	s19 =	sshra.s32 s19, $0x2  }
0x120: {  	s22 =	sadd.s32 $0x2780, s19  }
0x121: {  	v12 =	vld [tilespmem:s22+$0x0]  }
0x122: {  	v11 =	vmov s21;
	s23 =	sadd.s32 $0xFFFFFFFF, s23;
	p0 =	por $0x0, $0x0  }
0x123: {  	_ =	sdelay $0x1  }
0x124: {  	v13 =	vadd.s32 s20, v0  }
0x125: {  	vm11 =	vlt.s32 v13, v11;
	vm12 =	vgt.s32 v12, $0x0  }
0x126: {  	vm11 =	vmand vm11, vm12  }
0x127: {  	v12 =	vsel vm11, $0x1, v1  }
0x128: {  	v13 =	vperm.xlane v12, v2  }
0x129: {  	vm11 =	veq.s32 v0, $0x0  }
0x12a: {  	v13 =	vsel vm11, $0x0, v13  }
0x12b: {  	v12 =	vadd.s32 v12, v13  }
0x12c: {  	v13 =	vperm.xlane v12, v3;
	_ =	sdelay $0x1  }
0x12d: {  	v13 =	vsel vm8, $0x0, v13  }
0x12e: {  	v12 =	vadd.s32 v13, v12  }
0x12f: {  	v13 =	vperm.xlane v12, v4;
	_ =	sdelay $0x1  }
0x130: {  	v13 =	vsel vm9, $0x0, v13  }
0x131: {  	v12 =	vadd.s32 v13, v12  }
0x132: {  	v13 =	vperm.xlane v12, v5;
	_ =	sdelay $0x1  }
0x133: {  	v13 =	vsel vm10, $0x0, v13  }
0x134: {  	v12 =	vadd.s32 v13, v12  }
0x135: {  	v13 =	vperm.xlane v12, v6;
	_ =	sdelay $0x1  }
0x136: {  	vm12 =	vlt.s32 v13, v7  }
0x137: {  	v13 =	vsel vm12, $0x8, v1  }
0x138: {  	v14 =	vor.u32 $0x3, v13  }
0x139: {  	v14 =	vperm.xlane v12, v14  }
0x13a: {  	(v2sf) =	vpush v12, $0xF  }
0x13b: {  	v15 =	vor.u32 $0x4, v13;
	vm12 =	vlt.s32 v14, v7  }
0x13c: {  	v13 =	vsel vm12, v15, v13  }
0x13d: {  	v14 =	vor.u32 $0x1, v13  }
0x13e: {  	v14 =	vperm.xlane v12, v14;
	_ =	sdelay $0x1  }
0x13f: {  	v15 =	vor.u32 $0x2, v13;
	vm12 =	vlt.s32 v14, v7;
	v14 =	vld [tilespmem:s19+$0x0]  }
0x140: {  	v13 =	vsel vm12, v15, v13  }
0x141: {  	v12 =	vperm.xlane v12, v13;
	_ =	sdelay $0x1  }
0x142: {  	vm12 =	vlt.s32 v12, v7  }
0x143: {  	v12 =	vsel vm12, $0x1, v1;
	v14 =	vsub.f32 $1.000000010e-01, v14  }
0x144: {  	p1 =	sne.s32 s23, $0x1;
	v12 =	vor.u32 v12, v13  }
.Ltmp13:
0x145: {  	v12 =	vperm.xlane v14, v12;
	(pc) =	sbr.rel @!p1 .LBB2_20-.Ltmp13, $4  }
0x146: {  	_ = 	snop  }
0x147: {  	s25 =	sadd.s32 $0x10, s22;
	s21 =	spop (v2sf);
	[tilespmem:s17+$0x7700] =	vst v12  }
0x148: {  	s26 =	sadd.s32 $0xFFFFFFFF, s23;
	p0 =	por $0x1, $0x1;
	s21 =	sadd.s32 s17, s21;
	v12 =	vld [tilespmem:s25+$0x0]  }
0x149: {  	s24 =	smov.u32 s20;
	s23 =	smov.u32 s19;
	s22 =	smov.u32 s21  }
.LBB2_21:
0x14a: {  	p1 =	sne.s32 s26, $0x1;
	_ =	sdelay $0x1  }
0x14b: {  	s24 =	sadd.s32 $0x10, s24  }
0x14c: {  	v13 =	vadd.s32 s24, v0  }
0x14d: {  	vm13 =	vgt.s32 v12, $0x0;
	vm12 =	vlt.s32 v13, v11  }
0x14e: {  	vm12 =	vmand vm12, vm13  }
0x14f: {  	v12 =	vsel vm12, $0x1, v1  }
0x150: {  	v13 =	vperm.xlane v12, v2;
	_ =	sdelay $0x1  }
0x151: {  	v13 =	vsel vm11, $0x0, v13  }
0x152: {  	v12 =	vadd.s32 v12, v13  }
0x153: {  	v13 =	vperm.xlane v12, v3;
	_ =	sdelay $0x1  }
0x154: {  	v13 =	vsel vm8, $0x0, v13  }
0x155: {  	v12 =	vadd.s32 v13, v12  }
0x156: {  	v13 =	vperm.xlane v12, v4;
	_ =	sdelay $0x1  }
0x157: {  	v13 =	vsel vm9, $0x0, v13  }
0x158: {  	v12 =	vadd.s32 v13, v12  }
0x159: {  	v13 =	vperm.xlane v12, v5;
	_ =	sdelay $0x1  }
0x15a: {  	v13 =	vsel vm10, $0x0, v13  }
0x15b: {  	v12 =	vadd.s32 v13, v12  }
0x15c: {  	v13 =	vperm.xlane v12, v6;
	(v2sf) =	vpush v12, $0xF;
	_ =	sdelay $0x1  }
0x15d: {  	vm12 =	vlt.s32 v13, v7  }
0x15e: {  	v13 =	vsel vm12, $0x8, v1  }
0x15f: {  	v14 =	vor.u32 $0x3, v13  }
0x160: {  	v14 =	vperm.xlane v12, v14;
	_ =	sdelay $0x1  }
0x161: {  	v15 =	vor.u32 $0x4, v13;
	vm12 =	vlt.s32 v14, v7  }
0x162: {  	v13 =	vsel vm12, v15, v13  }
0x163: {  	v14 =	vor.u32 $0x1, v13  }
0x164: {  	v14 =	vperm.xlane v12, v14  }
0x165: {  	s23 =	sadd.s32 $0x10, s23  }
0x166: {  	v15 =	vor.u32 $0x2, v13;
	vm12 =	vlt.s32 v14, v7;
	v14 =	vld [tilespmem:s23+$0x0]  }
0x167: {  	v13 =	vsel vm12, v15, v13  }
0x168: {  	v12 =	vperm.xlane v12, v13  }
0x169: {  	s28 =	spop (v2sf)  }
0x16a: {  	vm12 =	vlt.s32 v12, v7;
	s21 =	sadd.s32 s21, s28  }
0x16b: {  	v12 =	vsel vm12, $0x1, v1;
	v14 =	vsub.f32 $1.000000010e-01, v14  }
.Ltmp14:
0x16c: {  	v12 =	vor.u32 v12, v13;
	(pc) =	sbr.rel @p1 .LBB2_21-.Ltmp14, $3  }
0x16d: {  	v12 =	vperm.xlane v14, v12;
	_ =	sdelay $0x1  }
0x16e: {  	s25 =	sadd.s32 $0x10, s25;
	[tilespmem:s22+$0x7700] =	vst v12;
	s22 =	smov.u32 s21  }
0x16f: {  	s26 =	sadd.s32 $0xFFFFFFFF, s26;
	v12 =	vld [tilespmem:s25+$0x0]  }
.Ltmp15:
0x170: {  	_ = 	snop;
	(pc) =	sbr.rel .LBB2_22-.Ltmp15, $1  }
0x171: {  	_ =	sdelay $0x3  }
.LBB2_20:
.Ltmp16:
0x172: {  	(pc) =	sbr.rel .LBB2_22-.Ltmp16, $2  }
0x173: {  	_ =	sdelay $0x2  }
0x174: {  	s24 =	smov.u32 s20;
	s23 =	smov.u32 s19;
	s22 =	smov.u32 s21  }
.LBB2_24:
.Ltmp17:
0x175: {  	(pc) =	sbr.rel .LBB2_25-.Ltmp17, $4  }
0x176: {  	[tilespmem:$0x7900] =	vst v10  }
0x177: {  	[tilespmem:$0x7910] =	vst v9;
	v10 =	vimm.s32 $0x0;
	v9 =	vcvt.s32.f32 v9  }
0x178: {  	[tilespmem:$0x7920] =	vst v10  }
0x179: {  	s17 =	simm.s32 $0x0;
	s18 =	simm.s32 $0x0;
	[tilespmem:$0xA280] =	vst v9;
	v9 =	vimm.s32 $0x0  }
.LBB2_26:
0x17a: {  	s22 =	smov.u32 s17  }
0x17b: {  	s22 =	smov.u32 @p0 s17  }
.LBB2_29:
0x17c: {  	v11 =	vmov s18;
	s18 =	sadd.s32 $0x1, s18  }
0x17d: {  	p0 =	sne.s32 s18, $0x8  }
.Ltmp18:
0x17e: {  	_ = 	snop;
	(pc) =	sbr.rel @!p0 .LBB2_30-.Ltmp18, $3  }
0x17f: {  	_ =	sdelay $0x1  }
0x180: {  	s31 =	ssub.s32 s22, s17;
	vm11 =	veq.s32 v11, v0  }
0x181: {  	[tilespmem:s22+$0x7980] =	vst v8;
	v9 =	vsel vm11, s17, v9;
	v10 =	vsel vm11, s31, v10;
	s17 =	sadd.s32 $0x10, s22  }
.LBB2_25:
0x182: {  	v11 =	vld [tilespmem:s18+$0x7680]  }
0x183: {  	v12 =	vld [tilespmem:s18+$0x7681];
	_ =	sdelay $0x3  }
0x184: {  	(v2sf) =	vpush v11, $0x0  }
0x185: {  	(v2sf) =	vpush v12, $0x0;
	_ =	sdelay $0x2  }
0x186: {  	v13 =	vld [tilespmem:s18+$0x7910];
	_ =	sdelay $0x4  }
0x187: {  	(v2sf) =	vpush v13, $0x0;
	_ =	sdelay $0x5  }
0x188: {  	s19 =	spop (v2sf)  }
0x189: {  	s20 =	spop (v2sf);
	s21 =	sshra.s32 s19, $0x1F;
	s22 =	sand.u32 $0xF, s19  }
0x18a: {  	p0 =	slt.s32 s19, $0x1;
	s21 =	sshrl.u32 s21, $0x1C;
	p1 =	sne.s32 s22, $0x0  }
0x18b: {  	s20 =	sadd.s32 $0xF, s20;
	s22 =	simm.s32 $0x1;
	s19 =	sadd.s32 s21, s19  }
0x18c: {  	p0 =	por !p0, !p1;
	s28 =	sand.u32 $0xF, s20;
	s29 =	sshra.s32 s20, $0x1F  }
0x18d: {  	p6 =	slt.s32 s20, $0x1;
	s19 =	sshra.s32 s19, $0x4;
	p0 =	por !p0, !p0  }
0x18e: {  	p5 =	sne.s32 s28, $0x0;
	s23 =	sshrl.u32 s29, $0x1C;
	s22 =	simm.s32 @!p0 $0x0  }
0x18f: {  	s30 =	sadd.s32 s23, s20;
	p0 =	por !p6, !p5;
	s20 =	simm.s32 $0x1  }
0x190: {  	s21 =	ssub.s32 s19, s22;
	s19 =	sshra.s32 s30, $0x4;
	p0 =	por !p0, !p0  }
0x191: {  	s31 =	spop (v2sf);
	s19 =	ssub.s32 s19, s21;
	s20 =	simm.s32 @!p0 $0x0  }
0x192: {  	p0 =	slt.s32 s31, $0x1;
	s19 =	ssub.s32 s19, s20  }
0x193: {  	p1 =	slt.s32 @!p0 s19, $0x1  }
0x194: {  	p1 =	por p0, p1  }
.Ltmp19:
0x195: {  	_ = 	snop;
	(pc) =	sbr.rel @p1 .LBB2_26-.Ltmp19, $1  }
0x196: {  	_ =	sdelay $0x3  }
0x197: {  	s20 =	sshll.u32 s21, $0x6  }
0x198: {  	s20 =	sshra.s32 s20, $0x2  }
0x199: {  	s24 =	sadd.s32 $0x2780, s20  }
0x19a: {  	v13 =	vld [tilespmem:s24+$0x0];
	_ =	sdelay $0x1  }
0x19b: {  	v11 =	vbroadcast v11, $0x0;
	v12 =	vbroadcast v12, $0x0;
	s21 =	sshll.u32 s21, $0x4  }
0x19c: {  	v14 =	vor.u32 s21, v0  }
0x19d: {  	vm11 =	vge.s32 v14, v11;
	vm12 =	vlt.s32 v14, v12  }
0x19e: {  	vm11 =	vmand vm12, vm11;
	vm12 =	veq.s32 v13, $0x0  }
0x19f: {  	vm11 =	vmand vm11, vm12  }
0x1a0: {  	v13 =	vsel vm11, $0x1, v1  }
0x1a1: {  	v14 =	vperm.xlane v13, v2  }
0x1a2: {  	vm11 =	veq.s32 v0, $0x0  }
0x1a3: {  	v14 =	vsel vm11, $0x0, v14  }
0x1a4: {  	v13 =	vadd.s32 v13, v14  }
0x1a5: {  	v14 =	vperm.xlane v13, v3;
	_ =	sdelay $0x1  }
0x1a6: {  	v14 =	vsel vm8, $0x0, v14  }
0x1a7: {  	v13 =	vadd.s32 v14, v13  }
0x1a8: {  	v14 =	vperm.xlane v13, v4;
	_ =	sdelay $0x1  }
0x1a9: {  	v14 =	vsel vm9, $0x0, v14  }
0x1aa: {  	v13 =	vadd.s32 v14, v13  }
0x1ab: {  	v14 =	vperm.xlane v13, v5;
	_ =	sdelay $0x1  }
0x1ac: {  	v14 =	vsel vm10, $0x0, v14  }
0x1ad: {  	v13 =	vadd.s32 v14, v13  }
0x1ae: {  	v14 =	vperm.xlane v13, v6;
	_ =	sdelay $0x1  }
0x1af: {  	vm12 =	vlt.s32 v14, v7  }
0x1b0: {  	v14 =	vsel vm12, $0x8, v1  }
0x1b1: {  	v15 =	vor.u32 $0x3, v14  }
0x1b2: {  	(v2sf) =	vpush v13, $0xF;
	v15 =	vperm.xlane v13, v15;
	_ =	sdelay $0x1  }
0x1b3: {  	v16 =	vor.u32 $0x4, v14;
	vm12 =	vlt.s32 v15, v7  }
0x1b4: {  	v14 =	vsel vm12, v16, v14  }
0x1b5: {  	v15 =	vor.u32 $0x1, v14  }
0x1b6: {  	v15 =	vperm.xlane v13, v15;
	_ =	sdelay $0x1  }
0x1b7: {  	v16 =	vor.u32 $0x2, v14;
	vm12 =	vlt.s32 v15, v7  }
0x1b8: {  	v14 =	vsel vm12, v16, v14  }
0x1b9: {  	v15 =	vld [tilespmem:s20+$0x0];
	v13 =	vperm.xlane v13, v14;
	_ =	sdelay $0x1  }
0x1ba: {  	p0 =	sgt.s32 s19, $0x1;
	vm12 =	vlt.s32 v13, v7  }
.Ltmp20:
0x1bb: {  	v13 =	vsel vm12, $0x1, v1;
	(pc) =	sbr.rel @!p0 .LBB2_29-.Ltmp20, $4  }
0x1bc: {  	v13 =	vor.u32 v13, v14  }
0x1bd: {  	v13 =	vperm.xlane v15, v13  }
0x1be: {  	s22 =	spop (v2sf)  }
0x1bf: {  	s23 =	simm.s32 $0x1;
	s24 =	sadd.s32 $0x10, s24;
	s22 =	sadd.s32 s17, s22;
	[tilespmem:s17+$0x7980] =	vst v13  }
.LBB2_28:
0x1c0: {  	v13 =	vld [tilespmem:s24+$0x0];
	s23 =	sadd.s32 $0x1, s23;
	s25 =	smov.u32 s22  }
0x1c1: {  	p0 =	sgt.s32 s19, s23  }
0x1c2: {  	s21 =	sadd.s32 $0x10, s21  }
0x1c3: {  	v14 =	vor.u32 s21, v0  }
0x1c4: {  	vm12 =	vge.s32 v14, v11;
	vm13 =	vlt.s32 v14, v12  }
0x1c5: {  	vm12 =	vmand vm13, vm12;
	vm13 =	veq.s32 v13, $0x0  }
0x1c6: {  	vm12 =	vmand vm12, vm13  }
0x1c7: {  	v13 =	vsel vm12, $0x1, v1  }
0x1c8: {  	v14 =	vperm.xlane v13, v2;
	_ =	sdelay $0x1  }
0x1c9: {  	v14 =	vsel vm11, $0x0, v14  }
0x1ca: {  	v13 =	vadd.s32 v13, v14  }
0x1cb: {  	v14 =	vperm.xlane v13, v3;
	_ =	sdelay $0x1  }
0x1cc: {  	v14 =	vsel vm8, $0x0, v14  }
0x1cd: {  	v13 =	vadd.s32 v14, v13  }
0x1ce: {  	v14 =	vperm.xlane v13, v4;
	_ =	sdelay $0x1  }
0x1cf: {  	v14 =	vsel vm9, $0x0, v14  }
0x1d0: {  	v13 =	vadd.s32 v14, v13  }
0x1d1: {  	v14 =	vperm.xlane v13, v5;
	_ =	sdelay $0x1  }
0x1d2: {  	v14 =	vsel vm10, $0x0, v14  }
0x1d3: {  	v13 =	vadd.s32 v14, v13  }
0x1d4: {  	v14 =	vperm.xlane v13, v6;
	(v2sf) =	vpush v13, $0xF;
	_ =	sdelay $0x1  }
0x1d5: {  	vm12 =	vlt.s32 v14, v7  }
0x1d6: {  	v14 =	vsel vm12, $0x8, v1  }
0x1d7: {  	v15 =	vor.u32 $0x3, v14  }
0x1d8: {  	v15 =	vperm.xlane v13, v15;
	_ =	sdelay $0x1  }
0x1d9: {  	v16 =	vor.u32 $0x4, v14;
	vm12 =	vlt.s32 v15, v7  }
0x1da: {  	v14 =	vsel vm12, v16, v14  }
0x1db: {  	v15 =	vor.u32 $0x1, v14  }
0x1dc: {  	v15 =	vperm.xlane v13, v15;
	_ =	sdelay $0x1  }
0x1dd: {  	v16 =	vor.u32 $0x2, v14;
	vm12 =	vlt.s32 v15, v7  }
0x1de: {  	s20 =	sadd.s32 $0x10, s20;
	v14 =	vsel vm12, v16, v14  }
0x1df: {  	v13 =	vperm.xlane v13, v14;
	v15 =	vld [tilespmem:s20+$0x0]  }
0x1e0: {  	s26 =	spop (v2sf)  }
0x1e1: {  	vm12 =	vlt.s32 v13, v7;
	s22 =	sadd.s32 s22, s26  }
.Ltmp21:
0x1e2: {  	v13 =	vsel vm12, $0x1, v1;
	(pc) =	sbr.rel @p0 .LBB2_28-.Ltmp21, $3  }
0x1e3: {  	v13 =	vor.u32 v13, v14  }
0x1e4: {  	v13 =	vperm.xlane v15, v13;
	_ =	sdelay $0x1  }
0x1e5: {  	s24 =	sadd.s32 $0x10, s24;
	[tilespmem:s25+$0x7980] =	vst v13  }
.Ltmp22:
0x1e6: {  	_ = 	snop;
	(pc) =	sbr.rel .LBB2_29-.Ltmp22, $1  }
0x1e7: {  	_ =	sdelay $0x3  }
.LBB2_30:
.Ltmp23:
0x1e8: {  	(pc) =	sbr.rel .LBB2_31-.Ltmp23, $4  }
0x1e9: {  	_ = 	snop  }
0x1ea: {  	[tilespmem:$0xA180] =	vst v9  }
0x1eb: {  	[tilespmem:$0xA190] =	vst v10  }
0x1ec: {  	[tilespmem:$0xA1A0] =	vst v1;
	s17 =	simm.s32 $0x0  }
.LBB2_32:
0x1ed: {  	v44 =	vimm.f32 $0.0e+00  }
.LBB2_39:
0x1ee: {  	s18 =	sshll.u32 s17, $0x4;
	s17 =	sadd.s32 $0x1, s17  }
0x1ef: {  	p0 =	sne.s32 s17, $0x8  }
.Ltmp24:
0x1f0: {  	_ = 	snop;
	(pc) =	sbr.rel @!p0 .LBB2_40-.Ltmp24, $3  }
0x1f1: {  	_ =	sdelay $0x1  }
0x1f2: {  	s18 =	sand.u32 $0x3FFFFFF0, s18  }
0x1f3: {  	[tilespmem:s18+$0xA200] =	vst v44  }
.LBB2_31:
0x1f4: {  	v9 =	vld [tilespmem:s17+$0x7910];
	_ =	sdelay $0x4  }
0x1f5: {  	(v2sf) =	vpush v9, $0x0;
	_ =	sdelay $0xe  }
0x1f6: {  	s18 =	spop (v2sf)  }
0x1f7: {  	s18 =	sadd.s32 $0xF, s18  }
0x1f8: {  	s19 =	sand.u32 $0xF, s18  }
0x1f9: {  	s31 =	sshra.s32 s18, $0x1F;
	p1 =	slt.s32 s18, $0x1;
	p0 =	sne.s32 s19, $0x0  }
0x1fa: {  	s19 =	sshrl.u32 s31, $0x1C;
	p0 =	por !p1, !p0  }
0x1fb: {  	s18 =	sadd.s32 s19, s18;
	s19 =	simm.s32 $0x1;
	p0 =	por !p0, !p0  }
0x1fc: {  	s18 =	sshra.s32 s18, $0x4;
	s19 =	simm.s32 @!p0 $0x0  }
0x1fd: {  	s18 =	ssub.s32 s18, s19  }
0x1fe: {  	p0 =	slt.s32 s18, $0x1  }
.Ltmp25:
0x1ff: {  	_ = 	snop;
	(pc) =	sbr.rel @p0 .LBB2_32-.Ltmp25, $1  }
0x200: {  	_ =	sdelay $0x3  }
0x201: {  	s19 =	sor.u32 $0x10, s17  }
0x202: {  	v9 =	vld [tilespmem:s19+$0xA180];
	_ =	sdelay $0x4  }
0x203: {  	(v2sf) =	vpush v9, $0x0;
	_ =	sdelay $0x2  }
0x204: {  	v63 =	vld [tilespmem:s17+$0xA180]  }
0x205: {  	v10 =	vld [tilespmem:s17+$0x7900];
	_ =	sdelay $0x3  }
0x206: {  	(v2sf) =	vpush v63, $0x0  }
0x207: {  	(v2sf) =	vpush v10, $0x0;
	_ =	sdelay $0x5  }
0x208: {  	s26 =	spop (v2sf)  }
0x209: {  	s19 =	sadd.s32 $0xF, s26  }
0x20a: {  	s20 =	sand.u32 $0xF, s19  }
0x20b: {  	p0 =	slt.s32 s19, $0x1;
	s28 =	sshra.s32 s19, $0x1F;
	p1 =	sne.s32 s20, $0x0  }
0x20c: {  	s20 =	sshrl.u32 s28, $0x1C;
	p0 =	por !p0, !p1  }
0x20d: {  	s19 =	sadd.s32 s20, s19;
	s20 =	simm.s32 $0x1;
	p0 =	por !p0, !p0  }
0x20e: {  	s19 =	sshra.s32 s19, $0x4;
	s20 =	simm.s32 @!p0 $0x0  }
0x20f: {  	s20 =	ssub.s32 s19, s20  }
0x210: {  	s29 =	spop (v2sf);
	s19 =	sshrl.u32 s20, $0x1F  }
0x211: {  	s23 =	simm.s32 $0x1;
	s22 =	spop (v2sf);
	s19 =	sadd.s32 s19, s20  }
0x212: {  	s30 =	sadd.s32 $0x7700, s22;
	s24 =	sshll.u32 s20, $0x6;
	s21 =	sand.u32 $0xFFFFFFFE, s19  }
0x213: {  	p5 =	slt.s32 s20, $0x1;
	s31 =	sshra.s32 s24, $0x2;
	p6 =	sne.s32 s20, s21  }
.Ltmp26:
0x214: {  	s19 =	sshra.s32 s19, $0x1;
	p0 =	por !p5, !p6;
	(pc) =	sbr.rel .LBB2_34-.Ltmp26, $4  }
0x215: {  	s22 =	sadd.s32 s31, s29;
	s21 =	sshll.u32 s29, $0x2;
	p0 =	por !p0, !p0  }
0x216: {  	s20 =	sand.u32 $0x1, s20;
	s21 =	sshra.s32 s21, $0x2;
	s23 =	simm.s32 @!p0 $0x0  }
0x217: {  	v8 =	vmov s30;
	s21 =	sadd.s32 $0x7990, s21;
	p0 =	seq.s32 s20, $0x1;
	s19 =	ssub.s32 s19, s23  }
0x218: {  	v44 =	vimm.f32 $0.0e+00;
	[tilespmem:$0x1FFF0] =	vst v8;
	s20 =	sadd.s32 $0x7980, s22;
	s22 =	simm.s32 $0x0;
	p1 =	slt.s32 s19, $0x1  }
.LBB2_37:
0x219: {  	v8 =	vadd.f32 v41, v42;
	v41 =	vadd.f32 v53, v33  }
0x21a: {  	v42 =	vadd.f32 v48, v47;
	v33 =	vadd.f32 v51, v39  }
0x21b: {  	v9 =	vadd.f32 v50, v40;
	v39 =	vadd.f32 v45, v52;
	v10 =	vmax.f32 v38, $0.0e+00  }
0x21c: {  	v38 =	vadd.f32 v10, v44;
	v40 =	vadd.f32 v43, v8  }
0x21d: {  	v44 =	vld [tilespmem:$0x1FFE0];
	v43 =	vadd.f32 v49, v46;
	v34 =	vadd.f32 v34, v9  }
.LBB2_38:
0x21e: {  	v8 =	vld @p0 [tilespmem:s20+$0xFFFFFFF0];
	_ =	sdelay $0x4  }
0x21f: {  	v9 =	vadd.f32 @p0 v8, v24;
	v10 =	vadd.f32 @p0 v8, v25  }
0x220: {  	v11 =	vadd.f32 @p0 v8, v26;
	v24 =	vadd.f32 @p0 v8, v27  }
0x221: {  	v23 =	vadd.f32 @p0 v8, v23;
	v22 =	vadd.f32 @p0 v8, v22  }
0x222: {  	v20 =	vadd.f32 @p0 v8, v20;
	v21 =	vadd.f32 @p0 v8, v21  }
0x223: {  	v18 =	vadd.f32 @p0 v8, v18;
	v19 =	vadd.f32 @p0 v8, v19  }
0x224: {  	v16 =	vadd.f32 @p0 v8, v16;
	v17 =	vadd.f32 @p0 v8, v17  }
0x225: {  	v14 =	vadd.f32 @p0 v8, v14;
	v15 =	vadd.f32 @p0 v8, v15  }
0x226: {  	v12 =	vadd.f32 @p0 v8, v12;
	v8 =	vadd.f32 @p0 v8, v13  }
0x227: {  	v9 =	vmax.f32 @p0 v9, $0.0e+00;
	v10 =	vmax.f32 @p0 v10, $0.0e+00;
	v11 =	vmax.f32 @p0 v11, $0.0e+00  }
0x228: {  	v24 =	vmax.f32 @p0 v24, $0.0e+00;
	v23 =	vmax.f32 @p0 v23, $0.0e+00;
	v22 =	vmax.f32 @p0 v22, $0.0e+00  }
0x229: {  	v20 =	vmax.f32 @p0 v20, $0.0e+00;
	v21 =	vmax.f32 @p0 v21, $0.0e+00;
	v18 =	vmax.f32 @p0 v18, $0.0e+00  }
0x22a: {  	v13 =	vmax.f32 @p0 v19, $0.0e+00;
	v9 =	vadd.f32 @p0 v9, v28;
	v10 =	vadd.f32 @p0 v10, v29  }
0x22b: {  	v16 =	vmax.f32 @p0 v16, $0.0e+00;
	v11 =	vadd.f32 @p0 v11, v40;
	v19 =	vadd.f32 @p0 v24, v31  }
0x22c: {  	v17 =	vmax.f32 @p0 v17, $0.0e+00;
	v23 =	vadd.f32 @p0 v23, v37;
	v22 =	vadd.f32 @p0 v22, v39  }
0x22d: {  	v14 =	vmax.f32 @p0 v14, $0.0e+00;
	v20 =	vadd.f32 @p0 v20, v43;
	v21 =	vadd.f32 @p0 v21, v42  }
0x22e: {  	v15 =	vmax.f32 @p0 v15, $0.0e+00;
	v18 =	vadd.f32 @p0 v18, v35;
	v13 =	vadd.f32 @p0 v13, v32  }
0x22f: {  	v12 =	vmax.f32 @p0 v12, $0.0e+00;
	v16 =	vadd.f32 @p0 v16, v34;
	v17 =	vadd.f32 @p0 v17, v30  }
0x230: {  	v8 =	vmax.f32 @p0 v8, $0.0e+00;
	v14 =	vadd.f32 @p0 v14, v36;
	v15 =	vadd.f32 @p0 v15, v41  }
0x231: {  	v12 =	vadd.f32 @p0 v12, v38;
	v8 =	vadd.f32 @p0 v8, v33;
	v9 =	vpsel p0, v9, v28  }
0x232: {  	v10 =	vpsel p0, v10, v29;
	v11 =	vpsel p0, v11, v40;
	v19 =	vpsel p0, v19, v31  }
0x233: {  	v23 =	vpsel p0, v23, v37;
	v22 =	vpsel p0, v22, v39;
	v20 =	vpsel p0, v20, v43  }
0x234: {  	v21 =	vpsel p0, v21, v42;
	v18 =	vpsel p0, v18, v35;
	v13 =	vpsel p0, v13, v32  }
0x235: {  	v16 =	vpsel p0, v16, v34;
	v17 =	vpsel p0, v17, v30;
	v14 =	vpsel p0, v14, v36  }
0x236: {  	v15 =	vpsel p0, v15, v41;
	v9 =	vadd.f32 v10, v9;
	v58 =	vadd.f32 v19, v11  }
0x237: {  	v59 =	vpsel p0, v12, v38;
	v60 =	vadd.f32 v22, v23;
	v61 =	vadd.f32 v21, v20  }
0x238: {  	v8 =	vpsel p0, v8, v33;
	v13 =	vadd.f32 v13, v18;
	v16 =	vadd.f32 v17, v16  }
0x239: {  	v14 =	vadd.f32 v15, v14;
	v8 =	vadd.f32 v8, v59  }
0x23a: {  	v9 =	vadd.f32 v58, v9;
	v62 =	vadd.f32 v61, v60  }
0x23b: {  	s22 =	sadd.s32 $0x1, s22;
	v63 =	vadd.f32 v16, v13;
	v8 =	vadd.f32 v8, v14  }
0x23c: {  	p2 =	sne.s32 s22, s18  }
.Ltmp27:
0x23d: {  	v9 =	vadd.f32 v62, v9;
	v8 =	vadd.f32 v8, v63;
	(pc) =	sbr.rel @!p2 .LBB2_39-.Ltmp27, $3  }
0x23e: {  	_ = 	snop  }
0x23f: {  	v8 =	vadd.f32 v8, v9;
	_ =	sdelay $0x1  }
0x240: {  	v44 =	vadd.f32 v8, v44  }
.LBB2_34:
0x241: {  	v8 =	vld [tilespmem:$0x1FFF0];
	_ =	sdelay $0x5  }
0x242: {  	s23 =	sshll.u32 s22, $0x6  }
0x243: {  	s23 =	sshra.s32 s23, $0x2  }
0x244: {  	v12 =	vld.idx.msk [tilespmem:v8+s23+$0x0 ss:$0x1], $0xffff;
	_ =	sdelay $0x3  }
0x245: {  	v28 =	vimm.f32 $0.0e+00;
	v29 =	vimm.f32 $0.0e+00;
	v40 =	vimm.f32 $0.0e+00  }
0x246: {  	v31 =	vimm.f32 $0.0e+00;
	v37 =	vimm.f32 $0.0e+00;
	v13 =	vadd.f32 $0.0e+00, v12  }
0x247: {  	v39 =	vimm.f32 $0.0e+00;
	v43 =	vimm.f32 $0.0e+00;
	v42 =	vimm.f32 $0.0e+00  }
0x248: {  	v35 =	vimm.f32 $0.0e+00;
	v24 =	vbroadcast v13, $0x0;
	v25 =	vbroadcast v13, $0x1  }
0x249: {  	v32 =	vimm.f32 $0.0e+00;
	v26 =	vbroadcast v13, $0x2;
	v27 =	vbroadcast v13, $0x3  }
0x24a: {  	v34 =	vimm.f32 $0.0e+00;
	v23 =	vbroadcast v13, $0x4;
	v22 =	vbroadcast v13, $0x5  }
.Ltmp28:
0x24b: {  	v30 =	vimm.f32 $0.0e+00;
	v20 =	vbroadcast v13, $0x6;
	v21 =	vbroadcast v13, $0x7;
	(pc) =	sbr.rel @p1 .LBB2_38-.Ltmp28, $4  }
0x24c: {  	v36 =	vimm.f32 $0.0e+00;
	v18 =	vbroadcast v13, $0x8;
	v19 =	vbroadcast v13, $0x9  }
0x24d: {  	v41 =	vimm.f32 $0.0e+00;
	v16 =	vbroadcast v13, $0xA;
	v17 =	vbroadcast v13, $0xB  }
0x24e: {  	v38 =	vimm.f32 $0.0e+00;
	v14 =	vbroadcast v13, $0xC;
	v15 =	vbroadcast v13, $0xD  }
0x24f: {  	v33 =	vimm.f32 $0.0e+00;
	v12 =	vbroadcast v13, $0xE;
	v13 =	vbroadcast v13, $0xF  }
0x250: {  	v29 =	vld [tilespmem:s21+$0xFFFFFFF0];
	_ =	sdelay $0x3  }
0x251: {  	v32 =	vld [tilespmem:s21+$0x0]  }
0x252: {  	v28 =	vadd.f32 v29, v24;
	v30 =	vadd.f32 v29, v15  }
0x253: {  	v31 =	vadd.f32 v29, v26;
	v35 =	vadd.f32 v29, v13  }
0x254: {  	v34 =	vadd.f32 v29, v23;
	v36 =	vadd.f32 v29, v12  }
0x255: {  	v37 =	vadd.f32 v29, v20;
	v38 =	vadd.f32 v29, v14  }
0x256: {  	v40 =	vadd.f32 v29, v22;
	v58 =	vadd.f32 v32, v16  }
0x257: {  	v41 =	vadd.f32 v32, v19;
	v42 =	vadd.f32 v32, v14  }
0x258: {  	v43 =	vadd.f32 v29, v25;
	v59 =	vadd.f32 v29, v17  }
0x259: {  	v51 =	vadd.f32 v32, v13;
	v60 =	vadd.f32 v29, v21  }
0x25a: {  	v46 =	vadd.f32 v32, v18;
	v50 =	vadd.f32 v29, v16  }
0x25b: {  	v47 =	vadd.f32 v32, v26;
	v62 =	vadd.f32 v32, v25  }
0x25c: {  	v48 =	vadd.f32 v32, v21;
	v56 =	vadd.f32 v29, v19  }
0x25d: {  	v8 =	vimm.f32 $0.0e+00;
	v9 =	vadd.f32 v32, v22;
	v10 =	vadd.f32 v32, v17  }
0x25e: {  	v11 =	vadd.f32 v32, v20;
	v30 =	vmax.f32 v30, $0.0e+00;
	v28 =	vmax.f32 v28, $0.0e+00  }
0x25f: {  	v39 =	vmax.f32 v34, $0.0e+00;
	v37 =	vmax.f32 v37, $0.0e+00;
	v34 =	vmax.f32 v58, $0.0e+00  }
0x260: {  	v53 =	vmax.f32 v41, $0.0e+00;
	v45 =	vmax.f32 v59, $0.0e+00;
	v35 =	vmax.f32 v35, $0.0e+00  }
0x261: {  	v41 =	vmax.f32 v31, $0.0e+00;
	v31 =	vadd.f32 v32, v24;
	v61 =	vmax.f32 v43, $0.0e+00  }
0x262: {  	v55 =	vmax.f32 v62, $0.0e+00;
	v43 =	vmax.f32 v47, $0.0e+00;
	v40 =	vmax.f32 v40, $0.0e+00  }
0x263: {  	v63 =	vmax.f32 v60, $0.0e+00;
	v57 =	vmax.f32 v46, $0.0e+00;
	v36 =	vmax.f32 v36, $0.0e+00  }
0x264: {  	v58 =	vadd.f32 v32, v23;
	v46 =	vmax.f32 v10, $0.0e+00;
	v62 =	vadd.f32 v32, v15  }
0x265: {  	v48 =	vmax.f32 v48, $0.0e+00;
	v33 =	vadd.f32 v30, v8;
	v30 =	vadd.f32 v29, v18  }
0x266: {  	v56 =	vmax.f32 v56, $0.0e+00;
	v52 =	vadd.f32 v39, v8;
	v39 =	vadd.f32 v35, v8  }
0x267: {  	v50 =	vmax.f32 v50, $0.0e+00;
	v28 =	vadd.f32 v28, v8;
	v29 =	vadd.f32 v29, v27  }
0x268: {  	[tilespmem:$0x1FFE0] =	vst v44;
	v51 =	vmax.f32 v51, $0.0e+00;
	v44 =	vadd.f32 v36, v8;
	v47 =	vadd.f32 v63, v8  }
0x269: {  	v35 =	vadd.f32 v61, v8;
	v60 =	vadd.f32 v56, v8;
	v30 =	vmax.f32 v30, $0.0e+00  }
0x26a: {  	v63 =	vmax.f32 v42, $0.0e+00;
	v29 =	vmax.f32 v29, $0.0e+00;
	v49 =	vadd.f32 v30, v8  }
0x26b: {  	v30 =	vmax.f32 v38, $0.0e+00;
	v38 =	vadd.f32 v32, v12;
	v59 =	vadd.f32 v29, v8  }
0x26c: {  	v42 =	vimm.f32 $0.0e+00;
	v29 =	vadd.f32 v55, v35;
	v54 =	vadd.f32 v30, v8  }
0x26d: {  	p2 =	sne.s32 s19, $0x1;
	v30 =	vmax.f32 v31, $0.0e+00;
	v31 =	vadd.f32 v32, v27;
	v32 =	vadd.f32 v53, v60  }
.Ltmp29:
0x26e: {  	v61 =	vmax.f32 v58, $0.0e+00;
	v28 =	vadd.f32 v30, v28;
	v30 =	vadd.f32 v45, v8;
	(pc) =	sbr.rel @!p2 .LBB2_37-.Ltmp29, $4  }
0x26f: {  	v53 =	vmax.f32 v62, $0.0e+00;
	v45 =	vmax.f32 v9, $0.0e+00;
	v35 =	vadd.f32 v57, v49  }
0x270: {  	v31 =	vmax.f32 v31, $0.0e+00;
	v36 =	vadd.f32 v63, v54;
	v30 =	vadd.f32 v46, v30  }
0x271: {  	v49 =	vmax.f32 v11, $0.0e+00;
	v46 =	vadd.f32 v37, v8;
	v31 =	vadd.f32 v31, v59  }
0x272: {  	s23 =	sadd.s32 $0xFFFFFFFF, s19;
	s24 =	sadd.s32 $0x20, s21;
	v37 =	vadd.f32 v61, v52;
	v52 =	vadd.f32 v40, v8;
	v40 =	vimm.f32 $0.0e+00  }
.LBB2_36:
0x273: {  	v54 =	vld [tilespmem:s24+$0xFFFFFFF0];
	p2 =	sne.s32 s23, $0x1;
	s23 =	sadd.s32 $0xFFFFFFFF, s23;
	v41 =	vadd.f32 v41, v42;
	v33 =	vadd.f32 v53, v33  }
0x274: {  	v47 =	vadd.f32 v48, v47;
	v39 =	vadd.f32 v51, v39  }
0x275: {  	v40 =	vadd.f32 v50, v40;
	v52 =	vadd.f32 v45, v52;
	v38 =	vmax.f32 v38, $0.0e+00  }
0x276: {  	v44 =	vadd.f32 v38, v44;
	v42 =	vadd.f32 v43, v41;
	v53 =	vld [tilespmem:s24+$0x0]  }
0x277: {  	v46 =	vadd.f32 v49, v46;
	v40 =	vadd.f32 v34, v40  }
0x278: {  	v34 =	vadd.f32 v54, v24;
	v38 =	vadd.f32 v54, v15  }
0x279: {  	v41 =	vadd.f32 v54, v26;
	v43 =	vadd.f32 v54, v13  }
0x27a: {  	v45 =	vadd.f32 v54, v23;
	v48 =	vadd.f32 v54, v12;
	v38 =	vmax.f32 v38, $0.0e+00  }
0x27b: {  	v49 =	vmax.f32 v34, $0.0e+00;
	v34 =	vadd.f32 v54, v20;
	v33 =	vadd.f32 v38, v33  }
0x27c: {  	v50 =	vadd.f32 v54, v14;
	v38 =	vmax.f32 v45, $0.0e+00;
	v45 =	vadd.f32 v54, v18  }
0x27d: {  	v51 =	vadd.f32 v54, v22;
	v55 =	vmax.f32 v34, $0.0e+00;
	v34 =	vadd.f32 v53, v16  }
0x27e: {  	v56 =	vadd.f32 v53, v19;
	v57 =	vadd.f32 v53, v14;
	v45 =	vmax.f32 v45, $0.0e+00  }
0x27f: {  	v58 =	vadd.f32 v54, v25;
	v35 =	vadd.f32 v45, v35;
	v45 =	vmax.f32 v50, $0.0e+00  }
0x280: {  	v59 =	vadd.f32 v53, v13;
	v50 =	vadd.f32 v54, v17;
	v34 =	vmax.f32 v34, $0.0e+00  }
0x281: {  	v60 =	vadd.f32 v54, v21;
	v37 =	vadd.f32 v38, v37;
	v56 =	vmax.f32 v56, $0.0e+00  }
0x282: {  	v61 =	vadd.f32 v53, v18;
	v38 =	vadd.f32 v53, v12;
	v50 =	vmax.f32 v50, $0.0e+00  }
0x283: {  	v62 =	vadd.f32 v54, v16;
	v43 =	vmax.f32 v43, $0.0e+00;
	v63 =	vadd.f32 v53, v26  }
0x284: {  	v41 =	vmax.f32 v41, $0.0e+00;
	v39 =	vadd.f32 v43, v39;
	v43 =	vadd.f32 v53, v24  }
0x285: {  	v58 =	vmax.f32 v58, $0.0e+00;
	v36 =	vadd.f32 v45, v36;
	v45 =	vadd.f32 v53, v25  }
0x286: {  	v28 =	vadd.f32 v49, v28;
	v8 =	vadd.f32 v53, v27;
	v49 =	vmax.f32 v43, $0.0e+00  }
0x287: {  	v43 =	vmax.f32 v63, $0.0e+00;
	v63 =	vadd.f32 v53, v21;
	v11 =	vmax.f32 v45, $0.0e+00  }
0x288: {  	v10 =	vadd.f32 v54, v19;
	v8 =	vmax.f32 v8, $0.0e+00;
	v28 =	vadd.f32 v49, v28  }
0x289: {  	v9 =	vmax.f32 v51, $0.0e+00;
	v49 =	vmax.f32 v60, $0.0e+00;
	v30 =	vadd.f32 v50, v30  }
0x28a: {  	v51 =	vmax.f32 v61, $0.0e+00;
	v50 =	vadd.f32 v54, v27;
	v45 =	vadd.f32 v53, v22  }
0x28b: {  	v48 =	vmax.f32 v48, $0.0e+00;
	v60 =	vadd.f32 v53, v17;
	v54 =	vadd.f32 v53, v23  }
0x28c: {  	v44 =	vadd.f32 v48, v44;
	v48 =	vmax.f32 v63, $0.0e+00;
	v45 =	vmax.f32 v45, $0.0e+00  }
0x28d: {  	v47 =	vadd.f32 v49, v47;
	v49 =	vadd.f32 v53, v20;
	v60 =	vmax.f32 v60, $0.0e+00  }
0x28e: {  	v29 =	vadd.f32 v58, v29;
	v50 =	vmax.f32 v50, $0.0e+00;
	v30 =	vadd.f32 v60, v30  }
0x28f: {  	v10 =	vmax.f32 v10, $0.0e+00;
	v46 =	vadd.f32 v55, v46;
	v31 =	vadd.f32 v50, v31  }
.Ltmp30:
0x290: {  	v35 =	vadd.f32 v51, v35;
	v29 =	vadd.f32 v11, v29;
	v50 =	vmax.f32 v62, $0.0e+00;
	(pc) =	sbr.rel @p2 .LBB2_36-.Ltmp30, $4  }
0x291: {  	v10 =	vadd.f32 v10, v32;
	v51 =	vmax.f32 v59, $0.0e+00;
	v49 =	vmax.f32 v49, $0.0e+00  }
0x292: {  	v11 =	vadd.f32 v53, v15;
	v31 =	vadd.f32 v8, v31;
	v8 =	vmax.f32 v54, $0.0e+00  }
0x293: {  	v32 =	vadd.f32 v56, v10;
	v37 =	vadd.f32 v8, v37;
	v8 =	vmax.f32 v57, $0.0e+00  }
0x294: {  	s24 =	sadd.s32 $0x20, s24;
	v52 =	vadd.f32 v9, v52;
	v53 =	vmax.f32 v11, $0.0e+00;
	v36 =	vadd.f32 v8, v36  }
.Ltmp31:
0x295: {  	_ = 	snop;
	(pc) =	sbr.rel .LBB2_37-.Ltmp31, $1  }
0x296: {  	_ =	sdelay $0x3  }
.LBB2_41:
0x297: {  	_ =	sfence.sel $0x180000  }
0x298: {  	[bflag:$0x0] =	sbarrier.arrive $0xFFFF  }
0x299: {  	p0 =	sne.s32 s5, $0x0;
	_ =	strace $0x90000047  }
0x29a: {  	s0 =	sadd.s32 @!p0 $0x100000, s3;
	[bflag:$0x2] =	sbarrier.arrive $0xFFFF  }
0x29b: {  	[sflag:s0] =	ssyncadd.tile.s32 @!p0 $0x1;
	_ =	shalt  }
.Lfunc_end2:
_tile_overlayer_lowered:
.L_overlay_start_2:
0x29c: {  	(tag) =	ssettag $0x2  }
0x29d: {  	s0 =	rddreg [dreg:$0x0];
	s2 =	stileid.u32  }
0x29e: {  	s1 =	rddreg [dreg:$0x1];
	p0 =	sne.s32 s2, $0x0  }
0x29f: {  	s3 =	rddreg [dreg:$0x2];
	[bflag:$0x3] =	sbarrier.arrive $0xFFFF;
	s2 =	simm.s32 @!p0 $0x1C01  }
0x2a0: {  	[timem:s3], [sflag:s2] =	dma.local @!p0 [hbm:s0], s1  }
0x2a1: {  	s0 =	simm.s32 @!p0 $0x1  }
0x2a2: {  	_ =	swait.ge @!p0 [sflag:s0], s1  }
0x2a3: {  	s1 =	ssub.s32 @!p0 $0x0, s1;
	[sflag:s0] =	ssyncset.done @!p0 $0x0  }
0x2a4: {  	[sflag:s0] =	ssyncadd.s32 @!p0 s1  }
0x2a5: {  	[bflag:$0x3] =	sbarrier.arrive $0xFFFF  }
0x2a6: {  	_ =	shalt  }

</sc_bundles>
